<compile_context>
chip_gen: v7x
topology: tpu7x:2x2x1
jax: 0.10.2.dev20260603
libtpu: 0.0.44.dev20260713+nightly
codegen_flags: <defaults>
</compile_context>

<pallas_src>
import functools

import jax
import jax.numpy as jnp
from jax import lax
from jax.experimental import pallas as pl
from jax.experimental.pallas import tpu as pltpu
from jax.experimental.pallas import tpu_sc as plsc

_C0 = 0.28209479177387814
_C1 = 0.4886025119029199
_C2 = (1.0925484305920792, -1.0925484305920792, 0.31539156525252005,
       -1.0925484305920792, 0.5462742152960396)

_B = 1048576
_N = 256
_NC = 2
_NS = 16
_NW = _NC * _NS
_BPW = _B // _NW
_CH = 1024
_PB = _CH // 128
_PLANE = _N * _N
_XSTRIDE = 28 * _PLANE


def _sc_body(x0_h, x1_h, x2_h, d0_h, d1_h, d2_h, tab_hbm,
             c0_hbm, c1_hbm, c2_hbm, sig_hbm,
             x0_v, x1_v, x2_v, d0_v, d1_v, d2_v,
             idx_v, cad_v, cpid_v, rows_v, c0_v, c1_v, c2_v, sig_v, sem):
    wid = lax.axis_index("s") * _NC + lax.axis_index("c")
    lane = jnp.arange(16, dtype=jnp.int32)
    zero16 = jnp.zeros((16,), jnp.float32)

    def chunk(t, carry):
        base = (wid * (_BPW // _CH) + t) * _CH
        for src, dst in ((x0_h, x0_v), (x1_h, x1_v), (x2_h, x2_v),
                         (d0_h, d0_v), (d1_h, d1_v), (d2_h, d2_v)):
            pltpu.sync_copy(src.at[pl.ds(base, _CH)], dst)

        def prefill(g, c):
            cad_v[pl.ds(g * 16, 16)] = wid * 1024 + g * 16 + lane
            return c

        lax.fori_loop(0, _CH // 16, prefill, 0)

        def idx_group(g, off):
            sl = pl.ds(g * 16, 16)
            x0 = x0_v[sl]
            x1 = x1_v[sl]
            x2 = x2_v[sl]
            i0 = jnp.clip((x0 * 128.0 + 128.0).astype(jnp.int32), 0, _N - 1)
            i1 = jnp.clip((x1 * 128.0 + 128.0).astype(jnp.int32), 0, _N - 1)
            i2 = jnp.clip((x2 * 128.0 + 128.0).astype(jnp.int32), 0, _N - 1)
            addr = (i0 * _XSTRIDE
                    + ((i1 >> 3) << 11) + ((i2 >> 7) << 10)
                    + ((i1 & 7) << 7) + (i2 & 127))
            inside = ((jnp.abs(x0) < 1.0) & (jnp.abs(x1) < 1.0)
                      & (jnp.abs(x2) < 1.0))
            c0_v[sl] = zero16
            c1_v[sl] = zero16
            c2_v[sl] = zero16
            sig_v[sl] = zero16
            cum = plsc.cumsum(jnp.where(inside, 1, 0).astype(jnp.int32))
            pos = off + cum - 1
            plsc.store_scatter(cad_v, [pos], addr, mask=inside)
            plsc.store_scatter(cpid_v, [pos], g * 16 + lane, mask=inside)
            return off + jnp.max(cum)

        n_in = lax.fori_loop(0, _CH // 16, idx_group, jnp.int32(0))
        nblk = (n_in + 127) >> 7

        def build_block(b, c):
            def build_sub(s, c2):
                v = cad_v[pl.ds(b * 128 + s * 16, 16)]
                for ch in range(28):
                    idx_v.at[b * 28 + ch][pl.ds(s * 16, 16)] = v + ch * _PLANE
                return c2

            lax.fori_loop(0, 8, build_sub, 0)
            return c

        lax.fori_loop(0, nblk, build_block, 0)

        def fire(j, c):
            pltpu.async_copy(tab_hbm.at[idx_v.at[j]],
                             rows_v.at[pl.ds(j * 128, 128)], sem)
            return c

        lax.fori_loop(0, nblk * 28, fire, 0)

        def drain(j, c):
            pltpu.make_async_copy(tab_hbm.at[idx_v.at[0]],
                                  rows_v.at[pl.ds(0, 128)], sem).wait()
            return c

        lax.fori_loop(0, nblk * 28, drain, 0)

        def sh_group(g, c):
            valid = (g * 16 + lane) < n_in
            cpids = cpid_v[pl.ds(g * 16, 16)]
            d0 = plsc.load_gather(d0_v, [cpids], mask=valid)
            d1 = plsc.load_gather(d1_v, [cpids], mask=valid)
            d2 = plsc.load_gather(d2_v, [cpids], mask=valid)
            ss = jnp.maximum(d0 * d0 + d1 * d1 + d2 * d2, 1e-30)
            yi = jnp.int32(0x5F3759DF) - (plsc.bitcast(ss, jnp.int32) >> 1)
            y = plsc.bitcast(yi, jnp.float32)
            y = y * (1.5 - 0.5 * ss * y * y)
            y = y * (1.5 - 0.5 * ss * y * y)
            y = y * (1.5 - 0.5 * ss * y * y)
            inv = 1.0 / (ss * y + 1e-8)
            dx = d0 * inv
            dy = d1 * inv
            dz = d2 * inv
            basis = (_C0,
                     -_C1 * dy,
                     _C1 * dz,
                     -_C1 * dx,
                     _C2[0] * dx * dy,
                     _C2[1] * dy * dz,
                     _C2[2] * (2.0 * dz * dz - dx * dx - dy * dy),
                     _C2[3] * dx * dz,
                     _C2[4] * (dx * dx - dy * dy))
            blk = g >> 3
            w0 = (g & 7) * 16

            def tload(ch):
                return rows_v[pl.ds(blk * 3584 + ch * 128 + w0, 16)]

            plsc.store_scatter(sig_v, [cpids],
                               jnp.maximum(tload(0), 0.0), mask=valid)
            for ch, out_v in ((0, c0_v), (1, c1_v), (2, c2_v)):
                acc = tload(1 + 9 * ch) * basis[0]
                for j in range(1, 9):
                    acc = acc + tload(1 + 9 * ch + j) * basis[j]
                plsc.store_scatter(out_v, [cpids], acc, mask=valid)
            return c

        lax.fori_loop(0, (n_in + 15) >> 4, sh_group, 0)

        for src, dst in ((c0_v, c0_hbm), (c1_v, c1_hbm), (c2_v, c2_hbm),
                         (sig_v, sig_hbm)):
            pltpu.sync_copy(src, dst.at[pl.ds(base, _CH)])
        return carry

    lax.fori_loop(0, _BPW // _CH, chunk, 0)


@functools.partial(
    pl.kernel,
    mesh=plsc.VectorSubcoreMesh(core_axis_name="c", subcore_axis_name="s"),
    out_type=[jax.ShapeDtypeStruct((_B,), jnp.float32),
              jax.ShapeDtypeStruct((_B,), jnp.float32),
              jax.ShapeDtypeStruct((_B,), jnp.float32),
              jax.ShapeDtypeStruct((_B,), jnp.float32)],
    scratch_types=[
        pltpu.VMEM((_CH,), jnp.float32),
        pltpu.VMEM((_CH,), jnp.float32),
        pltpu.VMEM((_CH,), jnp.float32),
        pltpu.VMEM((_CH,), jnp.float32),
        pltpu.VMEM((_CH,), jnp.float32),
        pltpu.VMEM((_CH,), jnp.float32),
        pltpu.VMEM((_PB * 28, 128), jnp.int32),
        pltpu.VMEM((_CH,), jnp.int32),
        pltpu.VMEM((_CH,), jnp.int32),
        pltpu.VMEM((_PB * 28 * 128,), jnp.float32),
        pltpu.VMEM((_CH,), jnp.float32),
        pltpu.VMEM((_CH,), jnp.float32),
        pltpu.VMEM((_CH,), jnp.float32),
        pltpu.VMEM((_CH,), jnp.float32),
        pltpu.SemaphoreType.DMA,
    ],
    compiler_params=pltpu.CompilerParams(needs_layout_passes=False,
                                         use_tc_tiling_on_sc=False),
)
def _plenoxel_sc(*refs):
    _sc_body(*refs)


def kernel(x, d, voxel_grid):
    t = voxel_grid.transpose(0, 3, 1, 2)
    t = t.reshape(_N, 28, _N // 8, 8, 2, 128)
    t = t.transpose(0, 1, 2, 4, 3, 5)
    tab1d = t.reshape(-1)
    c0, c1, c2, sigma = _plenoxel_sc(x[:, 0], x[:, 1], x[:, 2],
                                     d[:, 0], d[:, 1], d[:, 2], tab1d)
    color = jnp.stack([c0, c1, c2], axis=1)
    return (color, sigma)

# --- scband reference (transcript-rebuilt; emitter-appended) ---
"""Pipeline reference for scband-plenoxel-model-9543417332050 (READ-ONLY COPY).

The authoritative reference and input builder live on the scoring server;
editing this copy changes nothing except your own understanding.
"""

import jax, jax.numpy as jnp
import numpy as np

C0 = 0.28209479177387814
C1 = 0.4886025119029199
C2 = (1.0925484305920792, -1.0925484305920792, 0.31539156525252005, -1.0925484305920792, 0.5462742152960396)


def eval_sphericals_function(k, d):
    # k: [M, 3, 9] SH coefficients (degree 2, 9 basis fns) per RGB channel
    # d: [M, 3] view directions
    dn = d / (jnp.linalg.norm(d, axis=-1, keepdims=True) + 1e-8)
    x = dn[:, 0]
    y = dn[:, 1]
    z = dn[:, 2]
    basis = jnp.stack([
        jnp.full_like(x, C0),
        -C1 * y,
        C1 * z,
        -C1 * x,
        C2[0] * x * y,
        C2[1] * y * z,
        C2[2] * (2.0 * z * z - x * x - y * y),
        C2[3] * x * z,
        C2[4] * (x * x - y * y),
    ], axis=-1)  # [M, 9]
    return jnp.sum(k * basis[:, None, :], axis=-1)  # [M, 3]


def setup_inputs(seed: int = 0) -> dict:
    key = jax.random.key(seed)
    k1, k2 = jax.random.split(key)
    B = 1048576
    N = 256
    x = jax.random.normal(k1, (B, 3), dtype=jnp.float32)
    d = jax.random.normal(k2, (B, 3), dtype=jnp.float32)
    # learned parameter: voxel grid initialized as torch.ones(...)/100
    voxel_grid = jnp.ones((N, N, N, 28), dtype=jnp.float32) / 100.0
    return {"x": x, "d": d, "voxel_grid": voxel_grid}


def reference(x, d, voxel_grid):
    N = voxel_grid.shape[0]
    scale = 1.0
    mask = (jnp.abs(x[:, 0]) < scale) & (jnp.abs(x[:, 1]) < scale) & (jnp.abs(x[:, 2]) < scale)
    # torch .long() truncates toward zero; astype(int32) matches for these magnitudes
    idx = jnp.clip((x / (2.0 * scale / N) + N / 2.0).astype(jnp.int32), 0, N - 1)
    tmp = voxel_grid[idx[:, 0], idx[:, 1], idx[:, 2]]  # gather [B, 28]
    sigma = jnp.where(mask, jax.nn.relu(tmp[:, 0]), 0.0)
    k = tmp[:, 1:].reshape(-1, 3, 9)
    col = eval_sphericals_function(k, d)
    color = jnp.where(mask[:, None], col, 0.0)
    return (color, sigma)

if __name__ == "__main__":
    import jax
    _d = setup_inputs()
    print(jax.jit(kernel)(*tuple(_d.values())))

</pallas_src>

<mosaic_0001>
#map = affine_map<(d0, d1) -> (0)>
module attributes {stable_mosaic.version = 14 : i64} {
  func.func @_plenoxel_sc(%arg0: i32, %arg1: i32, %arg2: memref<1048576xf32, #tpu.memory_space<hbm>>, %arg3: memref<1048576xf32, #tpu.memory_space<hbm>>, %arg4: memref<1048576xf32, #tpu.memory_space<hbm>>, %arg5: memref<1048576xf32, #tpu.memory_space<hbm>>, %arg6: memref<1048576xf32, #tpu.memory_space<hbm>>, %arg7: memref<1048576xf32, #tpu.memory_space<hbm>>, %arg8: memref<469762048xf32, #tpu.memory_space<hbm>>, %arg9: memref<1048576xf32, #tpu.memory_space<hbm>>, %arg10: memref<1048576xf32, #tpu.memory_space<hbm>>, %arg11: memref<1048576xf32, #tpu.memory_space<hbm>>, %arg12: memref<1048576xf32, #tpu.memory_space<hbm>>, %arg13: memref<1024xf32, #tpu.memory_space<vmem>>, %arg14: memref<1024xf32, #tpu.memory_space<vmem>>, %arg15: memref<1024xf32, #tpu.memory_space<vmem>>, %arg16: memref<1024xf32, #tpu.memory_space<vmem>>, %arg17: memref<1024xf32, #tpu.memory_space<vmem>>, %arg18: memref<1024xf32, #tpu.memory_space<vmem>>, %arg19: memref<224x128xi32, #tpu.memory_space<vmem>>, %arg20: memref<1024xi32, #tpu.memory_space<vmem>>, %arg21: memref<1024xi32, #tpu.memory_space<vmem>>, %arg22: memref<28672xf32, #tpu.memory_space<vmem>>, %arg23: memref<1024xf32, #tpu.memory_space<vmem>>, %arg24: memref<1024xf32, #tpu.memory_space<vmem>>, %arg25: memref<1024xf32, #tpu.memory_space<vmem>>, %arg26: memref<1024xf32, #tpu.memory_space<vmem>>, %arg27: memref<!tpu.dma_semaphore, #tpu.memory_space<semaphore_mem>>) attributes {dimension_semantics = [#tpu.dimension_semantics<core_parallel>, #tpu.dimension_semantics<subcore_parallel>], iteration_bounds = array<i64: 2, 16>, scalar_prefetch = 0 : i64, scratch_operands = 15 : i64, tpu.core_type = #tpu.core_type<sc_vector_subcore>, window_params = [{transform_indices = #map}, {transform_indices = #map}, {transform_indices = #map}, {transform_indices = #map}, {transform_indices = #map}, {transform_indices = #map}, {transform_indices = #map}, {transform_indices = #map}, {transform_indices = #map}, {transform_indices = #map}, {transform_indices = #map}]} {
    %mul3A = arith.constant 2 : i32
    %mul3A_0 = arith.muli %arg1, %mul3A : i32
    %add3A = arith.addi %mul3A_0, %arg0 : i32
    %iota3A = tpu.iota {dimensions = array<i32: 0>} : vector<16xi32>
    %broadcast_in_dim3A = arith.constant 0.000000e+00 : f32
    %broadcast_in_dim3A_1 = vector.broadcast %broadcast_in_dim3A : f32 to vector<16xf32>
    %scan3A = arith.constant 0 : i32
    %scan3A_2 = arith.constant 0 : i32
    %scan3A_3 = arith.constant 32 : i32
    %scan3A_4 = arith.addi %scan3A_2, %scan3A_3 : i32
    %scan3A_5 = arith.constant 1 : i32
    scf.for %scan3A_7 = %scan3A_2 to %scan3A_4 step %scan3A_5  : i32 {
      %mul3A_8 = arith.constant 32 : i32
      %mul3A_9 = arith.muli %add3A, %mul3A_8 : i32
      %add3A_10 = arith.addi %mul3A_9, %scan3A_7 : i32
      %mul3A_11 = arith.constant 1024 : i32
      %mul3A_12 = arith.muli %add3A_10, %mul3A_11 : i32
      "tpu.region"() ({
        %run_scoped3A = tpu.sem_alloc : memref<!tpu.dma_semaphore, #tpu.memory_space<semaphore_mem>>
        %dma_start3A = tpu.memref_slice %arg2[%mul3A_12] : memref<1048576xf32, #tpu.memory_space<hbm>> -> memref<1024xf32, #tpu.memory_space<hbm>>
        %dma_start3A_76 = tpu.memref_slice %arg2[%mul3A_12] : memref<1048576xf32, #tpu.memory_space<hbm>> -> memref<1024xf32, #tpu.memory_space<hbm>>
        tpu.enqueue_dma source(%dma_start3A_76 : memref<1024xf32, #tpu.memory_space<hbm>>) target(%arg13 : memref<1024xf32, #tpu.memory_space<vmem>>) target_semaphore(%run_scoped3A : memref<!tpu.dma_semaphore, #tpu.memory_space<semaphore_mem>>)
        %dma_wait3A = tpu.memref_slice %arg2[%mul3A_12] : memref<1048576xf32, #tpu.memory_space<hbm>> -> memref<1024xf32, #tpu.memory_space<hbm>>
        %dma_wait3A_77 = tpu.memref_slice %arg2[%mul3A_12] : memref<1048576xf32, #tpu.memory_space<hbm>> -> memref<1024xf32, #tpu.memory_space<hbm>>
        tpu.wait_dma2 semaphore(%run_scoped3A : memref<!tpu.dma_semaphore, #tpu.memory_space<semaphore_mem>>) src(%dma_wait3A_77 : memref<1024xf32, #tpu.memory_space<hbm>>) dst(%arg13 : memref<1024xf32, #tpu.memory_space<vmem>>)
        tpu.yield
      }) : () -> ()
      "tpu.region"() ({
        %run_scoped3A = tpu.sem_alloc : memref<!tpu.dma_semaphore, #tpu.memory_space<semaphore_mem>>
        %dma_start3A = tpu.memref_slice %arg3[%mul3A_12] : memref<1048576xf32, #tpu.memory_space<hbm>> -> memref<1024xf32, #tpu.memory_space<hbm>>
        %dma_start3A_76 = tpu.memref_slice %arg3[%mul3A_12] : memref<1048576xf32, #tpu.memory_space<hbm>> -> memref<1024xf32, #tpu.memory_space<hbm>>
        tpu.enqueue_dma source(%dma_start3A_76 : memref<1024xf32, #tpu.memory_space<hbm>>) target(%arg14 : memref<1024xf32, #tpu.memory_space<vmem>>) target_semaphore(%run_scoped3A : memref<!tpu.dma_semaphore, #tpu.memory_space<semaphore_mem>>)
        %dma_wait3A = tpu.memref_slice %arg3[%mul3A_12] : memref<1048576xf32, #tpu.memory_space<hbm>> -> memref<1024xf32, #tpu.memory_space<hbm>>
        %dma_wait3A_77 = tpu.memref_slice %arg3[%mul3A_12] : memref<1048576xf32, #tpu.memory_space<hbm>> -> memref<1024xf32, #tpu.memory_space<hbm>>
        tpu.wait_dma2 semaphore(%run_scoped3A : memref<!tpu.dma_semaphore, #tpu.memory_space<semaphore_mem>>) src(%dma_wait3A_77 : memref<1024xf32, #tpu.memory_space<hbm>>) dst(%arg14 : memref<1024xf32, #tpu.memory_space<vmem>>)
        tpu.yield
      }) : () -> ()
      "tpu.region"() ({
        %run_scoped3A = tpu.sem_alloc : memref<!tpu.dma_semaphore, #tpu.memory_space<semaphore_mem>>
        %dma_start3A = tpu.memref_slice %arg4[%mul3A_12] : memref<1048576xf32, #tpu.memory_space<hbm>> -> memref<1024xf32, #tpu.memory_space<hbm>>
        %dma_start3A_76 = tpu.memref_slice %arg4[%mul3A_12] : memref<1048576xf32, #tpu.memory_space<hbm>> -> memref<1024xf32, #tpu.memory_space<hbm>>
        tpu.enqueue_dma source(%dma_start3A_76 : memref<1024xf32, #tpu.memory_space<hbm>>) target(%arg15 : memref<1024xf32, #tpu.memory_space<vmem>>) target_semaphore(%run_scoped3A : memref<!tpu.dma_semaphore, #tpu.memory_space<semaphore_mem>>)
        %dma_wait3A = tpu.memref_slice %arg4[%mul3A_12] : memref<1048576xf32, #tpu.memory_space<hbm>> -> memref<1024xf32, #tpu.memory_space<hbm>>
        %dma_wait3A_77 = tpu.memref_slice %arg4[%mul3A_12] : memref<1048576xf32, #tpu.memory_space<hbm>> -> memref<1024xf32, #tpu.memory_space<hbm>>
        tpu.wait_dma2 semaphore(%run_scoped3A : memref<!tpu.dma_semaphore, #tpu.memory_space<semaphore_mem>>) src(%dma_wait3A_77 : memref<1024xf32, #tpu.memory_space<hbm>>) dst(%arg15 : memref<1024xf32, #tpu.memory_space<vmem>>)
        tpu.yield
      }) : () -> ()
      "tpu.region"() ({
        %run_scoped3A = tpu.sem_alloc : memref<!tpu.dma_semaphore, #tpu.memory_space<semaphore_mem>>
        %dma_start3A = tpu.memref_slice %arg5[%mul3A_12] : memref<1048576xf32, #tpu.memory_space<hbm>> -> memref<1024xf32, #tpu.memory_space<hbm>>
        %dma_start3A_76 = tpu.memref_slice %arg5[%mul3A_12] : memref<1048576xf32, #tpu.memory_space<hbm>> -> memref<1024xf32, #tpu.memory_space<hbm>>
        tpu.enqueue_dma source(%dma_start3A_76 : memref<1024xf32, #tpu.memory_space<hbm>>) target(%arg16 : memref<1024xf32, #tpu.memory_space<vmem>>) target_semaphore(%run_scoped3A : memref<!tpu.dma_semaphore, #tpu.memory_space<semaphore_mem>>)
        %dma_wait3A = tpu.memref_slice %arg5[%mul3A_12] : memref<1048576xf32, #tpu.memory_space<hbm>> -> memref<1024xf32, #tpu.memory_space<hbm>>
        %dma_wait3A_77 = tpu.memref_slice %arg5[%mul3A_12] : memref<1048576xf32, #tpu.memory_space<hbm>> -> memref<1024xf32, #tpu.memory_space<hbm>>
        tpu.wait_dma2 semaphore(%run_scoped3A : memref<!tpu.dma_semaphore, #tpu.memory_space<semaphore_mem>>) src(%dma_wait3A_77 : memref<1024xf32, #tpu.memory_space<hbm>>) dst(%arg16 : memref<1024xf32, #tpu.memory_space<vmem>>)
        tpu.yield
      }) : () -> ()
      "tpu.region"() ({
        %run_scoped3A = tpu.sem_alloc : memref<!tpu.dma_semaphore, #tpu.memory_space<semaphore_mem>>
        %dma_start3A = tpu.memref_slice %arg6[%mul3A_12] : memref<1048576xf32, #tpu.memory_space<hbm>> -> memref<1024xf32, #tpu.memory_space<hbm>>
        %dma_start3A_76 = tpu.memref_slice %arg6[%mul3A_12] : memref<1048576xf32, #tpu.memory_space<hbm>> -> memref<1024xf32, #tpu.memory_space<hbm>>
        tpu.enqueue_dma source(%dma_start3A_76 : memref<1024xf32, #tpu.memory_space<hbm>>) target(%arg17 : memref<1024xf32, #tpu.memory_space<vmem>>) target_semaphore(%run_scoped3A : memref<!tpu.dma_semaphore, #tpu.memory_space<semaphore_mem>>)
        %dma_wait3A = tpu.memref_slice %arg6[%mul3A_12] : memref<1048576xf32, #tpu.memory_space<hbm>> -> memref<1024xf32, #tpu.memory_space<hbm>>
        %dma_wait3A_77 = tpu.memref_slice %arg6[%mul3A_12] : memref<1048576xf32, #tpu.memory_space<hbm>> -> memref<1024xf32, #tpu.memory_space<hbm>>
        tpu.wait_dma2 semaphore(%run_scoped3A : memref<!tpu.dma_semaphore, #tpu.memory_space<semaphore_mem>>) src(%dma_wait3A_77 : memref<1024xf32, #tpu.memory_space<hbm>>) dst(%arg17 : memref<1024xf32, #tpu.memory_space<vmem>>)
        tpu.yield
      }) : () -> ()
      "tpu.region"() ({
        %run_scoped3A = tpu.sem_alloc : memref<!tpu.dma_semaphore, #tpu.memory_space<semaphore_mem>>
        %dma_start3A = tpu.memref_slice %arg7[%mul3A_12] : memref<1048576xf32, #tpu.memory_space<hbm>> -> memref<1024xf32, #tpu.memory_space<hbm>>
        %dma_start3A_76 = tpu.memref_slice %arg7[%mul3A_12] : memref<1048576xf32, #tpu.memory_space<hbm>> -> memref<1024xf32, #tpu.memory_space<hbm>>
        tpu.enqueue_dma source(%dma_start3A_76 : memref<1024xf32, #tpu.memory_space<hbm>>) target(%arg18 : memref<1024xf32, #tpu.memory_space<vmem>>) target_semaphore(%run_scoped3A : memref<!tpu.dma_semaphore, #tpu.memory_space<semaphore_mem>>)
        %dma_wait3A = tpu.memref_slice %arg7[%mul3A_12] : memref<1048576xf32, #tpu.memory_space<hbm>> -> memref<1024xf32, #tpu.memory_space<hbm>>
        %dma_wait3A_77 = tpu.memref_slice %arg7[%mul3A_12] : memref<1048576xf32, #tpu.memory_space<hbm>> -> memref<1024xf32, #tpu.memory_space<hbm>>
        tpu.wait_dma2 semaphore(%run_scoped3A : memref<!tpu.dma_semaphore, #tpu.memory_space<semaphore_mem>>) src(%dma_wait3A_77 : memref<1024xf32, #tpu.memory_space<hbm>>) dst(%arg18 : memref<1024xf32, #tpu.memory_space<vmem>>)
        tpu.yield
      }) : () -> ()
      %scan3A_13 = arith.constant 0 : i32
      %scan3A_14 = arith.constant 0 : i32
      %scan3A_15 = arith.constant 64 : i32
      %scan3A_16 = arith.addi %scan3A_14, %scan3A_15 : i32
      %scan3A_17 = arith.constant 1 : i32
      scf.for %scan3A_76 = %scan3A_14 to %scan3A_16 step %scan3A_17  : i32 {
        %mul3A_77 = arith.constant 1024 : i32
        %mul3A_78 = arith.muli %add3A, %mul3A_77 : i32
        %mul3A_79 = arith.constant 16 : i32
        %mul3A_80 = arith.muli %scan3A_76, %mul3A_79 : i32
        %add3A_81 = arith.addi %mul3A_78, %mul3A_80 : i32
        %add3A_82 = vector.broadcast %add3A_81 : i32 to vector<16xi32>
        %add3A_83 = arith.addi %add3A_82, %iota3A : vector<16xi32>
        %mul3A_84 = arith.constant 16 : i32
        %mul3A_85 = arith.muli %scan3A_76, %mul3A_84 : i32
        %swap3A = arith.index_cast %mul3A_85 : i32 to index
        %swap3A_86 = tpu.vector_load %arg20[%swap3A] {strides = array<i32>} : memref<1024xi32, #tpu.memory_space<vmem>>, vector<16xi32>,
        tpu.vector_store %arg20[%swap3A], %add3A_83 {strides = array<i32>} : memref<1024xi32, #tpu.memory_space<vmem>>, vector<16xi32>,
      }
      %scan3A_18 = arith.constant 64 : i32
      %scan3A_19 = arith.constant 0 : i32
      %scan3A_20 = arith.constant 0 : i32
      %scan3A_21 = arith.constant 64 : i32
      %scan3A_22 = arith.addi %scan3A_20, %scan3A_21 : i32
      %scan3A_23 = arith.constant 1 : i32
      %scan3A_24 = scf.for %scan3A_76 = %scan3A_20 to %scan3A_22 step %scan3A_23 iter_args(%scan3A_77 = %scan3A_19) -> (i32)  : i32 {
        %mul3A_78 = arith.constant 16 : i32
        %mul3A_79 = arith.muli %scan3A_76, %mul3A_78 : i32
        %get3A = arith.index_cast %mul3A_79 : i32 to index
        %get3A_80 = tpu.vector_load %arg13[%get3A] {strides = array<i32>} : memref<1024xf32, #tpu.memory_space<vmem>>, vector<16xf32>,
        %get3A_81 = arith.index_cast %mul3A_79 : i32 to index
        %get3A_82 = tpu.vector_load %arg14[%get3A_81] {strides = array<i32>} : memref<1024xf32, #tpu.memory_space<vmem>>, vector<16xf32>,
        %get3A_83 = arith.index_cast %mul3A_79 : i32 to index
        %get3A_84 = tpu.vector_load %arg15[%get3A_83] {strides = array<i32>} : memref<1024xf32, #tpu.memory_space<vmem>>, vector<16xf32>,
        %mul3A_85 = arith.constant 1.280000e+02 : f32
        %mul3A_86 = vector.broadcast %mul3A_85 : f32 to vector<16xf32>
        %mul3A_87 = arith.mulf %get3A_80, %mul3A_86 : vector<16xf32>
        %add3A_88 = arith.constant 1.280000e+02 : f32
        %add3A_89 = vector.broadcast %add3A_88 : f32 to vector<16xf32>
        %add3A_90 = arith.addf %mul3A_87, %add3A_89 : vector<16xf32>
        %convert_element_type3A = arith.fptosi %add3A_90 : vector<16xf32> to vector<16xi32>
        %jit3A = arith.constant 0 : i32
        %jit3A_91 = arith.constant 255 : i32
        %max3A = vector.broadcast %jit3A : i32 to vector<16xi32>
        %max3A_92 = arith.maxsi %max3A, %convert_element_type3A : vector<16xi32>
        %min3A = vector.broadcast %jit3A_91 : i32 to vector<16xi32>
        %min3A_93 = arith.minsi %min3A, %max3A_92 : vector<16xi32>
        %mul3A_94 = arith.constant 1.280000e+02 : f32
        %mul3A_95 = vector.broadcast %mul3A_94 : f32 to vector<16xf32>
        %mul3A_96 = arith.mulf %get3A_82, %mul3A_95 : vector<16xf32>
        %add3A_97 = arith.constant 1.280000e+02 : f32
        %add3A_98 = vector.broadcast %add3A_97 : f32 to vector<16xf32>
        %add3A_99 = arith.addf %mul3A_96, %add3A_98 : vector<16xf32>
        %convert_element_type3A_100 = arith.fptosi %add3A_99 : vector<16xf32> to vector<16xi32>
        %jit3A_101 = arith.constant 0 : i32
        %jit3A_102 = arith.constant 255 : i32
        %max3A_103 = vector.broadcast %jit3A_101 : i32 to vector<16xi32>
        %max3A_104 = arith.maxsi %max3A_103, %convert_element_type3A_100 : vector<16xi32>
        %min3A_105 = vector.broadcast %jit3A_102 : i32 to vector<16xi32>
        %min3A_106 = arith.minsi %min3A_105, %max3A_104 : vector<16xi32>
        %mul3A_107 = arith.constant 1.280000e+02 : f32
        %mul3A_108 = vector.broadcast %mul3A_107 : f32 to vector<16xf32>
        %mul3A_109 = arith.mulf %get3A_84, %mul3A_108 : vector<16xf32>
        %add3A_110 = arith.constant 1.280000e+02 : f32
        %add3A_111 = vector.broadcast %add3A_110 : f32 to vector<16xf32>
        %add3A_112 = arith.addf %mul3A_109, %add3A_111 : vector<16xf32>
        %convert_element_type3A_113 = arith.fptosi %add3A_112 : vector<16xf32> to vector<16xi32>
        %jit3A_114 = arith.constant 0 : i32
        %jit3A_115 = arith.constant 255 : i32
        %max3A_116 = vector.broadcast %jit3A_114 : i32 to vector<16xi32>
        %max3A_117 = arith.maxsi %max3A_116, %convert_element_type3A_113 : vector<16xi32>
        %min3A_118 = vector.broadcast %jit3A_115 : i32 to vector<16xi32>
        %min3A_119 = arith.minsi %min3A_118, %max3A_117 : vector<16xi32>
        %mul3A_120 = arith.constant 1835008 : i32
        %mul3A_121 = vector.broadcast %mul3A_120 : i32 to vector<16xi32>
        %mul3A_122 = arith.muli %min3A_93, %mul3A_121 : vector<16xi32>
        %shift_right_arithmetic3A_123 = arith.constant 3 : i32
        %shift_right_arithmetic3A_124 = vector.broadcast %shift_right_arithmetic3A_123 : i32 to vector<16xi32>
        %shift_right_arithmetic3A_125 = arith.shrsi %min3A_106, %shift_right_arithmetic3A_124 : vector<16xi32>
        %shift_left3A = arith.constant 11 : i32
        %shift_left3A_126 = vector.broadcast %shift_left3A : i32 to vector<16xi32>
        %shift_left3A_127 = arith.shli %shift_right_arithmetic3A_125, %shift_left3A_126 : vector<16xi32>
        %add3A_128 = arith.addi %mul3A_122, %shift_left3A_127 : vector<16xi32>
        %shift_right_arithmetic3A_129 = arith.constant 7 : i32
        %shift_right_arithmetic3A_130 = vector.broadcast %shift_right_arithmetic3A_129 : i32 to vector<16xi32>
        %shift_right_arithmetic3A_131 = arith.shrsi %min3A_119, %shift_right_arithmetic3A_130 : vector<16xi32>
        %shift_left3A_132 = arith.constant 10 : i32
        %shift_left3A_133 = vector.broadcast %shift_left3A_132 : i32 to vector<16xi32>
        %shift_left3A_134 = arith.shli %shift_right_arithmetic3A_131, %shift_left3A_133 : vector<16xi32>
        %add3A_135 = arith.addi %add3A_128, %shift_left3A_134 : vector<16xi32>
        %and3A = arith.constant 7 : i32
        %and3A_136 = vector.broadcast %and3A : i32 to vector<16xi32>
        %and3A_137 = arith.andi %min3A_106, %and3A_136 : vector<16xi32>
        %shift_left3A_138 = arith.constant 7 : i32
        %shift_left3A_139 = vector.broadcast %shift_left3A_138 : i32 to vector<16xi32>
        %shift_left3A_140 = arith.shli %and3A_137, %shift_left3A_139 : vector<16xi32>
        %add3A_141 = arith.addi %add3A_135, %shift_left3A_140 : vector<16xi32>
        %and3A_142 = arith.constant 127 : i32
        %and3A_143 = vector.broadcast %and3A_142 : i32 to vector<16xi32>
        %and3A_144 = arith.andi %min3A_119, %and3A_143 : vector<16xi32>
        %add3A_145 = arith.addi %add3A_141, %and3A_144 : vector<16xi32>
        %abs3A = math.absf %get3A_80 : vector<16xf32>
        %lt3A = arith.constant 1.000000e+00 : f32
        %lt3A_146 = vector.broadcast %lt3A : f32 to vector<16xf32>
        %lt3A_147 = arith.cmpf olt, %abs3A, %lt3A_146 : vector<16xf32>
        %abs3A_148 = math.absf %get3A_82 : vector<16xf32>
        %lt3A_149 = arith.constant 1.000000e+00 : f32
        %lt3A_150 = vector.broadcast %lt3A_149 : f32 to vector<16xf32>
        %lt3A_151 = arith.cmpf olt, %abs3A_148, %lt3A_150 : vector<16xf32>
        %and3A_152 = arith.andi %lt3A_147, %lt3A_151 : vector<16xi1>
        %abs3A_153 = math.absf %get3A_84 : vector<16xf32>
        %lt3A_154 = arith.constant 1.000000e+00 : f32
        %lt3A_155 = vector.broadcast %lt3A_154 : f32 to vector<16xf32>
        %lt3A_156 = arith.cmpf olt, %abs3A_153, %lt3A_155 : vector<16xf32>
        %and3A_157 = arith.andi %and3A_152, %lt3A_156 : vector<16xi1>
        %swap3A = arith.index_cast %mul3A_79 : i32 to index
        %swap3A_158 = tpu.vector_load %arg23[%swap3A] {strides = array<i32>} : memref<1024xf32, #tpu.memory_space<vmem>>, vector<16xf32>,
        tpu.vector_store %arg23[%swap3A], %broadcast_in_dim3A_1 {strides = array<i32>} : memref<1024xf32, #tpu.memory_space<vmem>>, vector<16xf32>,
        %swap3A_159 = arith.index_cast %mul3A_79 : i32 to index
        %swap3A_160 = tpu.vector_load %arg24[%swap3A_159] {strides = array<i32>} : memref<1024xf32, #tpu.memory_space<vmem>>, vector<16xf32>,
        tpu.vector_store %arg24[%swap3A_159], %broadcast_in_dim3A_1 {strides = array<i32>} : memref<1024xf32, #tpu.memory_space<vmem>>, vector<16xf32>,
        %swap3A_161 = arith.index_cast %mul3A_79 : i32 to index
        %swap3A_162 = tpu.vector_load %arg25[%swap3A_161] {strides = array<i32>} : memref<1024xf32, #tpu.memory_space<vmem>>, vector<16xf32>,
        tpu.vector_store %arg25[%swap3A_161], %broadcast_in_dim3A_1 {strides = array<i32>} : memref<1024xf32, #tpu.memory_space<vmem>>, vector<16xf32>,
        %swap3A_163 = arith.index_cast %mul3A_79 : i32 to index
        %swap3A_164 = tpu.vector_load %arg26[%swap3A_163] {strides = array<i32>} : memref<1024xf32, #tpu.memory_space<vmem>>, vector<16xf32>,
        tpu.vector_store %arg26[%swap3A_163], %broadcast_in_dim3A_1 {strides = array<i32>} : memref<1024xf32, #tpu.memory_space<vmem>>, vector<16xf32>,
        %jit3A_165 = arith.constant 1 : i32
        %jit3A_166 = arith.constant 0 : i32
        %broadcast_in_dim3A_167 = vector.broadcast %jit3A_165 : i32 to vector<16xi32>
        %broadcast_in_dim3A_168 = vector.broadcast %jit3A_166 : i32 to vector<16xi32>
        %select_n3A = arith.select %and3A_157, %broadcast_in_dim3A_167, %broadcast_in_dim3A_168 : vector<16xi1>, vector<16xi32>
        %broadcast_in_dim3A_169 = arith.constant true
        %broadcast_in_dim3A_170 = vector.broadcast %broadcast_in_dim3A_169 : i1 to vector<16xi1>
        %masked_cumsum3A = tpu.scan <sum>, %select_n3A masked %broadcast_in_dim3A_170 : vector<16xi32>, vector<16xi1> -> vector<16xi32>
        %add3A_171 = vector.broadcast %scan3A_77 : i32 to vector<16xi32>
        %add3A_172 = arith.addi %add3A_171, %masked_cumsum3A : vector<16xi32>
        %sub3A = arith.constant 1 : i32
        %sub3A_173 = vector.broadcast %sub3A : i32 to vector<16xi32>
        %sub3A_174 = arith.subi %add3A_172, %sub3A_173 : vector<16xi32>
        tpu.vector_store_idx %arg20[%sub3A_174], %add3A_145 masked %and3A_157 : memref<1024xi32, #tpu.memory_space<vmem>>[vector<16xi32>], vector<16xi32>, vector<16xi1>
        %mul3A_175 = arith.constant 16 : i32
        %mul3A_176 = arith.muli %scan3A_76, %mul3A_175 : i32
        %add3A_177 = vector.broadcast %mul3A_176 : i32 to vector<16xi32>
        %add3A_178 = arith.addi %add3A_177, %iota3A : vector<16xi32>
        tpu.vector_store_idx %arg21[%sub3A_174], %add3A_178 masked %and3A_157 : memref<1024xi32, #tpu.memory_space<vmem>>[vector<16xi32>], vector<16xi32>, vector<16xi1>
        %reduce_max3A = arith.constant true
        %reduce_max3A_179 = vector.broadcast %reduce_max3A : i1 to vector<16xi1>
        %reduce_max3A_180 = arith.constant -2147483648 : i32
        %reduce_max3A_181 = vector.broadcast %reduce_max3A_180 : i32 to vector<16xi32>
        %reduce_max3A_182 = arith.xori %masked_cumsum3A, %reduce_max3A_181 : vector<16xi32>
        %reduce_max3A_183 = tpu.scan <max>, %reduce_max3A_182 masked %reduce_max3A_179 : vector<16xi32>, vector<16xi1> -> vector<16xi32>
        %reduce_max3A_184 = arith.xori %reduce_max3A_183, %reduce_max3A_181 : vector<16xi32>
        %reduce_max3A_185 = vector.extract %reduce_max3A_184[15] : i32 from vector<16xi32>
        %add3A_186 = arith.addi %scan3A_77, %reduce_max3A_185 : i32
        scf.yield %add3A_186 : i32
      }
      %scan3A_25 = arith.constant 64 : i32
      %add3A_26 = arith.constant 127 : i32
      %add3A_27 = arith.addi %scan3A_24, %add3A_26 : i32
      %shift_right_arithmetic3A = arith.constant 7 : i32
      %shift_right_arithmetic3A_28 = arith.shrsi %add3A_27, %shift_right_arithmetic3A : i32
      %while3A = arith.constant 0 : i32
      %while3A_29 = arith.constant 0 : i32
      %while3A_30 = arith.subi %shift_right_arithmetic3A_28, %while3A_29 : i32
      %while3A_31 = arith.addi %while3A_29, %while3A_30 : i32
      %while3A_32 = arith.constant 1 : i32
      %while3A_33 = arith.divsi %while3A_30, %while3A_32 : i32
      %while3A_34 = arith.muli %while3A_33, %while3A_32 : i32
      %while3A_35 = arith.addi %while3A_29, %while3A_34 : i32
      %while3A_36 = arith.constant 1 : i32
      scf.for %while3A_76 = %while3A_29 to %while3A_35 step %while3A_36  : i32 {
        %scan3A_77 = arith.constant 0 : i32
        %scan3A_78 = arith.constant 0 : i32
        %scan3A_79 = arith.constant 8 : i32
        %scan3A_80 = arith.addi %scan3A_78, %scan3A_79 : i32
        %scan3A_81 = arith.constant 1 : i32
        scf.for %scan3A_83 = %scan3A_78 to %scan3A_80 step %scan3A_81  : i32 {
          %mul3A_84 = arith.constant 128 : i32
          %mul3A_85 = arith.muli %while3A_76, %mul3A_84 : i32
          %mul3A_86 = arith.constant 16 : i32
          %mul3A_87 = arith.muli %scan3A_83, %mul3A_86 : i32
          %add3A_88 = arith.addi %mul3A_85, %mul3A_87 : i32
          %get3A = arith.index_cast %add3A_88 : i32 to index
          %get3A_89 = tpu.vector_load %arg20[%get3A] {strides = array<i32>} : memref<1024xi32, #tpu.memory_space<vmem>>, vector<16xi32>,
          %add3A_90 = arith.constant 0 : i32
          %add3A_91 = vector.broadcast %add3A_90 : i32 to vector<16xi32>
          %add3A_92 = arith.addi %get3A_89, %add3A_91 : vector<16xi32>
          %mul3A_93 = arith.constant 28 : i32
          %mul3A_94 = arith.muli %while3A_76, %mul3A_93 : i32
          %add3A_95 = arith.constant 0 : i32
          %add3A_96 = arith.addi %mul3A_94, %add3A_95 : i32
          %mul3A_97 = arith.constant 16 : i32
          %mul3A_98 = arith.muli %scan3A_83, %mul3A_97 : i32
          %swap3A = arith.constant 0 : i32
          %swap3A_99 = tpu.memref_slice %arg19[%add3A_96, %swap3A] : memref<224x128xi32, #tpu.memory_space<vmem>> -> memref<1x128xi32, #tpu.memory_space<vmem>>
          %swap3A_100 = tpu.memref_squeeze %swap3A_99 : memref<1x128xi32, #tpu.memory_space<vmem>> -> memref<128xi32, #tpu.memory_space<vmem>>
          %swap3A_101 = arith.index_cast %mul3A_98 : i32 to index
          %swap3A_102 = tpu.vector_load %swap3A_100[%swap3A_101] {strides = array<i32>} : memref<128xi32, #tpu.memory_space<vmem>>, vector<16xi32>,
          tpu.vector_store %swap3A_100[%swap3A_101], %add3A_92 {strides = array<i32>} : memref<128xi32, #tpu.memory_space<vmem>>, vector<16xi32>,
          %add3A_103 = arith.constant 65536 : i32
          %add3A_104 = vector.broadcast %add3A_103 : i32 to vector<16xi32>
          %add3A_105 = arith.addi %get3A_89, %add3A_104 : vector<16xi32>
          %mul3A_106 = arith.constant 28 : i32
          %mul3A_107 = arith.muli %while3A_76, %mul3A_106 : i32
          %add3A_108 = arith.constant 1 : i32
          %add3A_109 = arith.addi %mul3A_107, %add3A_108 : i32
          %mul3A_110 = arith.constant 16 : i32
          %mul3A_111 = arith.muli %scan3A_83, %mul3A_110 : i32
          %swap3A_112 = arith.constant 0 : i32
          %swap3A_113 = tpu.memref_slice %arg19[%add3A_109, %swap3A_112] : memref<224x128xi32, #tpu.memory_space<vmem>> -> memref<1x128xi32, #tpu.memory_space<vmem>>
          %swap3A_114 = tpu.memref_squeeze %swap3A_113 : memref<1x128xi32, #tpu.memory_space<vmem>> -> memref<128xi32, #tpu.memory_space<vmem>>
          %swap3A_115 = arith.index_cast %mul3A_111 : i32 to index
          %swap3A_116 = tpu.vector_load %swap3A_114[%swap3A_115] {strides = array<i32>} : memref<128xi32, #tpu.memory_space<vmem>>, vector<16xi32>,
          tpu.vector_store %swap3A_114[%swap3A_115], %add3A_105 {strides = array<i32>} : memref<128xi32, #tpu.memory_space<vmem>>, vector<16xi32>,
          %add3A_117 = arith.constant 131072 : i32
          %add3A_118 = vector.broadcast %add3A_117 : i32 to vector<16xi32>
          %add3A_119 = arith.addi %get3A_89, %add3A_118 : vector<16xi32>
          %mul3A_120 = arith.constant 28 : i32
          %mul3A_121 = arith.muli %while3A_76, %mul3A_120 : i32
          %add3A_122 = arith.constant 2 : i32
          %add3A_123 = arith.addi %mul3A_121, %add3A_122 : i32
          %mul3A_124 = arith.constant 16 : i32
          %mul3A_125 = arith.muli %scan3A_83, %mul3A_124 : i32
          %swap3A_126 = arith.constant 0 : i32
          %swap3A_127 = tpu.memref_slice %arg19[%add3A_123, %swap3A_126] : memref<224x128xi32, #tpu.memory_space<vmem>> -> memref<1x128xi32, #tpu.memory_space<vmem>>
          %swap3A_128 = tpu.memref_squeeze %swap3A_127 : memref<1x128xi32, #tpu.memory_space<vmem>> -> memref<128xi32, #tpu.memory_space<vmem>>
          %swap3A_129 = arith.index_cast %mul3A_125 : i32 to index
          %swap3A_130 = tpu.vector_load %swap3A_128[%swap3A_129] {strides = array<i32>} : memref<128xi32, #tpu.memory_space<vmem>>, vector<16xi32>,
          tpu.vector_store %swap3A_128[%swap3A_129], %add3A_119 {strides = array<i32>} : memref<128xi32, #tpu.memory_space<vmem>>, vector<16xi32>,
          %add3A_131 = arith.constant 196608 : i32
          %add3A_132 = vector.broadcast %add3A_131 : i32 to vector<16xi32>
          %add3A_133 = arith.addi %get3A_89, %add3A_132 : vector<16xi32>
          %mul3A_134 = arith.constant 28 : i32
          %mul3A_135 = arith.muli %while3A_76, %mul3A_134 : i32
          %add3A_136 = arith.constant 3 : i32
          %add3A_137 = arith.addi %mul3A_135, %add3A_136 : i32
          %mul3A_138 = arith.constant 16 : i32
          %mul3A_139 = arith.muli %scan3A_83, %mul3A_138 : i32
          %swap3A_140 = arith.constant 0 : i32
          %swap3A_141 = tpu.memref_slice %arg19[%add3A_137, %swap3A_140] : memref<224x128xi32, #tpu.memory_space<vmem>> -> memref<1x128xi32, #tpu.memory_space<vmem>>
          %swap3A_142 = tpu.memref_squeeze %swap3A_141 : memref<1x128xi32, #tpu.memory_space<vmem>> -> memref<128xi32, #tpu.memory_space<vmem>>
          %swap3A_143 = arith.index_cast %mul3A_139 : i32 to index
          %swap3A_144 = tpu.vector_load %swap3A_142[%swap3A_143] {strides = array<i32>} : memref<128xi32, #tpu.memory_space<vmem>>, vector<16xi32>,
          tpu.vector_store %swap3A_142[%swap3A_143], %add3A_133 {strides = array<i32>} : memref<128xi32, #tpu.memory_space<vmem>>, vector<16xi32>,
          %add3A_145 = arith.constant 262144 : i32
          %add3A_146 = vector.broadcast %add3A_145 : i32 to vector<16xi32>
          %add3A_147 = arith.addi %get3A_89, %add3A_146 : vector<16xi32>
          %mul3A_148 = arith.constant 28 : i32
          %mul3A_149 = arith.muli %while3A_76, %mul3A_148 : i32
          %add3A_150 = arith.constant 4 : i32
          %add3A_151 = arith.addi %mul3A_149, %add3A_150 : i32
          %mul3A_152 = arith.constant 16 : i32
          %mul3A_153 = arith.muli %scan3A_83, %mul3A_152 : i32
          %swap3A_154 = arith.constant 0 : i32
          %swap3A_155 = tpu.memref_slice %arg19[%add3A_151, %swap3A_154] : memref<224x128xi32, #tpu.memory_space<vmem>> -> memref<1x128xi32, #tpu.memory_space<vmem>>
          %swap3A_156 = tpu.memref_squeeze %swap3A_155 : memref<1x128xi32, #tpu.memory_space<vmem>> -> memref<128xi32, #tpu.memory_space<vmem>>
          %swap3A_157 = arith.index_cast %mul3A_153 : i32 to index
          %swap3A_158 = tpu.vector_load %swap3A_156[%swap3A_157] {strides = array<i32>} : memref<128xi32, #tpu.memory_space<vmem>>, vector<16xi32>,
          tpu.vector_store %swap3A_156[%swap3A_157], %add3A_147 {strides = array<i32>} : memref<128xi32, #tpu.memory_space<vmem>>, vector<16xi32>,
          %add3A_159 = arith.constant 327680 : i32
          %add3A_160 = vector.broadcast %add3A_159 : i32 to vector<16xi32>
          %add3A_161 = arith.addi %get3A_89, %add3A_160 : vector<16xi32>
          %mul3A_162 = arith.constant 28 : i32
          %mul3A_163 = arith.muli %while3A_76, %mul3A_162 : i32
          %add3A_164 = arith.constant 5 : i32
          %add3A_165 = arith.addi %mul3A_163, %add3A_164 : i32
          %mul3A_166 = arith.constant 16 : i32
          %mul3A_167 = arith.muli %scan3A_83, %mul3A_166 : i32
          %swap3A_168 = arith.constant 0 : i32
          %swap3A_169 = tpu.memref_slice %arg19[%add3A_165, %swap3A_168] : memref<224x128xi32, #tpu.memory_space<vmem>> -> memref<1x128xi32, #tpu.memory_space<vmem>>
          %swap3A_170 = tpu.memref_squeeze %swap3A_169 : memref<1x128xi32, #tpu.memory_space<vmem>> -> memref<128xi32, #tpu.memory_space<vmem>>
          %swap3A_171 = arith.index_cast %mul3A_167 : i32 to index
          %swap3A_172 = tpu.vector_load %swap3A_170[%swap3A_171] {strides = array<i32>} : memref<128xi32, #tpu.memory_space<vmem>>, vector<16xi32>,
          tpu.vector_store %swap3A_170[%swap3A_171], %add3A_161 {strides = array<i32>} : memref<128xi32, #tpu.memory_space<vmem>>, vector<16xi32>,
          %add3A_173 = arith.constant 393216 : i32
          %add3A_174 = vector.broadcast %add3A_173 : i32 to vector<16xi32>
          %add3A_175 = arith.addi %get3A_89, %add3A_174 : vector<16xi32>
          %mul3A_176 = arith.constant 28 : i32
          %mul3A_177 = arith.muli %while3A_76, %mul3A_176 : i32
          %add3A_178 = arith.constant 6 : i32
          %add3A_179 = arith.addi %mul3A_177, %add3A_178 : i32
          %mul3A_180 = arith.constant 16 : i32
          %mul3A_181 = arith.muli %scan3A_83, %mul3A_180 : i32
          %swap3A_182 = arith.constant 0 : i32
          %swap3A_183 = tpu.memref_slice %arg19[%add3A_179, %swap3A_182] : memref<224x128xi32, #tpu.memory_space<vmem>> -> memref<1x128xi32, #tpu.memory_space<vmem>>
          %swap3A_184 = tpu.memref_squeeze %swap3A_183 : memref<1x128xi32, #tpu.memory_space<vmem>> -> memref<128xi32, #tpu.memory_space<vmem>>
          %swap3A_185 = arith.index_cast %mul3A_181 : i32 to index
          %swap3A_186 = tpu.vector_load %swap3A_184[%swap3A_185] {strides = array<i32>} : memref<128xi32, #tpu.memory_space<vmem>>, vector<16xi32>,
          tpu.vector_store %swap3A_184[%swap3A_185], %add3A_175 {strides = array<i32>} : memref<128xi32, #tpu.memory_space<vmem>>, vector<16xi32>,
          %add3A_187 = arith.constant 458752 : i32
          %add3A_188 = vector.broadcast %add3A_187 : i32 to vector<16xi32>
          %add3A_189 = arith.addi %get3A_89, %add3A_188 : vector<16xi32>
          %mul3A_190 = arith.constant 28 : i32
          %mul3A_191 = arith.muli %while3A_76, %mul3A_190 : i32
          %add3A_192 = arith.constant 7 : i32
          %add3A_193 = arith.addi %mul3A_191, %add3A_192 : i32
          %mul3A_194 = arith.constant 16 : i32
          %mul3A_195 = arith.muli %scan3A_83, %mul3A_194 : i32
          %swap3A_196 = arith.constant 0 : i32
          %swap3A_197 = tpu.memref_slice %arg19[%add3A_193, %swap3A_196] : memref<224x128xi32, #tpu.memory_space<vmem>> -> memref<1x128xi32, #tpu.memory_space<vmem>>
          %swap3A_198 = tpu.memref_squeeze %swap3A_197 : memref<1x128xi32, #tpu.memory_space<vmem>> -> memref<128xi32, #tpu.memory_space<vmem>>
          %swap3A_199 = arith.index_cast %mul3A_195 : i32 to index
          %swap3A_200 = tpu.vector_load %swap3A_198[%swap3A_199] {strides = array<i32>} : memref<128xi32, #tpu.memory_space<vmem>>, vector<16xi32>,
          tpu.vector_store %swap3A_198[%swap3A_199], %add3A_189 {strides = array<i32>} : memref<128xi32, #tpu.memory_space<vmem>>, vector<16xi32>,
          %add3A_201 = arith.constant 524288 : i32
          %add3A_202 = vector.broadcast %add3A_201 : i32 to vector<16xi32>
          %add3A_203 = arith.addi %get3A_89, %add3A_202 : vector<16xi32>
          %mul3A_204 = arith.constant 28 : i32
          %mul3A_205 = arith.muli %while3A_76, %mul3A_204 : i32
          %add3A_206 = arith.constant 8 : i32
          %add3A_207 = arith.addi %mul3A_205, %add3A_206 : i32
          %mul3A_208 = arith.constant 16 : i32
          %mul3A_209 = arith.muli %scan3A_83, %mul3A_208 : i32
          %swap3A_210 = arith.constant 0 : i32
          %swap3A_211 = tpu.memref_slice %arg19[%add3A_207, %swap3A_210] : memref<224x128xi32, #tpu.memory_space<vmem>> -> memref<1x128xi32, #tpu.memory_space<vmem>>
          %swap3A_212 = tpu.memref_squeeze %swap3A_211 : memref<1x128xi32, #tpu.memory_space<vmem>> -> memref<128xi32, #tpu.memory_space<vmem>>
          %swap3A_213 = arith.index_cast %mul3A_209 : i32 to index
          %swap3A_214 = tpu.vector_load %swap3A_212[%swap3A_213] {strides = array<i32>} : memref<128xi32, #tpu.memory_space<vmem>>, vector<16xi32>,
          tpu.vector_store %swap3A_212[%swap3A_213], %add3A_203 {strides = array<i32>} : memref<128xi32, #tpu.memory_space<vmem>>, vector<16xi32>,
          %add3A_215 = arith.constant 589824 : i32
          %add3A_216 = vector.broadcast %add3A_215 : i32 to vector<16xi32>
          %add3A_217 = arith.addi %get3A_89, %add3A_216 : vector<16xi32>
          %mul3A_218 = arith.constant 28 : i32
          %mul3A_219 = arith.muli %while3A_76, %mul3A_218 : i32
          %add3A_220 = arith.constant 9 : i32
          %add3A_221 = arith.addi %mul3A_219, %add3A_220 : i32
          %mul3A_222 = arith.constant 16 : i32
          %mul3A_223 = arith.muli %scan3A_83, %mul3A_222 : i32
          %swap3A_224 = arith.constant 0 : i32
          %swap3A_225 = tpu.memref_slice %arg19[%add3A_221, %swap3A_224] : memref<224x128xi32, #tpu.memory_space<vmem>> -> memref<1x128xi32, #tpu.memory_space<vmem>>
          %swap3A_226 = tpu.memref_squeeze %swap3A_225 : memref<1x128xi32, #tpu.memory_space<vmem>> -> memref<128xi32, #tpu.memory_space<vmem>>
          %swap3A_227 = arith.index_cast %mul3A_223 : i32 to index
          %swap3A_228 = tpu.vector_load %swap3A_226[%swap3A_227] {strides = array<i32>} : memref<128xi32, #tpu.memory_space<vmem>>, vector<16xi32>,
          tpu.vector_store %swap3A_226[%swap3A_227], %add3A_217 {strides = array<i32>} : memref<128xi32, #tpu.memory_space<vmem>>, vector<16xi32>,
          %add3A_229 = arith.constant 655360 : i32
          %add3A_230 = vector.broadcast %add3A_229 : i32 to vector<16xi32>
          %add3A_231 = arith.addi %get3A_89, %add3A_230 : vector<16xi32>
          %mul3A_232 = arith.constant 28 : i32
          %mul3A_233 = arith.muli %while3A_76, %mul3A_232 : i32
          %add3A_234 = arith.constant 10 : i32
          %add3A_235 = arith.addi %mul3A_233, %add3A_234 : i32
          %mul3A_236 = arith.constant 16 : i32
          %mul3A_237 = arith.muli %scan3A_83, %mul3A_236 : i32
          %swap3A_238 = arith.constant 0 : i32
          %swap3A_239 = tpu.memref_slice %arg19[%add3A_235, %swap3A_238] : memref<224x128xi32, #tpu.memory_space<vmem>> -> memref<1x128xi32, #tpu.memory_space<vmem>>
          %swap3A_240 = tpu.memref_squeeze %swap3A_239 : memref<1x128xi32, #tpu.memory_space<vmem>> -> memref<128xi32, #tpu.memory_space<vmem>>
          %swap3A_241 = arith.index_cast %mul3A_237 : i32 to index
          %swap3A_242 = tpu.vector_load %swap3A_240[%swap3A_241] {strides = array<i32>} : memref<128xi32, #tpu.memory_space<vmem>>, vector<16xi32>,
          tpu.vector_store %swap3A_240[%swap3A_241], %add3A_231 {strides = array<i32>} : memref<128xi32, #tpu.memory_space<vmem>>, vector<16xi32>,
          %add3A_243 = arith.constant 720896 : i32
          %add3A_244 = vector.broadcast %add3A_243 : i32 to vector<16xi32>
          %add3A_245 = arith.addi %get3A_89, %add3A_244 : vector<16xi32>
          %mul3A_246 = arith.constant 28 : i32
          %mul3A_247 = arith.muli %while3A_76, %mul3A_246 : i32
          %add3A_248 = arith.constant 11 : i32
          %add3A_249 = arith.addi %mul3A_247, %add3A_248 : i32
          %mul3A_250 = arith.constant 16 : i32
          %mul3A_251 = arith.muli %scan3A_83, %mul3A_250 : i32
          %swap3A_252 = arith.constant 0 : i32
          %swap3A_253 = tpu.memref_slice %arg19[%add3A_249, %swap3A_252] : memref<224x128xi32, #tpu.memory_space<vmem>> -> memref<1x128xi32, #tpu.memory_space<vmem>>
          %swap3A_254 = tpu.memref_squeeze %swap3A_253 : memref<1x128xi32, #tpu.memory_space<vmem>> -> memref<128xi32, #tpu.memory_space<vmem>>
          %swap3A_255 = arith.index_cast %mul3A_251 : i32 to index
          %swap3A_256 = tpu.vector_load %swap3A_254[%swap3A_255] {strides = array<i32>} : memref<128xi32, #tpu.memory_space<vmem>>, vector<16xi32>,
          tpu.vector_store %swap3A_254[%swap3A_255], %add3A_245 {strides = array<i32>} : memref<128xi32, #tpu.memory_space<vmem>>, vector<16xi32>,
          %add3A_257 = arith.constant 786432 : i32
          %add3A_258 = vector.broadcast %add3A_257 : i32 to vector<16xi32>
          %add3A_259 = arith.addi %get3A_89, %add3A_258 : vector<16xi32>
          %mul3A_260 = arith.constant 28 : i32
          %mul3A_261 = arith.muli %while3A_76, %mul3A_260 : i32
          %add3A_262 = arith.constant 12 : i32
          %add3A_263 = arith.addi %mul3A_261, %add3A_262 : i32
          %mul3A_264 = arith.constant 16 : i32
          %mul3A_265 = arith.muli %scan3A_83, %mul3A_264 : i32
          %swap3A_266 = arith.constant 0 : i32
          %swap3A_267 = tpu.memref_slice %arg19[%add3A_263, %swap3A_266] : memref<224x128xi32, #tpu.memory_space<vmem>> -> memref<1x128xi32, #tpu.memory_space<vmem>>
          %swap3A_268 = tpu.memref_squeeze %swap3A_267 : memref<1x128xi32, #tpu.memory_space<vmem>> -> memref<128xi32, #tpu.memory_space<vmem>>
          %swap3A_269 = arith.index_cast %mul3A_265 : i32 to index
          %swap3A_270 = tpu.vector_load %swap3A_268[%swap3A_269] {strides = array<i32>} : memref<128xi32, #tpu.memory_space<vmem>>, vector<16xi32>,
          tpu.vector_store %swap3A_268[%swap3A_269], %add3A_259 {strides = array<i32>} : memref<128xi32, #tpu.memory_space<vmem>>, vector<16xi32>,
          %add3A_271 = arith.constant 851968 : i32
          %add3A_272 = vector.broadcast %add3A_271 : i32 to vector<16xi32>
          %add3A_273 = arith.addi %get3A_89, %add3A_272 : vector<16xi32>
          %mul3A_274 = arith.constant 28 : i32
          %mul3A_275 = arith.muli %while3A_76, %mul3A_274 : i32
          %add3A_276 = arith.constant 13 : i32
          %add3A_277 = arith.addi %mul3A_275, %add3A_276 : i32
          %mul3A_278 = arith.constant 16 : i32
          %mul3A_279 = arith.muli %scan3A_83, %mul3A_278 : i32
          %swap3A_280 = arith.constant 0 : i32
          %swap3A_281 = tpu.memref_slice %arg19[%add3A_277, %swap3A_280] : memref<224x128xi32, #tpu.memory_space<vmem>> -> memref<1x128xi32, #tpu.memory_space<vmem>>
          %swap3A_282 = tpu.memref_squeeze %swap3A_281 : memref<1x128xi32, #tpu.memory_space<vmem>> -> memref<128xi32, #tpu.memory_space<vmem>>
          %swap3A_283 = arith.index_cast %mul3A_279 : i32 to index
          %swap3A_284 = tpu.vector_load %swap3A_282[%swap3A_283] {strides = array<i32>} : memref<128xi32, #tpu.memory_space<vmem>>, vector<16xi32>,
          tpu.vector_store %swap3A_282[%swap3A_283], %add3A_273 {strides = array<i32>} : memref<128xi32, #tpu.memory_space<vmem>>, vector<16xi32>,
          %add3A_285 = arith.constant 917504 : i32
          %add3A_286 = vector.broadcast %add3A_285 : i32 to vector<16xi32>
          %add3A_287 = arith.addi %get3A_89, %add3A_286 : vector<16xi32>
          %mul3A_288 = arith.constant 28 : i32
          %mul3A_289 = arith.muli %while3A_76, %mul3A_288 : i32
          %add3A_290 = arith.constant 14 : i32
          %add3A_291 = arith.addi %mul3A_289, %add3A_290 : i32
          %mul3A_292 = arith.constant 16 : i32
          %mul3A_293 = arith.muli %scan3A_83, %mul3A_292 : i32
          %swap3A_294 = arith.constant 0 : i32
          %swap3A_295 = tpu.memref_slice %arg19[%add3A_291, %swap3A_294] : memref<224x128xi32, #tpu.memory_space<vmem>> -> memref<1x128xi32, #tpu.memory_space<vmem>>
          %swap3A_296 = tpu.memref_squeeze %swap3A_295 : memref<1x128xi32, #tpu.memory_space<vmem>> -> memref<128xi32, #tpu.memory_space<vmem>>
          %swap3A_297 = arith.index_cast %mul3A_293 : i32 to index
          %swap3A_298 = tpu.vector_load %swap3A_296[%swap3A_297] {strides = array<i32>} : memref<128xi32, #tpu.memory_space<vmem>>, vector<16xi32>,
          tpu.vector_store %swap3A_296[%swap3A_297], %add3A_287 {strides = array<i32>} : memref<128xi32, #tpu.memory_space<vmem>>, vector<16xi32>,
          %add3A_299 = arith.constant 983040 : i32
          %add3A_300 = vector.broadcast %add3A_299 : i32 to vector<16xi32>
          %add3A_301 = arith.addi %get3A_89, %add3A_300 : vector<16xi32>
          %mul3A_302 = arith.constant 28 : i32
          %mul3A_303 = arith.muli %while3A_76, %mul3A_302 : i32
          %add3A_304 = arith.constant 15 : i32
          %add3A_305 = arith.addi %mul3A_303, %add3A_304 : i32
          %mul3A_306 = arith.constant 16 : i32
          %mul3A_307 = arith.muli %scan3A_83, %mul3A_306 : i32
          %swap3A_308 = arith.constant 0 : i32
          %swap3A_309 = tpu.memref_slice %arg19[%add3A_305, %swap3A_308] : memref<224x128xi32, #tpu.memory_space<vmem>> -> memref<1x128xi32, #tpu.memory_space<vmem>>
          %swap3A_310 = tpu.memref_squeeze %swap3A_309 : memref<1x128xi32, #tpu.memory_space<vmem>> -> memref<128xi32, #tpu.memory_space<vmem>>
          %swap3A_311 = arith.index_cast %mul3A_307 : i32 to index
          %swap3A_312 = tpu.vector_load %swap3A_310[%swap3A_311] {strides = array<i32>} : memref<128xi32, #tpu.memory_space<vmem>>, vector<16xi32>,
          tpu.vector_store %swap3A_310[%swap3A_311], %add3A_301 {strides = array<i32>} : memref<128xi32, #tpu.memory_space<vmem>>, vector<16xi32>,
          %add3A_313 = arith.constant 1048576 : i32
          %add3A_314 = vector.broadcast %add3A_313 : i32 to vector<16xi32>
          %add3A_315 = arith.addi %get3A_89, %add3A_314 : vector<16xi32>
          %mul3A_316 = arith.constant 28 : i32
          %mul3A_317 = arith.muli %while3A_76, %mul3A_316 : i32
          %add3A_318 = arith.constant 16 : i32
          %add3A_319 = arith.addi %mul3A_317, %add3A_318 : i32
          %mul3A_320 = arith.constant 16 : i32
          %mul3A_321 = arith.muli %scan3A_83, %mul3A_320 : i32
          %swap3A_322 = arith.constant 0 : i32
          %swap3A_323 = tpu.memref_slice %arg19[%add3A_319, %swap3A_322] : memref<224x128xi32, #tpu.memory_space<vmem>> -> memref<1x128xi32, #tpu.memory_space<vmem>>
          %swap3A_324 = tpu.memref_squeeze %swap3A_323 : memref<1x128xi32, #tpu.memory_space<vmem>> -> memref<128xi32, #tpu.memory_space<vmem>>
          %swap3A_325 = arith.index_cast %mul3A_321 : i32 to index
          %swap3A_326 = tpu.vector_load %swap3A_324[%swap3A_325] {strides = array<i32>} : memref<128xi32, #tpu.memory_space<vmem>>, vector<16xi32>,
          tpu.vector_store %swap3A_324[%swap3A_325], %add3A_315 {strides = array<i32>} : memref<128xi32, #tpu.memory_space<vmem>>, vector<16xi32>,
          %add3A_327 = arith.constant 1114112 : i32
          %add3A_328 = vector.broadcast %add3A_327 : i32 to vector<16xi32>
          %add3A_329 = arith.addi %get3A_89, %add3A_328 : vector<16xi32>
          %mul3A_330 = arith.constant 28 : i32
          %mul3A_331 = arith.muli %while3A_76, %mul3A_330 : i32
          %add3A_332 = arith.constant 17 : i32
          %add3A_333 = arith.addi %mul3A_331, %add3A_332 : i32
          %mul3A_334 = arith.constant 16 : i32
          %mul3A_335 = arith.muli %scan3A_83, %mul3A_334 : i32
          %swap3A_336 = arith.constant 0 : i32
          %swap3A_337 = tpu.memref_slice %arg19[%add3A_333, %swap3A_336] : memref<224x128xi32, #tpu.memory_space<vmem>> -> memref<1x128xi32, #tpu.memory_space<vmem>>
          %swap3A_338 = tpu.memref_squeeze %swap3A_337 : memref<1x128xi32, #tpu.memory_space<vmem>> -> memref<128xi32, #tpu.memory_space<vmem>>
          %swap3A_339 = arith.index_cast %mul3A_335 : i32 to index
          %swap3A_340 = tpu.vector_load %swap3A_338[%swap3A_339] {strides = array<i32>} : memref<128xi32, #tpu.memory_space<vmem>>, vector<16xi32>,
          tpu.vector_store %swap3A_338[%swap3A_339], %add3A_329 {strides = array<i32>} : memref<128xi32, #tpu.memory_space<vmem>>, vector<16xi32>,
          %add3A_341 = arith.constant 1179648 : i32
          %add3A_342 = vector.broadcast %add3A_341 : i32 to vector<16xi32>
          %add3A_343 = arith.addi %get3A_89, %add3A_342 : vector<16xi32>
          %mul3A_344 = arith.constant 28 : i32
          %mul3A_345 = arith.muli %while3A_76, %mul3A_344 : i32
          %add3A_346 = arith.constant 18 : i32
          %add3A_347 = arith.addi %mul3A_345, %add3A_346 : i32
          %mul3A_348 = arith.constant 16 : i32
          %mul3A_349 = arith.muli %scan3A_83, %mul3A_348 : i32
          %swap3A_350 = arith.constant 0 : i32
          %swap3A_351 = tpu.memref_slice %arg19[%add3A_347, %swap3A_350] : memref<224x128xi32, #tpu.memory_space<vmem>> -> memref<1x128xi32, #tpu.memory_space<vmem>>
          %swap3A_352 = tpu.memref_squeeze %swap3A_351 : memref<1x128xi32, #tpu.memory_space<vmem>> -> memref<128xi32, #tpu.memory_space<vmem>>
          %swap3A_353 = arith.index_cast %mul3A_349 : i32 to index
          %swap3A_354 = tpu.vector_load %swap3A_352[%swap3A_353] {strides = array<i32>} : memref<128xi32, #tpu.memory_space<vmem>>, vector<16xi32>,
          tpu.vector_store %swap3A_352[%swap3A_353], %add3A_343 {strides = array<i32>} : memref<128xi32, #tpu.memory_space<vmem>>, vector<16xi32>,
          %add3A_355 = arith.constant 1245184 : i32
          %add3A_356 = vector.broadcast %add3A_355 : i32 to vector<16xi32>
          %add3A_357 = arith.addi %get3A_89, %add3A_356 : vector<16xi32>
          %mul3A_358 = arith.constant 28 : i32
          %mul3A_359 = arith.muli %while3A_76, %mul3A_358 : i32
          %add3A_360 = arith.constant 19 : i32
          %add3A_361 = arith.addi %mul3A_359, %add3A_360 : i32
          %mul3A_362 = arith.constant 16 : i32
          %mul3A_363 = arith.muli %scan3A_83, %mul3A_362 : i32
          %swap3A_364 = arith.constant 0 : i32
          %swap3A_365 = tpu.memref_slice %arg19[%add3A_361, %swap3A_364] : memref<224x128xi32, #tpu.memory_space<vmem>> -> memref<1x128xi32, #tpu.memory_space<vmem>>
          %swap3A_366 = tpu.memref_squeeze %swap3A_365 : memref<1x128xi32, #tpu.memory_space<vmem>> -> memref<128xi32, #tpu.memory_space<vmem>>
          %swap3A_367 = arith.index_cast %mul3A_363 : i32 to index
          %swap3A_368 = tpu.vector_load %swap3A_366[%swap3A_367] {strides = array<i32>} : memref<128xi32, #tpu.memory_space<vmem>>, vector<16xi32>,
          tpu.vector_store %swap3A_366[%swap3A_367], %add3A_357 {strides = array<i32>} : memref<128xi32, #tpu.memory_space<vmem>>, vector<16xi32>,
          %add3A_369 = arith.constant 1310720 : i32
          %add3A_370 = vector.broadcast %add3A_369 : i32 to vector<16xi32>
          %add3A_371 = arith.addi %get3A_89, %add3A_370 : vector<16xi32>
          %mul3A_372 = arith.constant 28 : i32
          %mul3A_373 = arith.muli %while3A_76, %mul3A_372 : i32
          %add3A_374 = arith.constant 20 : i32
          %add3A_375 = arith.addi %mul3A_373, %add3A_374 : i32
          %mul3A_376 = arith.constant 16 : i32
          %mul3A_377 = arith.muli %scan3A_83, %mul3A_376 : i32
          %swap3A_378 = arith.constant 0 : i32
          %swap3A_379 = tpu.memref_slice %arg19[%add3A_375, %swap3A_378] : memref<224x128xi32, #tpu.memory_space<vmem>> -> memref<1x128xi32, #tpu.memory_space<vmem>>
          %swap3A_380 = tpu.memref_squeeze %swap3A_379 : memref<1x128xi32, #tpu.memory_space<vmem>> -> memref<128xi32, #tpu.memory_space<vmem>>
          %swap3A_381 = arith.index_cast %mul3A_377 : i32 to index
          %swap3A_382 = tpu.vector_load %swap3A_380[%swap3A_381] {strides = array<i32>} : memref<128xi32, #tpu.memory_space<vmem>>, vector<16xi32>,
          tpu.vector_store %swap3A_380[%swap3A_381], %add3A_371 {strides = array<i32>} : memref<128xi32, #tpu.memory_space<vmem>>, vector<16xi32>,
          %add3A_383 = arith.constant 1376256 : i32
          %add3A_384 = vector.broadcast %add3A_383 : i32 to vector<16xi32>
          %add3A_385 = arith.addi %get3A_89, %add3A_384 : vector<16xi32>
          %mul3A_386 = arith.constant 28 : i32
          %mul3A_387 = arith.muli %while3A_76, %mul3A_386 : i32
          %add3A_388 = arith.constant 21 : i32
          %add3A_389 = arith.addi %mul3A_387, %add3A_388 : i32
          %mul3A_390 = arith.constant 16 : i32
          %mul3A_391 = arith.muli %scan3A_83, %mul3A_390 : i32
          %swap3A_392 = arith.constant 0 : i32
          %swap3A_393 = tpu.memref_slice %arg19[%add3A_389, %swap3A_392] : memref<224x128xi32, #tpu.memory_space<vmem>> -> memref<1x128xi32, #tpu.memory_space<vmem>>
          %swap3A_394 = tpu.memref_squeeze %swap3A_393 : memref<1x128xi32, #tpu.memory_space<vmem>> -> memref<128xi32, #tpu.memory_space<vmem>>
          %swap3A_395 = arith.index_cast %mul3A_391 : i32 to index
          %swap3A_396 = tpu.vector_load %swap3A_394[%swap3A_395] {strides = array<i32>} : memref<128xi32, #tpu.memory_space<vmem>>, vector<16xi32>,
          tpu.vector_store %swap3A_394[%swap3A_395], %add3A_385 {strides = array<i32>} : memref<128xi32, #tpu.memory_space<vmem>>, vector<16xi32>,
          %add3A_397 = arith.constant 1441792 : i32
          %add3A_398 = vector.broadcast %add3A_397 : i32 to vector<16xi32>
          %add3A_399 = arith.addi %get3A_89, %add3A_398 : vector<16xi32>
          %mul3A_400 = arith.constant 28 : i32
          %mul3A_401 = arith.muli %while3A_76, %mul3A_400 : i32
          %add3A_402 = arith.constant 22 : i32
          %add3A_403 = arith.addi %mul3A_401, %add3A_402 : i32
          %mul3A_404 = arith.constant 16 : i32
          %mul3A_405 = arith.muli %scan3A_83, %mul3A_404 : i32
          %swap3A_406 = arith.constant 0 : i32
          %swap3A_407 = tpu.memref_slice %arg19[%add3A_403, %swap3A_406] : memref<224x128xi32, #tpu.memory_space<vmem>> -> memref<1x128xi32, #tpu.memory_space<vmem>>
          %swap3A_408 = tpu.memref_squeeze %swap3A_407 : memref<1x128xi32, #tpu.memory_space<vmem>> -> memref<128xi32, #tpu.memory_space<vmem>>
          %swap3A_409 = arith.index_cast %mul3A_405 : i32 to index
          %swap3A_410 = tpu.vector_load %swap3A_408[%swap3A_409] {strides = array<i32>} : memref<128xi32, #tpu.memory_space<vmem>>, vector<16xi32>,
          tpu.vector_store %swap3A_408[%swap3A_409], %add3A_399 {strides = array<i32>} : memref<128xi32, #tpu.memory_space<vmem>>, vector<16xi32>,
          %add3A_411 = arith.constant 1507328 : i32
          %add3A_412 = vector.broadcast %add3A_411 : i32 to vector<16xi32>
          %add3A_413 = arith.addi %get3A_89, %add3A_412 : vector<16xi32>
          %mul3A_414 = arith.constant 28 : i32
          %mul3A_415 = arith.muli %while3A_76, %mul3A_414 : i32
          %add3A_416 = arith.constant 23 : i32
          %add3A_417 = arith.addi %mul3A_415, %add3A_416 : i32
          %mul3A_418 = arith.constant 16 : i32
          %mul3A_419 = arith.muli %scan3A_83, %mul3A_418 : i32
          %swap3A_420 = arith.constant 0 : i32
          %swap3A_421 = tpu.memref_slice %arg19[%add3A_417, %swap3A_420] : memref<224x128xi32, #tpu.memory_space<vmem>> -> memref<1x128xi32, #tpu.memory_space<vmem>>
          %swap3A_422 = tpu.memref_squeeze %swap3A_421 : memref<1x128xi32, #tpu.memory_space<vmem>> -> memref<128xi32, #tpu.memory_space<vmem>>
          %swap3A_423 = arith.index_cast %mul3A_419 : i32 to index
          %swap3A_424 = tpu.vector_load %swap3A_422[%swap3A_423] {strides = array<i32>} : memref<128xi32, #tpu.memory_space<vmem>>, vector<16xi32>,
          tpu.vector_store %swap3A_422[%swap3A_423], %add3A_413 {strides = array<i32>} : memref<128xi32, #tpu.memory_space<vmem>>, vector<16xi32>,
          %add3A_425 = arith.constant 1572864 : i32
          %add3A_426 = vector.broadcast %add3A_425 : i32 to vector<16xi32>
          %add3A_427 = arith.addi %get3A_89, %add3A_426 : vector<16xi32>
          %mul3A_428 = arith.constant 28 : i32
          %mul3A_429 = arith.muli %while3A_76, %mul3A_428 : i32
          %add3A_430 = arith.constant 24 : i32
          %add3A_431 = arith.addi %mul3A_429, %add3A_430 : i32
          %mul3A_432 = arith.constant 16 : i32
          %mul3A_433 = arith.muli %scan3A_83, %mul3A_432 : i32
          %swap3A_434 = arith.constant 0 : i32
          %swap3A_435 = tpu.memref_slice %arg19[%add3A_431, %swap3A_434] : memref<224x128xi32, #tpu.memory_space<vmem>> -> memref<1x128xi32, #tpu.memory_space<vmem>>
          %swap3A_436 = tpu.memref_squeeze %swap3A_435 : memref<1x128xi32, #tpu.memory_space<vmem>> -> memref<128xi32, #tpu.memory_space<vmem>>
          %swap3A_437 = arith.index_cast %mul3A_433 : i32 to index
          %swap3A_438 = tpu.vector_load %swap3A_436[%swap3A_437] {strides = array<i32>} : memref<128xi32, #tpu.memory_space<vmem>>, vector<16xi32>,
          tpu.vector_store %swap3A_436[%swap3A_437], %add3A_427 {strides = array<i32>} : memref<128xi32, #tpu.memory_space<vmem>>, vector<16xi32>,
          %add3A_439 = arith.constant 1638400 : i32
          %add3A_440 = vector.broadcast %add3A_439 : i32 to vector<16xi32>
          %add3A_441 = arith.addi %get3A_89, %add3A_440 : vector<16xi32>
          %mul3A_442 = arith.constant 28 : i32
          %mul3A_443 = arith.muli %while3A_76, %mul3A_442 : i32
          %add3A_444 = arith.constant 25 : i32
          %add3A_445 = arith.addi %mul3A_443, %add3A_444 : i32
          %mul3A_446 = arith.constant 16 : i32
          %mul3A_447 = arith.muli %scan3A_83, %mul3A_446 : i32
          %swap3A_448 = arith.constant 0 : i32
          %swap3A_449 = tpu.memref_slice %arg19[%add3A_445, %swap3A_448] : memref<224x128xi32, #tpu.memory_space<vmem>> -> memref<1x128xi32, #tpu.memory_space<vmem>>
          %swap3A_450 = tpu.memref_squeeze %swap3A_449 : memref<1x128xi32, #tpu.memory_space<vmem>> -> memref<128xi32, #tpu.memory_space<vmem>>
          %swap3A_451 = arith.index_cast %mul3A_447 : i32 to index
          %swap3A_452 = tpu.vector_load %swap3A_450[%swap3A_451] {strides = array<i32>} : memref<128xi32, #tpu.memory_space<vmem>>, vector<16xi32>,
          tpu.vector_store %swap3A_450[%swap3A_451], %add3A_441 {strides = array<i32>} : memref<128xi32, #tpu.memory_space<vmem>>, vector<16xi32>,
          %add3A_453 = arith.constant 1703936 : i32
          %add3A_454 = vector.broadcast %add3A_453 : i32 to vector<16xi32>
          %add3A_455 = arith.addi %get3A_89, %add3A_454 : vector<16xi32>
          %mul3A_456 = arith.constant 28 : i32
          %mul3A_457 = arith.muli %while3A_76, %mul3A_456 : i32
          %add3A_458 = arith.constant 26 : i32
          %add3A_459 = arith.addi %mul3A_457, %add3A_458 : i32
          %mul3A_460 = arith.constant 16 : i32
          %mul3A_461 = arith.muli %scan3A_83, %mul3A_460 : i32
          %swap3A_462 = arith.constant 0 : i32
          %swap3A_463 = tpu.memref_slice %arg19[%add3A_459, %swap3A_462] : memref<224x128xi32, #tpu.memory_space<vmem>> -> memref<1x128xi32, #tpu.memory_space<vmem>>
          %swap3A_464 = tpu.memref_squeeze %swap3A_463 : memref<1x128xi32, #tpu.memory_space<vmem>> -> memref<128xi32, #tpu.memory_space<vmem>>
          %swap3A_465 = arith.index_cast %mul3A_461 : i32 to index
          %swap3A_466 = tpu.vector_load %swap3A_464[%swap3A_465] {strides = array<i32>} : memref<128xi32, #tpu.memory_space<vmem>>, vector<16xi32>,
          tpu.vector_store %swap3A_464[%swap3A_465], %add3A_455 {strides = array<i32>} : memref<128xi32, #tpu.memory_space<vmem>>, vector<16xi32>,
          %add3A_467 = arith.constant 1769472 : i32
          %add3A_468 = vector.broadcast %add3A_467 : i32 to vector<16xi32>
          %add3A_469 = arith.addi %get3A_89, %add3A_468 : vector<16xi32>
          %mul3A_470 = arith.constant 28 : i32
          %mul3A_471 = arith.muli %while3A_76, %mul3A_470 : i32
          %add3A_472 = arith.constant 27 : i32
          %add3A_473 = arith.addi %mul3A_471, %add3A_472 : i32
          %mul3A_474 = arith.constant 16 : i32
          %mul3A_475 = arith.muli %scan3A_83, %mul3A_474 : i32
          %swap3A_476 = arith.constant 0 : i32
          %swap3A_477 = tpu.memref_slice %arg19[%add3A_473, %swap3A_476] : memref<224x128xi32, #tpu.memory_space<vmem>> -> memref<1x128xi32, #tpu.memory_space<vmem>>
          %swap3A_478 = tpu.memref_squeeze %swap3A_477 : memref<1x128xi32, #tpu.memory_space<vmem>> -> memref<128xi32, #tpu.memory_space<vmem>>
          %swap3A_479 = arith.index_cast %mul3A_475 : i32 to index
          %swap3A_480 = tpu.vector_load %swap3A_478[%swap3A_479] {strides = array<i32>} : memref<128xi32, #tpu.memory_space<vmem>>, vector<16xi32>,
          tpu.vector_store %swap3A_478[%swap3A_479], %add3A_469 {strides = array<i32>} : memref<128xi32, #tpu.memory_space<vmem>>, vector<16xi32>,
        }
        %scan3A_82 = arith.constant 8 : i32
      }
      %while3A_37 = arith.constant 1 : i32
      scf.for %while3A_76 = %while3A_35 to %while3A_31 step %while3A_37  : i32 {
        %scan3A_77 = arith.constant 0 : i32
        %scan3A_78 = arith.constant 0 : i32
        %scan3A_79 = arith.constant 8 : i32
        %scan3A_80 = arith.addi %scan3A_78, %scan3A_79 : i32
        %scan3A_81 = arith.constant 1 : i32
        scf.for %scan3A_83 = %scan3A_78 to %scan3A_80 step %scan3A_81  : i32 {
          %mul3A_84 = arith.constant 128 : i32
          %mul3A_85 = arith.muli %while3A_76, %mul3A_84 : i32
          %mul3A_86 = arith.constant 16 : i32
          %mul3A_87 = arith.muli %scan3A_83, %mul3A_86 : i32
          %add3A_88 = arith.addi %mul3A_85, %mul3A_87 : i32
          %get3A = arith.index_cast %add3A_88 : i32 to index
          %get3A_89 = tpu.vector_load %arg20[%get3A] {strides = array<i32>} : memref<1024xi32, #tpu.memory_space<vmem>>, vector<16xi32>,
          %add3A_90 = arith.constant 0 : i32
          %add3A_91 = vector.broadcast %add3A_90 : i32 to vector<16xi32>
          %add3A_92 = arith.addi %get3A_89, %add3A_91 : vector<16xi32>
          %mul3A_93 = arith.constant 28 : i32
          %mul3A_94 = arith.muli %while3A_76, %mul3A_93 : i32
          %add3A_95 = arith.constant 0 : i32
          %add3A_96 = arith.addi %mul3A_94, %add3A_95 : i32
          %mul3A_97 = arith.constant 16 : i32
          %mul3A_98 = arith.muli %scan3A_83, %mul3A_97 : i32
          %swap3A = arith.constant 0 : i32
          %swap3A_99 = tpu.memref_slice %arg19[%add3A_96, %swap3A] : memref<224x128xi32, #tpu.memory_space<vmem>> -> memref<1x128xi32, #tpu.memory_space<vmem>>
          %swap3A_100 = tpu.memref_squeeze %swap3A_99 : memref<1x128xi32, #tpu.memory_space<vmem>> -> memref<128xi32, #tpu.memory_space<vmem>>
          %swap3A_101 = arith.index_cast %mul3A_98 : i32 to index
          %swap3A_102 = tpu.vector_load %swap3A_100[%swap3A_101] {strides = array<i32>} : memref<128xi32, #tpu.memory_space<vmem>>, vector<16xi32>,
          tpu.vector_store %swap3A_100[%swap3A_101], %add3A_92 {strides = array<i32>} : memref<128xi32, #tpu.memory_space<vmem>>, vector<16xi32>,
          %add3A_103 = arith.constant 65536 : i32
          %add3A_104 = vector.broadcast %add3A_103 : i32 to vector<16xi32>
          %add3A_105 = arith.addi %get3A_89, %add3A_104 : vector<16xi32>
          %mul3A_106 = arith.constant 28 : i32
          %mul3A_107 = arith.muli %while3A_76, %mul3A_106 : i32
          %add3A_108 = arith.constant 1 : i32
          %add3A_109 = arith.addi %mul3A_107, %add3A_108 : i32
          %mul3A_110 = arith.constant 16 : i32
          %mul3A_111 = arith.muli %scan3A_83, %mul3A_110 : i32
          %swap3A_112 = arith.constant 0 : i32
          %swap3A_113 = tpu.memref_slice %arg19[%add3A_109, %swap3A_112] : memref<224x128xi32, #tpu.memory_space<vmem>> -> memref<1x128xi32, #tpu.memory_space<vmem>>
          %swap3A_114 = tpu.memref_squeeze %swap3A_113 : memref<1x128xi32, #tpu.memory_space<vmem>> -> memref<128xi32, #tpu.memory_space<vmem>>
          %swap3A_115 = arith.index_cast %mul3A_111 : i32 to index
          %swap3A_116 = tpu.vector_load %swap3A_114[%swap3A_115] {strides = array<i32>} : memref<128xi32, #tpu.memory_space<vmem>>, vector<16xi32>,
          tpu.vector_store %swap3A_114[%swap3A_115], %add3A_105 {strides = array<i32>} : memref<128xi32, #tpu.memory_space<vmem>>, vector<16xi32>,
          %add3A_117 = arith.constant 131072 : i32
          %add3A_118 = vector.broadcast %add3A_117 : i32 to vector<16xi32>
          %add3A_119 = arith.addi %get3A_89, %add3A_118 : vector<16xi32>
          %mul3A_120 = arith.constant 28 : i32
          %mul3A_121 = arith.muli %while3A_76, %mul3A_120 : i32
          %add3A_122 = arith.constant 2 : i32
          %add3A_123 = arith.addi %mul3A_121, %add3A_122 : i32
          %mul3A_124 = arith.constant 16 : i32
          %mul3A_125 = arith.muli %scan3A_83, %mul3A_124 : i32
          %swap3A_126 = arith.constant 0 : i32
          %swap3A_127 = tpu.memref_slice %arg19[%add3A_123, %swap3A_126] : memref<224x128xi32, #tpu.memory_space<vmem>> -> memref<1x128xi32, #tpu.memory_space<vmem>>
          %swap3A_128 = tpu.memref_squeeze %swap3A_127 : memref<1x128xi32, #tpu.memory_space<vmem>> -> memref<128xi32, #tpu.memory_space<vmem>>
          %swap3A_129 = arith.index_cast %mul3A_125 : i32 to index
          %swap3A_130 = tpu.vector_load %swap3A_128[%swap3A_129] {strides = array<i32>} : memref<128xi32, #tpu.memory_space<vmem>>, vector<16xi32>,
          tpu.vector_store %swap3A_128[%swap3A_129], %add3A_119 {strides = array<i32>} : memref<128xi32, #tpu.memory_space<vmem>>, vector<16xi32>,
          %add3A_131 = arith.constant 196608 : i32
          %add3A_132 = vector.broadcast %add3A_131 : i32 to vector<16xi32>
          %add3A_133 = arith.addi %get3A_89, %add3A_132 : vector<16xi32>
          %mul3A_134 = arith.constant 28 : i32
          %mul3A_135 = arith.muli %while3A_76, %mul3A_134 : i32
          %add3A_136 = arith.constant 3 : i32
          %add3A_137 = arith.addi %mul3A_135, %add3A_136 : i32
          %mul3A_138 = arith.constant 16 : i32
          %mul3A_139 = arith.muli %scan3A_83, %mul3A_138 : i32
          %swap3A_140 = arith.constant 0 : i32
          %swap3A_141 = tpu.memref_slice %arg19[%add3A_137, %swap3A_140] : memref<224x128xi32, #tpu.memory_space<vmem>> -> memref<1x128xi32, #tpu.memory_space<vmem>>
          %swap3A_142 = tpu.memref_squeeze %swap3A_141 : memref<1x128xi32, #tpu.memory_space<vmem>> -> memref<128xi32, #tpu.memory_space<vmem>>
          %swap3A_143 = arith.index_cast %mul3A_139 : i32 to index
          %swap3A_144 = tpu.vector_load %swap3A_142[%swap3A_143] {strides = array<i32>} : memref<128xi32, #tpu.memory_space<vmem>>, vector<16xi32>,
          tpu.vector_store %swap3A_142[%swap3A_143], %add3A_133 {strides = array<i32>} : memref<128xi32, #tpu.memory_space<vmem>>, vector<16xi32>,
          %add3A_145 = arith.constant 262144 : i32
          %add3A_146 = vector.broadcast %add3A_145 : i32 to vector<16xi32>
          %add3A_147 = arith.addi %get3A_89, %add3A_146 : vector<16xi32>
          %mul3A_148 = arith.constant 28 : i32
          %mul3A_149 = arith.muli %while3A_76, %mul3A_148 : i32
          %add3A_150 = arith.constant 4 : i32
          %add3A_151 = arith.addi %mul3A_149, %add3A_150 : i32
          %mul3A_152 = arith.constant 16 : i32
          %mul3A_153 = arith.muli %scan3A_83, %mul3A_152 : i32
          %swap3A_154 = arith.constant 0 : i32
          %swap3A_155 = tpu.memref_slice %arg19[%add3A_151, %swap3A_154] : memref<224x128xi32, #tpu.memory_space<vmem>> -> memref<1x128xi32, #tpu.memory_space<vmem>>
          %swap3A_156 = tpu.memref_squeeze %swap3A_155 : memref<1x128xi32, #tpu.memory_space<vmem>> -> memref<128xi32, #tpu.memory_space<vmem>>
          %swap3A_157 = arith.index_cast %mul3A_153 : i32 to index
          %swap3A_158 = tpu.vector_load %swap3A_156[%swap3A_157] {strides = array<i32>} : memref<128xi32, #tpu.memory_space<vmem>>, vector<16xi32>,
          tpu.vector_store %swap3A_156[%swap3A_157], %add3A_147 {strides = array<i32>} : memref<128xi32, #tpu.memory_space<vmem>>, vector<16xi32>,
          %add3A_159 = arith.constant 327680 : i32
          %add3A_160 = vector.broadcast %add3A_159 : i32 to vector<16xi32>
          %add3A_161 = arith.addi %get3A_89, %add3A_160 : vector<16xi32>
          %mul3A_162 = arith.constant 28 : i32
          %mul3A_163 = arith.muli %while3A_76, %mul3A_162 : i32
          %add3A_164 = arith.constant 5 : i32
          %add3A_165 = arith.addi %mul3A_163, %add3A_164 : i32
          %mul3A_166 = arith.constant 16 : i32
          %mul3A_167 = arith.muli %scan3A_83, %mul3A_166 : i32
          %swap3A_168 = arith.constant 0 : i32
          %swap3A_169 = tpu.memref_slice %arg19[%add3A_165, %swap3A_168] : memref<224x128xi32, #tpu.memory_space<vmem>> -> memref<1x128xi32, #tpu.memory_space<vmem>>
          %swap3A_170 = tpu.memref_squeeze %swap3A_169 : memref<1x128xi32, #tpu.memory_space<vmem>> -> memref<128xi32, #tpu.memory_space<vmem>>
          %swap3A_171 = arith.index_cast %mul3A_167 : i32 to index
          %swap3A_172 = tpu.vector_load %swap3A_170[%swap3A_171] {strides = array<i32>} : memref<128xi32, #tpu.memory_space<vmem>>, vector<16xi32>,
          tpu.vector_store %swap3A_170[%swap3A_171], %add3A_161 {strides = array<i32>} : memref<128xi32, #tpu.memory_space<vmem>>, vector<16xi32>,
          %add3A_173 = arith.constant 393216 : i32
          %add3A_174 = vector.broadcast %add3A_173 : i32 to vector<16xi32>
          %add3A_175 = arith.addi %get3A_89, %add3A_174 : vector<16xi32>
          %mul3A_176 = arith.constant 28 : i32
          %mul3A_177 = arith.muli %while3A_76, %mul3A_176 : i32
          %add3A_178 = arith.constant 6 : i32
          %add3A_179 = arith.addi %mul3A_177, %add3A_178 : i32
          %mul3A_180 = arith.constant 16 : i32
          %mul3A_181 = arith.muli %scan3A_83, %mul3A_180 : i32
          %swap3A_182 = arith.constant 0 : i32
          %swap3A_183 = tpu.memref_slice %arg19[%add3A_179, %swap3A_182] : memref<224x128xi32, #tpu.memory_space<vmem>> -> memref<1x128xi32, #tpu.memory_space<vmem>>
          %swap3A_184 = tpu.memref_squeeze %swap3A_183 : memref<1x128xi32, #tpu.memory_space<vmem>> -> memref<128xi32, #tpu.memory_space<vmem>>
          %swap3A_185 = arith.index_cast %mul3A_181 : i32 to index
          %swap3A_186 = tpu.vector_load %swap3A_184[%swap3A_185] {strides = array<i32>} : memref<128xi32, #tpu.memory_space<vmem>>, vector<16xi32>,
          tpu.vector_store %swap3A_184[%swap3A_185], %add3A_175 {strides = array<i32>} : memref<128xi32, #tpu.memory_space<vmem>>, vector<16xi32>,
          %add3A_187 = arith.constant 458752 : i32
          %add3A_188 = vector.broadcast %add3A_187 : i32 to vector<16xi32>
          %add3A_189 = arith.addi %get3A_89, %add3A_188 : vector<16xi32>
          %mul3A_190 = arith.constant 28 : i32
          %mul3A_191 = arith.muli %while3A_76, %mul3A_190 : i32
          %add3A_192 = arith.constant 7 : i32
          %add3A_193 = arith.addi %mul3A_191, %add3A_192 : i32
          %mul3A_194 = arith.constant 16 : i32
          %mul3A_195 = arith.muli %scan3A_83, %mul3A_194 : i32
          %swap3A_196 = arith.constant 0 : i32
          %swap3A_197 = tpu.memref_slice %arg19[%add3A_193, %swap3A_196] : memref<224x128xi32, #tpu.memory_space<vmem>> -> memref<1x128xi32, #tpu.memory_space<vmem>>
          %swap3A_198 = tpu.memref_squeeze %swap3A_197 : memref<1x128xi32, #tpu.memory_space<vmem>> -> memref<128xi32, #tpu.memory_space<vmem>>
          %swap3A_199 = arith.index_cast %mul3A_195 : i32 to index
          %swap3A_200 = tpu.vector_load %swap3A_198[%swap3A_199] {strides = array<i32>} : memref<128xi32, #tpu.memory_space<vmem>>, vector<16xi32>,
          tpu.vector_store %swap3A_198[%swap3A_199], %add3A_189 {strides = array<i32>} : memref<128xi32, #tpu.memory_space<vmem>>, vector<16xi32>,
          %add3A_201 = arith.constant 524288 : i32
          %add3A_202 = vector.broadcast %add3A_201 : i32 to vector<16xi32>
          %add3A_203 = arith.addi %get3A_89, %add3A_202 : vector<16xi32>
          %mul3A_204 = arith.constant 28 : i32
          %mul3A_205 = arith.muli %while3A_76, %mul3A_204 : i32
          %add3A_206 = arith.constant 8 : i32
          %add3A_207 = arith.addi %mul3A_205, %add3A_206 : i32
          %mul3A_208 = arith.constant 16 : i32
          %mul3A_209 = arith.muli %scan3A_83, %mul3A_208 : i32
          %swap3A_210 = arith.constant 0 : i32
          %swap3A_211 = tpu.memref_slice %arg19[%add3A_207, %swap3A_210] : memref<224x128xi32, #tpu.memory_space<vmem>> -> memref<1x128xi32, #tpu.memory_space<vmem>>
          %swap3A_212 = tpu.memref_squeeze %swap3A_211 : memref<1x128xi32, #tpu.memory_space<vmem>> -> memref<128xi32, #tpu.memory_space<vmem>>
          %swap3A_213 = arith.index_cast %mul3A_209 : i32 to index
          %swap3A_214 = tpu.vector_load %swap3A_212[%swap3A_213] {strides = array<i32>} : memref<128xi32, #tpu.memory_space<vmem>>, vector<16xi32>,
          tpu.vector_store %swap3A_212[%swap3A_213], %add3A_203 {strides = array<i32>} : memref<128xi32, #tpu.memory_space<vmem>>, vector<16xi32>,
          %add3A_215 = arith.constant 589824 : i32
          %add3A_216 = vector.broadcast %add3A_215 : i32 to vector<16xi32>
          %add3A_217 = arith.addi %get3A_89, %add3A_216 : vector<16xi32>
          %mul3A_218 = arith.constant 28 : i32
          %mul3A_219 = arith.muli %while3A_76, %mul3A_218 : i32
          %add3A_220 = arith.constant 9 : i32
          %add3A_221 = arith.addi %mul3A_219, %add3A_220 : i32
          %mul3A_222 = arith.constant 16 : i32
          %mul3A_223 = arith.muli %scan3A_83, %mul3A_222 : i32
          %swap3A_224 = arith.constant 0 : i32
          %swap3A_225 = tpu.memref_slice %arg19[%add3A_221, %swap3A_224] : memref<224x128xi32, #tpu.memory_space<vmem>> -> memref<1x128xi32, #tpu.memory_space<vmem>>
          %swap3A_226 = tpu.memref_squeeze %swap3A_225 : memref<1x128xi32, #tpu.memory_space<vmem>> -> memref<128xi32, #tpu.memory_space<vmem>>
          %swap3A_227 = arith.index_cast %mul3A_223 : i32 to index
          %swap3A_228 = tpu.vector_load %swap3A_226[%swap3A_227] {strides = array<i32>} : memref<128xi32, #tpu.memory_space<vmem>>, vector<16xi32>,
          tpu.vector_store %swap3A_226[%swap3A_227], %add3A_217 {strides = array<i32>} : memref<128xi32, #tpu.memory_space<vmem>>, vector<16xi32>,
          %add3A_229 = arith.constant 655360 : i32
          %add3A_230 = vector.broadcast %add3A_229 : i32 to vector<16xi32>
          %add3A_231 = arith.addi %get3A_89, %add3A_230 : vector<16xi32>
          %mul3A_232 = arith.constant 28 : i32
          %mul3A_233 = arith.muli %while3A_76, %mul3A_232 : i32
          %add3A_234 = arith.constant 10 : i32
          %add3A_235 = arith.addi %mul3A_233, %add3A_234 : i32
          %mul3A_236 = arith.constant 16 : i32
          %mul3A_237 = arith.muli %scan3A_83, %mul3A_236 : i32
          %swap3A_238 = arith.constant 0 : i32
          %swap3A_239 = tpu.memref_slice %arg19[%add3A_235, %swap3A_238] : memref<224x128xi32, #tpu.memory_space<vmem>> -> memref<1x128xi32, #tpu.memory_space<vmem>>
          %swap3A_240 = tpu.memref_squeeze %swap3A_239 : memref<1x128xi32, #tpu.memory_space<vmem>> -> memref<128xi32, #tpu.memory_space<vmem>>
          %swap3A_241 = arith.index_cast %mul3A_237 : i32 to index
          %swap3A_242 = tpu.vector_load %swap3A_240[%swap3A_241] {strides = array<i32>} : memref<128xi32, #tpu.memory_space<vmem>>, vector<16xi32>,
          tpu.vector_store %swap3A_240[%swap3A_241], %add3A_231 {strides = array<i32>} : memref<128xi32, #tpu.memory_space<vmem>>, vector<16xi32>,
          %add3A_243 = arith.constant 720896 : i32
          %add3A_244 = vector.broadcast %add3A_243 : i32 to vector<16xi32>
          %add3A_245 = arith.addi %get3A_89, %add3A_244 : vector<16xi32>
          %mul3A_246 = arith.constant 28 : i32
          %mul3A_247 = arith.muli %while3A_76, %mul3A_246 : i32
          %add3A_248 = arith.constant 11 : i32
          %add3A_249 = arith.addi %mul3A_247, %add3A_248 : i32
          %mul3A_250 = arith.constant 16 : i32
          %mul3A_251 = arith.muli %scan3A_83, %mul3A_250 : i32
          %swap3A_252 = arith.constant 0 : i32
          %swap3A_253 = tpu.memref_slice %arg19[%add3A_249, %swap3A_252] : memref<224x128xi32, #tpu.memory_space<vmem>> -> memref<1x128xi32, #tpu.memory_space<vmem>>
          %swap3A_254 = tpu.memref_squeeze %swap3A_253 : memref<1x128xi32, #tpu.memory_space<vmem>> -> memref<128xi32, #tpu.memory_space<vmem>>
          %swap3A_255 = arith.index_cast %mul3A_251 : i32 to index
          %swap3A_256 = tpu.vector_load %swap3A_254[%swap3A_255] {strides = array<i32>} : memref<128xi32, #tpu.memory_space<vmem>>, vector<16xi32>,
          tpu.vector_store %swap3A_254[%swap3A_255], %add3A_245 {strides = array<i32>} : memref<128xi32, #tpu.memory_space<vmem>>, vector<16xi32>,
          %add3A_257 = arith.constant 786432 : i32
          %add3A_258 = vector.broadcast %add3A_257 : i32 to vector<16xi32>
          %add3A_259 = arith.addi %get3A_89, %add3A_258 : vector<16xi32>
          %mul3A_260 = arith.constant 28 : i32
          %mul3A_261 = arith.muli %while3A_76, %mul3A_260 : i32
          %add3A_262 = arith.constant 12 : i32
          %add3A_263 = arith.addi %mul3A_261, %add3A_262 : i32
          %mul3A_264 = arith.constant 16 : i32
          %mul3A_265 = arith.muli %scan3A_83, %mul3A_264 : i32
          %swap3A_266 = arith.constant 0 : i32
          %swap3A_267 = tpu.memref_slice %arg19[%add3A_263, %swap3A_266] : memref<224x128xi32, #tpu.memory_space<vmem>> -> memref<1x128xi32, #tpu.memory_space<vmem>>
          %swap3A_268 = tpu.memref_squeeze %swap3A_267 : memref<1x128xi32, #tpu.memory_space<vmem>> -> memref<128xi32, #tpu.memory_space<vmem>>
          %swap3A_269 = arith.index_cast %mul3A_265 : i32 to index
          %swap3A_270 = tpu.vector_load %swap3A_268[%swap3A_269] {strides = array<i32>} : memref<128xi32, #tpu.memory_space<vmem>>, vector<16xi32>,
          tpu.vector_store %swap3A_268[%swap3A_269], %add3A_259 {strides = array<i32>} : memref<128xi32, #tpu.memory_space<vmem>>, vector<16xi32>,
          %add3A_271 = arith.constant 851968 : i32
          %add3A_272 = vector.broadcast %add3A_271 : i32 to vector<16xi32>
          %add3A_273 = arith.addi %get3A_89, %add3A_272 : vector<16xi32>
          %mul3A_274 = arith.constant 28 : i32
          %mul3A_275 = arith.muli %while3A_76, %mul3A_274 : i32
          %add3A_276 = arith.constant 13 : i32
          %add3A_277 = arith.addi %mul3A_275, %add3A_276 : i32
          %mul3A_278 = arith.constant 16 : i32
          %mul3A_279 = arith.muli %scan3A_83, %mul3A_278 : i32
          %swap3A_280 = arith.constant 0 : i32
          %swap3A_281 = tpu.memref_slice %arg19[%add3A_277, %swap3A_280] : memref<224x128xi32, #tpu.memory_space<vmem>> -> memref<1x128xi32, #tpu.memory_space<vmem>>
          %swap3A_282 = tpu.memref_squeeze %swap3A_281 : memref<1x128xi32, #tpu.memory_space<vmem>> -> memref<128xi32, #tpu.memory_space<vmem>>
          %swap3A_283 = arith.index_cast %mul3A_279 : i32 to index
          %swap3A_284 = tpu.vector_load %swap3A_282[%swap3A_283] {strides = array<i32>} : memref<128xi32, #tpu.memory_space<vmem>>, vector<16xi32>,
          tpu.vector_store %swap3A_282[%swap3A_283], %add3A_273 {strides = array<i32>} : memref<128xi32, #tpu.memory_space<vmem>>, vector<16xi32>,
          %add3A_285 = arith.constant 917504 : i32
          %add3A_286 = vector.broadcast %add3A_285 : i32 to vector<16xi32>
          %add3A_287 = arith.addi %get3A_89, %add3A_286 : vector<16xi32>
          %mul3A_288 = arith.constant 28 : i32
          %mul3A_289 = arith.muli %while3A_76, %mul3A_288 : i32
          %add3A_290 = arith.constant 14 : i32
          %add3A_291 = arith.addi %mul3A_289, %add3A_290 : i32
          %mul3A_292 = arith.constant 16 : i32
          %mul3A_293 = arith.muli %scan3A_83, %mul3A_292 : i32
          %swap3A_294 = arith.constant 0 : i32
          %swap3A_295 = tpu.memref_slice %arg19[%add3A_291, %swap3A_294] : memref<224x128xi32, #tpu.memory_space<vmem>> -> memref<1x128xi32, #tpu.memory_space<vmem>>
          %swap3A_296 = tpu.memref_squeeze %swap3A_295 : memref<1x128xi32, #tpu.memory_space<vmem>> -> memref<128xi32, #tpu.memory_space<vmem>>
          %swap3A_297 = arith.index_cast %mul3A_293 : i32 to index
          %swap3A_298 = tpu.vector_load %swap3A_296[%swap3A_297] {strides = array<i32>} : memref<128xi32, #tpu.memory_space<vmem>>, vector<16xi32>,
          tpu.vector_store %swap3A_296[%swap3A_297], %add3A_287 {strides = array<i32>} : memref<128xi32, #tpu.memory_space<vmem>>, vector<16xi32>,
          %add3A_299 = arith.constant 983040 : i32
          %add3A_300 = vector.broadcast %add3A_299 : i32 to vector<16xi32>
          %add3A_301 = arith.addi %get3A_89, %add3A_300 : vector<16xi32>
          %mul3A_302 = arith.constant 28 : i32
          %mul3A_303 = arith.muli %while3A_76, %mul3A_302 : i32
          %add3A_304 = arith.constant 15 : i32
          %add3A_305 = arith.addi %mul3A_303, %add3A_304 : i32
          %mul3A_306 = arith.constant 16 : i32
          %mul3A_307 = arith.muli %scan3A_83, %mul3A_306 : i32
          %swap3A_308 = arith.constant 0 : i32
          %swap3A_309 = tpu.memref_slice %arg19[%add3A_305, %swap3A_308] : memref<224x128xi32, #tpu.memory_space<vmem>> -> memref<1x128xi32, #tpu.memory_space<vmem>>
          %swap3A_310 = tpu.memref_squeeze %swap3A_309 : memref<1x128xi32, #tpu.memory_space<vmem>> -> memref<128xi32, #tpu.memory_space<vmem>>
          %swap3A_311 = arith.index_cast %mul3A_307 : i32 to index
          %swap3A_312 = tpu.vector_load %swap3A_310[%swap3A_311] {strides = array<i32>} : memref<128xi32, #tpu.memory_space<vmem>>, vector<16xi32>,
          tpu.vector_store %swap3A_310[%swap3A_311], %add3A_301 {strides = array<i32>} : memref<128xi32, #tpu.memory_space<vmem>>, vector<16xi32>,
          %add3A_313 = arith.constant 1048576 : i32
          %add3A_314 = vector.broadcast %add3A_313 : i32 to vector<16xi32>
          %add3A_315 = arith.addi %get3A_89, %add3A_314 : vector<16xi32>
          %mul3A_316 = arith.constant 28 : i32
          %mul3A_317 = arith.muli %while3A_76, %mul3A_316 : i32
          %add3A_318 = arith.constant 16 : i32
          %add3A_319 = arith.addi %mul3A_317, %add3A_318 : i32
          %mul3A_320 = arith.constant 16 : i32
          %mul3A_321 = arith.muli %scan3A_83, %mul3A_320 : i32
          %swap3A_322 = arith.constant 0 : i32
          %swap3A_323 = tpu.memref_slice %arg19[%add3A_319, %swap3A_322] : memref<224x128xi32, #tpu.memory_space<vmem>> -> memref<1x128xi32, #tpu.memory_space<vmem>>
          %swap3A_324 = tpu.memref_squeeze %swap3A_323 : memref<1x128xi32, #tpu.memory_space<vmem>> -> memref<128xi32, #tpu.memory_space<vmem>>
          %swap3A_325 = arith.index_cast %mul3A_321 : i32 to index
          %swap3A_326 = tpu.vector_load %swap3A_324[%swap3A_325] {strides = array<i32>} : memref<128xi32, #tpu.memory_space<vmem>>, vector<16xi32>,
          tpu.vector_store %swap3A_324[%swap3A_325], %add3A_315 {strides = array<i32>} : memref<128xi32, #tpu.memory_space<vmem>>, vector<16xi32>,
          %add3A_327 = arith.constant 1114112 : i32
          %add3A_328 = vector.broadcast %add3A_327 : i32 to vector<16xi32>
          %add3A_329 = arith.addi %get3A_89, %add3A_328 : vector<16xi32>
          %mul3A_330 = arith.constant 28 : i32
          %mul3A_331 = arith.muli %while3A_76, %mul3A_330 : i32
          %add3A_332 = arith.constant 17 : i32
          %add3A_333 = arith.addi %mul3A_331, %add3A_332 : i32
          %mul3A_334 = arith.constant 16 : i32
          %mul3A_335 = arith.muli %scan3A_83, %mul3A_334 : i32
          %swap3A_336 = arith.constant 0 : i32
          %swap3A_337 = tpu.memref_slice %arg19[%add3A_333, %swap3A_336] : memref<224x128xi32, #tpu.memory_space<vmem>> -> memref<1x128xi32, #tpu.memory_space<vmem>>
          %swap3A_338 = tpu.memref_squeeze %swap3A_337 : memref<1x128xi32, #tpu.memory_space<vmem>> -> memref<128xi32, #tpu.memory_space<vmem>>
          %swap3A_339 = arith.index_cast %mul3A_335 : i32 to index
          %swap3A_340 = tpu.vector_load %swap3A_338[%swap3A_339] {strides = array<i32>} : memref<128xi32, #tpu.memory_space<vmem>>, vector<16xi32>,
          tpu.vector_store %swap3A_338[%swap3A_339], %add3A_329 {strides = array<i32>} : memref<128xi32, #tpu.memory_space<vmem>>, vector<16xi32>,
          %add3A_341 = arith.constant 1179648 : i32
          %add3A_342 = vector.broadcast %add3A_341 : i32 to vector<16xi32>
          %add3A_343 = arith.addi %get3A_89, %add3A_342 : vector<16xi32>
          %mul3A_344 = arith.constant 28 : i32
          %mul3A_345 = arith.muli %while3A_76, %mul3A_344 : i32
          %add3A_346 = arith.constant 18 : i32
          %add3A_347 = arith.addi %mul3A_345, %add3A_346 : i32
          %mul3A_348 = arith.constant 16 : i32
          %mul3A_349 = arith.muli %scan3A_83, %mul3A_348 : i32
          %swap3A_350 = arith.constant 0 : i32
          %swap3A_351 = tpu.memref_slice %arg19[%add3A_347, %swap3A_350] : memref<224x128xi32, #tpu.memory_space<vmem>> -> memref<1x128xi32, #tpu.memory_space<vmem>>
          %swap3A_352 = tpu.memref_squeeze %swap3A_351 : memref<1x128xi32, #tpu.memory_space<vmem>> -> memref<128xi32, #tpu.memory_space<vmem>>
          %swap3A_353 = arith.index_cast %mul3A_349 : i32 to index
          %swap3A_354 = tpu.vector_load %swap3A_352[%swap3A_353] {strides = array<i32>} : memref<128xi32, #tpu.memory_space<vmem>>, vector<16xi32>,
          tpu.vector_store %swap3A_352[%swap3A_353], %add3A_343 {strides = array<i32>} : memref<128xi32, #tpu.memory_space<vmem>>, vector<16xi32>,
          %add3A_355 = arith.constant 1245184 : i32
          %add3A_356 = vector.broadcast %add3A_355 : i32 to vector<16xi32>
          %add3A_357 = arith.addi %get3A_89, %add3A_356 : vector<16xi32>
          %mul3A_358 = arith.constant 28 : i32
          %mul3A_359 = arith.muli %while3A_76, %mul3A_358 : i32
          %add3A_360 = arith.constant 19 : i32
          %add3A_361 = arith.addi %mul3A_359, %add3A_360 : i32
          %mul3A_362 = arith.constant 16 : i32
          %mul3A_363 = arith.muli %scan3A_83, %mul3A_362 : i32
          %swap3A_364 = arith.constant 0 : i32
          %swap3A_365 = tpu.memref_slice %arg19[%add3A_361, %swap3A_364] : memref<224x128xi32, #tpu.memory_space<vmem>> -> memref<1x128xi32, #tpu.memory_space<vmem>>
          %swap3A_366 = tpu.memref_squeeze %swap3A_365 : memref<1x128xi32, #tpu.memory_space<vmem>> -> memref<128xi32, #tpu.memory_space<vmem>>
          %swap3A_367 = arith.index_cast %mul3A_363 : i32 to index
          %swap3A_368 = tpu.vector_load %swap3A_366[%swap3A_367] {strides = array<i32>} : memref<128xi32, #tpu.memory_space<vmem>>, vector<16xi32>,
          tpu.vector_store %swap3A_366[%swap3A_367], %add3A_357 {strides = array<i32>} : memref<128xi32, #tpu.memory_space<vmem>>, vector<16xi32>,
          %add3A_369 = arith.constant 1310720 : i32
          %add3A_370 = vector.broadcast %add3A_369 : i32 to vector<16xi32>
          %add3A_371 = arith.addi %get3A_89, %add3A_370 : vector<16xi32>
          %mul3A_372 = arith.constant 28 : i32
          %mul3A_373 = arith.muli %while3A_76, %mul3A_372 : i32
          %add3A_374 = arith.constant 20 : i32
          %add3A_375 = arith.addi %mul3A_373, %add3A_374 : i32
          %mul3A_376 = arith.constant 16 : i32
          %mul3A_377 = arith.muli %scan3A_83, %mul3A_376 : i32
          %swap3A_378 = arith.constant 0 : i32
          %swap3A_379 = tpu.memref_slice %arg19[%add3A_375, %swap3A_378] : memref<224x128xi32, #tpu.memory_space<vmem>> -> memref<1x128xi32, #tpu.memory_space<vmem>>
          %swap3A_380 = tpu.memref_squeeze %swap3A_379 : memref<1x128xi32, #tpu.memory_space<vmem>> -> memref<128xi32, #tpu.memory_space<vmem>>
          %swap3A_381 = arith.index_cast %mul3A_377 : i32 to index
          %swap3A_382 = tpu.vector_load %swap3A_380[%swap3A_381] {strides = array<i32>} : memref<128xi32, #tpu.memory_space<vmem>>, vector<16xi32>,
          tpu.vector_store %swap3A_380[%swap3A_381], %add3A_371 {strides = array<i32>} : memref<128xi32, #tpu.memory_space<vmem>>, vector<16xi32>,
          %add3A_383 = arith.constant 1376256 : i32
          %add3A_384 = vector.broadcast %add3A_383 : i32 to vector<16xi32>
          %add3A_385 = arith.addi %get3A_89, %add3A_384 : vector<16xi32>
          %mul3A_386 = arith.constant 28 : i32
          %mul3A_387 = arith.muli %while3A_76, %mul3A_386 : i32
          %add3A_388 = arith.constant 21 : i32
          %add3A_389 = arith.addi %mul3A_387, %add3A_388 : i32
          %mul3A_390 = arith.constant 16 : i32
          %mul3A_391 = arith.muli %scan3A_83, %mul3A_390 : i32
          %swap3A_392 = arith.constant 0 : i32
          %swap3A_393 = tpu.memref_slice %arg19[%add3A_389, %swap3A_392] : memref<224x128xi32, #tpu.memory_space<vmem>> -> memref<1x128xi32, #tpu.memory_space<vmem>>
          %swap3A_394 = tpu.memref_squeeze %swap3A_393 : memref<1x128xi32, #tpu.memory_space<vmem>> -> memref<128xi32, #tpu.memory_space<vmem>>
          %swap3A_395 = arith.index_cast %mul3A_391 : i32 to index
          %swap3A_396 = tpu.vector_load %swap3A_394[%swap3A_395] {strides = array<i32>} : memref<128xi32, #tpu.memory_space<vmem>>, vector<16xi32>,
          tpu.vector_store %swap3A_394[%swap3A_395], %add3A_385 {strides = array<i32>} : memref<128xi32, #tpu.memory_space<vmem>>, vector<16xi32>,
          %add3A_397 = arith.constant 1441792 : i32
          %add3A_398 = vector.broadcast %add3A_397 : i32 to vector<16xi32>
          %add3A_399 = arith.addi %get3A_89, %add3A_398 : vector<16xi32>
          %mul3A_400 = arith.constant 28 : i32
          %mul3A_401 = arith.muli %while3A_76, %mul3A_400 : i32
          %add3A_402 = arith.constant 22 : i32
          %add3A_403 = arith.addi %mul3A_401, %add3A_402 : i32
          %mul3A_404 = arith.constant 16 : i32
          %mul3A_405 = arith.muli %scan3A_83, %mul3A_404 : i32
          %swap3A_406 = arith.constant 0 : i32
          %swap3A_407 = tpu.memref_slice %arg19[%add3A_403, %swap3A_406] : memref<224x128xi32, #tpu.memory_space<vmem>> -> memref<1x128xi32, #tpu.memory_space<vmem>>
          %swap3A_408 = tpu.memref_squeeze %swap3A_407 : memref<1x128xi32, #tpu.memory_space<vmem>> -> memref<128xi32, #tpu.memory_space<vmem>>
          %swap3A_409 = arith.index_cast %mul3A_405 : i32 to index
          %swap3A_410 = tpu.vector_load %swap3A_408[%swap3A_409] {strides = array<i32>} : memref<128xi32, #tpu.memory_space<vmem>>, vector<16xi32>,
          tpu.vector_store %swap3A_408[%swap3A_409], %add3A_399 {strides = array<i32>} : memref<128xi32, #tpu.memory_space<vmem>>, vector<16xi32>,
          %add3A_411 = arith.constant 1507328 : i32
          %add3A_412 = vector.broadcast %add3A_411 : i32 to vector<16xi32>
          %add3A_413 = arith.addi %get3A_89, %add3A_412 : vector<16xi32>
          %mul3A_414 = arith.constant 28 : i32
          %mul3A_415 = arith.muli %while3A_76, %mul3A_414 : i32
          %add3A_416 = arith.constant 23 : i32
          %add3A_417 = arith.addi %mul3A_415, %add3A_416 : i32
          %mul3A_418 = arith.constant 16 : i32
          %mul3A_419 = arith.muli %scan3A_83, %mul3A_418 : i32
          %swap3A_420 = arith.constant 0 : i32
          %swap3A_421 = tpu.memref_slice %arg19[%add3A_417, %swap3A_420] : memref<224x128xi32, #tpu.memory_space<vmem>> -> memref<1x128xi32, #tpu.memory_space<vmem>>
          %swap3A_422 = tpu.memref_squeeze %swap3A_421 : memref<1x128xi32, #tpu.memory_space<vmem>> -> memref<128xi32, #tpu.memory_space<vmem>>
          %swap3A_423 = arith.index_cast %mul3A_419 : i32 to index
          %swap3A_424 = tpu.vector_load %swap3A_422[%swap3A_423] {strides = array<i32>} : memref<128xi32, #tpu.memory_space<vmem>>, vector<16xi32>,
          tpu.vector_store %swap3A_422[%swap3A_423], %add3A_413 {strides = array<i32>} : memref<128xi32, #tpu.memory_space<vmem>>, vector<16xi32>,
          %add3A_425 = arith.constant 1572864 : i32
          %add3A_426 = vector.broadcast %add3A_425 : i32 to vector<16xi32>
          %add3A_427 = arith.addi %get3A_89, %add3A_426 : vector<16xi32>
          %mul3A_428 = arith.constant 28 : i32
          %mul3A_429 = arith.muli %while3A_76, %mul3A_428 : i32
          %add3A_430 = arith.constant 24 : i32
          %add3A_431 = arith.addi %mul3A_429, %add3A_430 : i32
          %mul3A_432 = arith.constant 16 : i32
          %mul3A_433 = arith.muli %scan3A_83, %mul3A_432 : i32
          %swap3A_434 = arith.constant 0 : i32
          %swap3A_435 = tpu.memref_slice %arg19[%add3A_431, %swap3A_434] : memref<224x128xi32, #tpu.memory_space<vmem>> -> memref<1x128xi32, #tpu.memory_space<vmem>>
          %swap3A_436 = tpu.memref_squeeze %swap3A_435 : memref<1x128xi32, #tpu.memory_space<vmem>> -> memref<128xi32, #tpu.memory_space<vmem>>
          %swap3A_437 = arith.index_cast %mul3A_433 : i32 to index
          %swap3A_438 = tpu.vector_load %swap3A_436[%swap3A_437] {strides = array<i32>} : memref<128xi32, #tpu.memory_space<vmem>>, vector<16xi32>,
          tpu.vector_store %swap3A_436[%swap3A_437], %add3A_427 {strides = array<i32>} : memref<128xi32, #tpu.memory_space<vmem>>, vector<16xi32>,
          %add3A_439 = arith.constant 1638400 : i32
          %add3A_440 = vector.broadcast %add3A_439 : i32 to vector<16xi32>
          %add3A_441 = arith.addi %get3A_89, %add3A_440 : vector<16xi32>
          %mul3A_442 = arith.constant 28 : i32
          %mul3A_443 = arith.muli %while3A_76, %mul3A_442 : i32
          %add3A_444 = arith.constant 25 : i32
          %add3A_445 = arith.addi %mul3A_443, %add3A_444 : i32
          %mul3A_446 = arith.constant 16 : i32
          %mul3A_447 = arith.muli %scan3A_83, %mul3A_446 : i32
          %swap3A_448 = arith.constant 0 : i32
          %swap3A_449 = tpu.memref_slice %arg19[%add3A_445, %swap3A_448] : memref<224x128xi32, #tpu.memory_space<vmem>> -> memref<1x128xi32, #tpu.memory_space<vmem>>
          %swap3A_450 = tpu.memref_squeeze %swap3A_449 : memref<1x128xi32, #tpu.memory_space<vmem>> -> memref<128xi32, #tpu.memory_space<vmem>>
          %swap3A_451 = arith.index_cast %mul3A_447 : i32 to index
          %swap3A_452 = tpu.vector_load %swap3A_450[%swap3A_451] {strides = array<i32>} : memref<128xi32, #tpu.memory_space<vmem>>, vector<16xi32>,
          tpu.vector_store %swap3A_450[%swap3A_451], %add3A_441 {strides = array<i32>} : memref<128xi32, #tpu.memory_space<vmem>>, vector<16xi32>,
          %add3A_453 = arith.constant 1703936 : i32
          %add3A_454 = vector.broadcast %add3A_453 : i32 to vector<16xi32>
          %add3A_455 = arith.addi %get3A_89, %add3A_454 : vector<16xi32>
          %mul3A_456 = arith.constant 28 : i32
          %mul3A_457 = arith.muli %while3A_76, %mul3A_456 : i32
          %add3A_458 = arith.constant 26 : i32
          %add3A_459 = arith.addi %mul3A_457, %add3A_458 : i32
          %mul3A_460 = arith.constant 16 : i32
          %mul3A_461 = arith.muli %scan3A_83, %mul3A_460 : i32
          %swap3A_462 = arith.constant 0 : i32
          %swap3A_463 = tpu.memref_slice %arg19[%add3A_459, %swap3A_462] : memref<224x128xi32, #tpu.memory_space<vmem>> -> memref<1x128xi32, #tpu.memory_space<vmem>>
          %swap3A_464 = tpu.memref_squeeze %swap3A_463 : memref<1x128xi32, #tpu.memory_space<vmem>> -> memref<128xi32, #tpu.memory_space<vmem>>
          %swap3A_465 = arith.index_cast %mul3A_461 : i32 to index
          %swap3A_466 = tpu.vector_load %swap3A_464[%swap3A_465] {strides = array<i32>} : memref<128xi32, #tpu.memory_space<vmem>>, vector<16xi32>,
          tpu.vector_store %swap3A_464[%swap3A_465], %add3A_455 {strides = array<i32>} : memref<128xi32, #tpu.memory_space<vmem>>, vector<16xi32>,
          %add3A_467 = arith.constant 1769472 : i32
          %add3A_468 = vector.broadcast %add3A_467 : i32 to vector<16xi32>
          %add3A_469 = arith.addi %get3A_89, %add3A_468 : vector<16xi32>
          %mul3A_470 = arith.constant 28 : i32
          %mul3A_471 = arith.muli %while3A_76, %mul3A_470 : i32
          %add3A_472 = arith.constant 27 : i32
          %add3A_473 = arith.addi %mul3A_471, %add3A_472 : i32
          %mul3A_474 = arith.constant 16 : i32
          %mul3A_475 = arith.muli %scan3A_83, %mul3A_474 : i32
          %swap3A_476 = arith.constant 0 : i32
          %swap3A_477 = tpu.memref_slice %arg19[%add3A_473, %swap3A_476] : memref<224x128xi32, #tpu.memory_space<vmem>> -> memref<1x128xi32, #tpu.memory_space<vmem>>
          %swap3A_478 = tpu.memref_squeeze %swap3A_477 : memref<1x128xi32, #tpu.memory_space<vmem>> -> memref<128xi32, #tpu.memory_space<vmem>>
          %swap3A_479 = arith.index_cast %mul3A_475 : i32 to index
          %swap3A_480 = tpu.vector_load %swap3A_478[%swap3A_479] {strides = array<i32>} : memref<128xi32, #tpu.memory_space<vmem>>, vector<16xi32>,
          tpu.vector_store %swap3A_478[%swap3A_479], %add3A_469 {strides = array<i32>} : memref<128xi32, #tpu.memory_space<vmem>>, vector<16xi32>,
        }
        %scan3A_82 = arith.constant 8 : i32
      }
      %mul3A_38 = arith.constant 28 : i32
      %mul3A_39 = arith.muli %shift_right_arithmetic3A_28, %mul3A_38 : i32
      %while3A_40 = arith.constant 0 : i32
      %while3A_41 = arith.constant 0 : i32
      %while3A_42 = arith.subi %mul3A_39, %while3A_41 : i32
      %while3A_43 = arith.addi %while3A_41, %while3A_42 : i32
      %while3A_44 = arith.constant 1 : i32
      %while3A_45 = arith.divsi %while3A_42, %while3A_44 : i32
      %while3A_46 = arith.muli %while3A_45, %while3A_44 : i32
      %while3A_47 = arith.addi %while3A_41, %while3A_46 : i32
      %while3A_48 = arith.constant 1 : i32
      scf.for %while3A_76 = %while3A_41 to %while3A_47 step %while3A_48  : i32 {
        %mul3A_77 = arith.constant 128 : i32
        %mul3A_78 = arith.muli %while3A_76, %mul3A_77 : i32
        %dma_start3A = tpu.memref_slice %arg22[%mul3A_78] : memref<28672xf32, #tpu.memory_space<vmem>> -> memref<128xf32, #tpu.memory_space<vmem>>
        %dma_start3A_79 = arith.constant 0 : i32
        %dma_start3A_80 = tpu.memref_slice %arg19[%while3A_76, %dma_start3A_79] : memref<224x128xi32, #tpu.memory_space<vmem>> -> memref<1x128xi32, #tpu.memory_space<vmem>>
        %dma_start3A_81 = tpu.memref_squeeze %dma_start3A_80 : memref<1x128xi32, #tpu.memory_space<vmem>> -> memref<128xi32, #tpu.memory_space<vmem>>
        %dma_start3A_82 = arith.constant 0 : i32
        %dma_start3A_83 = tpu.memref_slice %arg8[%dma_start3A_82] : memref<469762048xf32, #tpu.memory_space<hbm>> -> memref<469762048xf32, #tpu.memory_space<hbm>>
        tpu.enqueue_indirect_dma source(%dma_start3A_83 : memref<469762048xf32, #tpu.memory_space<hbm>>) target(%dma_start3A : memref<128xf32, #tpu.memory_space<vmem>>) offsets(%dma_start3A_81 : memref<128xi32, #tpu.memory_space<vmem>>) semaphore(%arg27 : memref<!tpu.dma_semaphore, #tpu.memory_space<semaphore_mem>>)
      }
      %while3A_49 = arith.constant 1 : i32
      scf.for %while3A_76 = %while3A_47 to %while3A_43 step %while3A_49  : i32 {
        %mul3A_77 = arith.constant 128 : i32
        %mul3A_78 = arith.muli %while3A_76, %mul3A_77 : i32
        %dma_start3A = tpu.memref_slice %arg22[%mul3A_78] : memref<28672xf32, #tpu.memory_space<vmem>> -> memref<128xf32, #tpu.memory_space<vmem>>
        %dma_start3A_79 = arith.constant 0 : i32
        %dma_start3A_80 = tpu.memref_slice %arg19[%while3A_76, %dma_start3A_79] : memref<224x128xi32, #tpu.memory_space<vmem>> -> memref<1x128xi32, #tpu.memory_space<vmem>>
        %dma_start3A_81 = tpu.memref_squeeze %dma_start3A_80 : memref<1x128xi32, #tpu.memory_space<vmem>> -> memref<128xi32, #tpu.memory_space<vmem>>
        %dma_start3A_82 = arith.constant 0 : i32
        %dma_start3A_83 = tpu.memref_slice %arg8[%dma_start3A_82] : memref<469762048xf32, #tpu.memory_space<hbm>> -> memref<469762048xf32, #tpu.memory_space<hbm>>
        tpu.enqueue_indirect_dma source(%dma_start3A_83 : memref<469762048xf32, #tpu.memory_space<hbm>>) target(%dma_start3A : memref<128xf32, #tpu.memory_space<vmem>>) offsets(%dma_start3A_81 : memref<128xi32, #tpu.memory_space<vmem>>) semaphore(%arg27 : memref<!tpu.dma_semaphore, #tpu.memory_space<semaphore_mem>>)
      }
      %mul3A_50 = arith.constant 28 : i32
      %mul3A_51 = arith.muli %shift_right_arithmetic3A_28, %mul3A_50 : i32
      %while3A_52 = arith.constant 0 : i32
      %while3A_53 = arith.constant 0 : i32
      %while3A_54 = arith.subi %mul3A_51, %while3A_53 : i32
      %while3A_55 = arith.addi %while3A_53, %while3A_54 : i32
      %while3A_56 = arith.constant 1 : i32
      %while3A_57 = arith.divsi %while3A_54, %while3A_56 : i32
      %while3A_58 = arith.muli %while3A_57, %while3A_56 : i32
      %while3A_59 = arith.addi %while3A_53, %while3A_58 : i32
      %while3A_60 = arith.constant 1 : i32
      scf.for %while3A_76 = %while3A_53 to %while3A_59 step %while3A_60  : i32 {
        %dma_wait3A = arith.constant 0 : i32
        %dma_wait3A_77 = arith.constant 0 : i32
        %dma_wait3A_78 = tpu.memref_slice %arg22[%dma_wait3A_77] : memref<28672xf32, #tpu.memory_space<vmem>> -> memref<128xf32, #tpu.memory_space<vmem>>
        %dma_wait3A_79 = arith.constant 0 : i32
        %dma_wait3A_80 = tpu.memref_slice %arg19[%dma_wait3A, %dma_wait3A_79] : memref<224x128xi32, #tpu.memory_space<vmem>> -> memref<1x128xi32, #tpu.memory_space<vmem>>
        %dma_wait3A_81 = tpu.memref_squeeze %dma_wait3A_80 : memref<1x128xi32, #tpu.memory_space<vmem>> -> memref<128xi32, #tpu.memory_space<vmem>>
        %dma_wait3A_82 = arith.constant 0 : i32
        %dma_wait3A_83 = tpu.memref_slice %arg8[%dma_wait3A_82] : memref<469762048xf32, #tpu.memory_space<hbm>> -> memref<469762048xf32, #tpu.memory_space<hbm>>
        tpu.wait_indirect_dma semaphore(%arg27 : memref<!tpu.dma_semaphore, #tpu.memory_space<semaphore_mem>>) src(%dma_wait3A_83 : memref<469762048xf32, #tpu.memory_space<hbm>>) dst(%dma_wait3A_78 : memref<128xf32, #tpu.memory_space<vmem>>)
      }
      %while3A_61 = arith.constant 1 : i32
      scf.for %while3A_76 = %while3A_59 to %while3A_55 step %while3A_61  : i32 {
        %dma_wait3A = arith.constant 0 : i32
        %dma_wait3A_77 = arith.constant 0 : i32
        %dma_wait3A_78 = tpu.memref_slice %arg22[%dma_wait3A_77] : memref<28672xf32, #tpu.memory_space<vmem>> -> memref<128xf32, #tpu.memory_space<vmem>>
        %dma_wait3A_79 = arith.constant 0 : i32
        %dma_wait3A_80 = tpu.memref_slice %arg19[%dma_wait3A, %dma_wait3A_79] : memref<224x128xi32, #tpu.memory_space<vmem>> -> memref<1x128xi32, #tpu.memory_space<vmem>>
        %dma_wait3A_81 = tpu.memref_squeeze %dma_wait3A_80 : memref<1x128xi32, #tpu.memory_space<vmem>> -> memref<128xi32, #tpu.memory_space<vmem>>
        %dma_wait3A_82 = arith.constant 0 : i32
        %dma_wait3A_83 = tpu.memref_slice %arg8[%dma_wait3A_82] : memref<469762048xf32, #tpu.memory_space<hbm>> -> memref<469762048xf32, #tpu.memory_space<hbm>>
        tpu.wait_indirect_dma semaphore(%arg27 : memref<!tpu.dma_semaphore, #tpu.memory_space<semaphore_mem>>) src(%dma_wait3A_83 : memref<469762048xf32, #tpu.memory_space<hbm>>) dst(%dma_wait3A_78 : memref<128xf32, #tpu.memory_space<vmem>>)
      }
      %add3A_62 = arith.constant 15 : i32
      %add3A_63 = arith.addi %scan3A_24, %add3A_62 : i32
      %shift_right_arithmetic3A_64 = arith.constant 4 : i32
      %shift_right_arithmetic3A_65 = arith.shrsi %add3A_63, %shift_right_arithmetic3A_64 : i32
      %while3A_66 = arith.constant 0 : i32
      %while3A_67 = arith.constant 0 : i32
      %while3A_68 = arith.subi %shift_right_arithmetic3A_65, %while3A_67 : i32
      %while3A_69 = arith.addi %while3A_67, %while3A_68 : i32
      %while3A_70 = arith.constant 1 : i32
      %while3A_71 = arith.divsi %while3A_68, %while3A_70 : i32
      %while3A_72 = arith.muli %while3A_71, %while3A_70 : i32
      %while3A_73 = arith.addi %while3A_67, %while3A_72 : i32
      %while3A_74 = arith.constant 1 : i32
      scf.for %while3A_76 = %while3A_67 to %while3A_73 step %while3A_74  : i32 {
        %mul3A_77 = arith.constant 16 : i32
        %mul3A_78 = arith.muli %while3A_76, %mul3A_77 : i32
        %add3A_79 = vector.broadcast %mul3A_78 : i32 to vector<16xi32>
        %add3A_80 = arith.addi %add3A_79, %iota3A : vector<16xi32>
        %lt3A = vector.broadcast %scan3A_24 : i32 to vector<16xi32>
        %lt3A_81 = arith.cmpi slt, %add3A_80, %lt3A : vector<16xi32>
        %mul3A_82 = arith.constant 16 : i32
        %mul3A_83 = arith.muli %while3A_76, %mul3A_82 : i32
        %get3A = arith.index_cast %mul3A_83 : i32 to index
        %get3A_84 = tpu.vector_load %arg21[%get3A] {strides = array<i32>} : memref<1024xi32, #tpu.memory_space<vmem>>, vector<16xi32>,
        %gather3A = tpu.vector_load_idx %arg16[%get3A_84] masked %lt3A_81 : memref<1024xf32, #tpu.memory_space<vmem>>[vector<16xi32>], vector<16xf32>, vector<16xi1>
        %gather3A_85 = tpu.vector_load_idx %arg17[%get3A_84] masked %lt3A_81 : memref<1024xf32, #tpu.memory_space<vmem>>[vector<16xi32>], vector<16xf32>, vector<16xi1>
        %gather3A_86 = tpu.vector_load_idx %arg18[%get3A_84] masked %lt3A_81 : memref<1024xf32, #tpu.memory_space<vmem>>[vector<16xi32>], vector<16xf32>, vector<16xi1>
        %mul3A_87 = arith.mulf %gather3A, %gather3A : vector<16xf32>
        %mul3A_88 = arith.mulf %gather3A_85, %gather3A_85 : vector<16xf32>
        %add3A_89 = arith.addf %mul3A_87, %mul3A_88 : vector<16xf32>
        %mul3A_90 = arith.mulf %gather3A_86, %gather3A_86 : vector<16xf32>
        %add3A_91 = arith.addf %add3A_89, %mul3A_90 : vector<16xf32>
        %max3A = arith.constant 1.000000e-30 : f32
        %max3A_92 = vector.broadcast %max3A : f32 to vector<16xf32>
        %max3A_93 = arith.maximumf %add3A_91, %max3A_92 : vector<16xf32>
        %bitcast3A = vector.bitcast %max3A_93 : vector<16xf32> to vector<16xi32>
        %shift_right_arithmetic3A_94 = arith.constant 1 : i32
        %shift_right_arithmetic3A_95 = vector.broadcast %shift_right_arithmetic3A_94 : i32 to vector<16xi32>
        %shift_right_arithmetic3A_96 = arith.shrsi %bitcast3A, %shift_right_arithmetic3A_95 : vector<16xi32>
        %sub3A = arith.constant 1597463007 : i32
        %sub3A_97 = vector.broadcast %sub3A : i32 to vector<16xi32>
        %sub3A_98 = arith.subi %sub3A_97, %shift_right_arithmetic3A_96 : vector<16xi32>
        %bitcast3A_99 = vector.bitcast %sub3A_98 : vector<16xi32> to vector<16xf32>
        %mul3A_100 = arith.constant 5.000000e-01 : f32
        %mul3A_101 = vector.broadcast %mul3A_100 : f32 to vector<16xf32>
        %mul3A_102 = arith.mulf %mul3A_101, %max3A_93 : vector<16xf32>
        %mul3A_103 = arith.mulf %mul3A_102, %bitcast3A_99 : vector<16xf32>
        %mul3A_104 = arith.mulf %mul3A_103, %bitcast3A_99 : vector<16xf32>
        %sub3A_105 = arith.constant 1.500000e+00 : f32
        %sub3A_106 = vector.broadcast %sub3A_105 : f32 to vector<16xf32>
        %sub3A_107 = arith.subf %sub3A_106, %mul3A_104 : vector<16xf32>
        %mul3A_108 = arith.mulf %bitcast3A_99, %sub3A_107 : vector<16xf32>
        %mul3A_109 = arith.constant 5.000000e-01 : f32
        %mul3A_110 = vector.broadcast %mul3A_109 : f32 to vector<16xf32>
        %mul3A_111 = arith.mulf %mul3A_110, %max3A_93 : vector<16xf32>
        %mul3A_112 = arith.mulf %mul3A_111, %mul3A_108 : vector<16xf32>
        %mul3A_113 = arith.mulf %mul3A_112, %mul3A_108 : vector<16xf32>
        %sub3A_114 = arith.constant 1.500000e+00 : f32
        %sub3A_115 = vector.broadcast %sub3A_114 : f32 to vector<16xf32>
        %sub3A_116 = arith.subf %sub3A_115, %mul3A_113 : vector<16xf32>
        %mul3A_117 = arith.mulf %mul3A_108, %sub3A_116 : vector<16xf32>
        %mul3A_118 = arith.constant 5.000000e-01 : f32
        %mul3A_119 = vector.broadcast %mul3A_118 : f32 to vector<16xf32>
        %mul3A_120 = arith.mulf %mul3A_119, %max3A_93 : vector<16xf32>
        %mul3A_121 = arith.mulf %mul3A_120, %mul3A_117 : vector<16xf32>
        %mul3A_122 = arith.mulf %mul3A_121, %mul3A_117 : vector<16xf32>
        %sub3A_123 = arith.constant 1.500000e+00 : f32
        %sub3A_124 = vector.broadcast %sub3A_123 : f32 to vector<16xf32>
        %sub3A_125 = arith.subf %sub3A_124, %mul3A_122 : vector<16xf32>
        %mul3A_126 = arith.mulf %mul3A_117, %sub3A_125 : vector<16xf32>
        %mul3A_127 = arith.mulf %max3A_93, %mul3A_126 : vector<16xf32>
        %add3A_128 = arith.constant 9.99999993E-9 : f32
        %add3A_129 = vector.broadcast %add3A_128 : f32 to vector<16xf32>
        %add3A_130 = arith.addf %mul3A_127, %add3A_129 : vector<16xf32>
        %div3A = arith.constant 1.000000e+00 : f32
        %div3A_131 = vector.broadcast %div3A : f32 to vector<16xf32>
        %div3A_132 = arith.divf %div3A_131, %add3A_130 : vector<16xf32>
        %mul3A_133 = arith.mulf %gather3A, %div3A_132 : vector<16xf32>
        %mul3A_134 = arith.mulf %gather3A_85, %div3A_132 : vector<16xf32>
        %mul3A_135 = arith.mulf %gather3A_86, %div3A_132 : vector<16xf32>
        %mul3A_136 = arith.constant -0.488602519 : f32
        %mul3A_137 = vector.broadcast %mul3A_136 : f32 to vector<16xf32>
        %mul3A_138 = arith.mulf %mul3A_137, %mul3A_134 : vector<16xf32>
        %mul3A_139 = arith.constant 0.488602519 : f32
        %mul3A_140 = vector.broadcast %mul3A_139 : f32 to vector<16xf32>
        %mul3A_141 = arith.mulf %mul3A_140, %mul3A_135 : vector<16xf32>
        %mul3A_142 = arith.constant -0.488602519 : f32
        %mul3A_143 = vector.broadcast %mul3A_142 : f32 to vector<16xf32>
        %mul3A_144 = arith.mulf %mul3A_143, %mul3A_133 : vector<16xf32>
        %mul3A_145 = arith.constant 1.09254849 : f32
        %mul3A_146 = vector.broadcast %mul3A_145 : f32 to vector<16xf32>
        %mul3A_147 = arith.mulf %mul3A_146, %mul3A_133 : vector<16xf32>
        %mul3A_148 = arith.mulf %mul3A_147, %mul3A_134 : vector<16xf32>
        %mul3A_149 = arith.constant -1.09254849 : f32
        %mul3A_150 = vector.broadcast %mul3A_149 : f32 to vector<16xf32>
        %mul3A_151 = arith.mulf %mul3A_150, %mul3A_134 : vector<16xf32>
        %mul3A_152 = arith.mulf %mul3A_151, %mul3A_135 : vector<16xf32>
        %mul3A_153 = arith.constant 2.000000e+00 : f32
        %mul3A_154 = vector.broadcast %mul3A_153 : f32 to vector<16xf32>
        %mul3A_155 = arith.mulf %mul3A_154, %mul3A_135 : vector<16xf32>
        %mul3A_156 = arith.mulf %mul3A_155, %mul3A_135 : vector<16xf32>
        %mul3A_157 = arith.mulf %mul3A_133, %mul3A_133 : vector<16xf32>
        %sub3A_158 = arith.subf %mul3A_156, %mul3A_157 : vector<16xf32>
        %mul3A_159 = arith.mulf %mul3A_134, %mul3A_134 : vector<16xf32>
        %sub3A_160 = arith.subf %sub3A_158, %mul3A_159 : vector<16xf32>
        %mul3A_161 = arith.constant 0.31539157 : f32
        %mul3A_162 = vector.broadcast %mul3A_161 : f32 to vector<16xf32>
        %mul3A_163 = arith.mulf %mul3A_162, %sub3A_160 : vector<16xf32>
        %mul3A_164 = arith.constant -1.09254849 : f32
        %mul3A_165 = vector.broadcast %mul3A_164 : f32 to vector<16xf32>
        %mul3A_166 = arith.mulf %mul3A_165, %mul3A_133 : vector<16xf32>
        %mul3A_167 = arith.mulf %mul3A_166, %mul3A_135 : vector<16xf32>
        %mul3A_168 = arith.mulf %mul3A_133, %mul3A_133 : vector<16xf32>
        %mul3A_169 = arith.mulf %mul3A_134, %mul3A_134 : vector<16xf32>
        %sub3A_170 = arith.subf %mul3A_168, %mul3A_169 : vector<16xf32>
        %mul3A_171 = arith.constant 0.546274245 : f32
        %mul3A_172 = vector.broadcast %mul3A_171 : f32 to vector<16xf32>
        %mul3A_173 = arith.mulf %mul3A_172, %sub3A_170 : vector<16xf32>
        %shift_right_arithmetic3A_174 = arith.constant 3 : i32
        %shift_right_arithmetic3A_175 = arith.shrsi %while3A_76, %shift_right_arithmetic3A_174 : i32
        %and3A = arith.constant 7 : i32
        %and3A_176 = arith.andi %while3A_76, %and3A : i32
        %mul3A_177 = arith.constant 16 : i32
        %mul3A_178 = arith.muli %and3A_176, %mul3A_177 : i32
        %mul3A_179 = arith.constant 3584 : i32
        %mul3A_180 = arith.muli %shift_right_arithmetic3A_175, %mul3A_179 : i32
        %add3A_181 = arith.constant 0 : i32
        %add3A_182 = arith.addi %mul3A_180, %add3A_181 : i32
        %add3A_183 = arith.addi %add3A_182, %mul3A_178 : i32
        %get3A_184 = arith.index_cast %add3A_183 : i32 to index
        %get3A_185 = tpu.vector_load %arg22[%get3A_184] {strides = array<i32>} : memref<28672xf32, #tpu.memory_space<vmem>>, vector<16xf32>,
        %max3A_186 = arith.constant 0.000000e+00 : f32
        %max3A_187 = vector.broadcast %max3A_186 : f32 to vector<16xf32>
        %max3A_188 = arith.maximumf %get3A_185, %max3A_187 : vector<16xf32>
        tpu.vector_store_idx %arg26[%get3A_84], %max3A_188 masked %lt3A_81 : memref<1024xf32, #tpu.memory_space<vmem>>[vector<16xi32>], vector<16xf32>, vector<16xi1>
        %mul3A_189 = arith.constant 3584 : i32
        %mul3A_190 = arith.muli %shift_right_arithmetic3A_175, %mul3A_189 : i32
        %add3A_191 = arith.constant 128 : i32
        %add3A_192 = arith.addi %mul3A_190, %add3A_191 : i32
        %add3A_193 = arith.addi %add3A_192, %mul3A_178 : i32
        %get3A_194 = arith.index_cast %add3A_193 : i32 to index
        %get3A_195 = tpu.vector_load %arg22[%get3A_194] {strides = array<i32>} : memref<28672xf32, #tpu.memory_space<vmem>>, vector<16xf32>,
        %mul3A_196 = arith.constant 0.282094806 : f32
        %mul3A_197 = vector.broadcast %mul3A_196 : f32 to vector<16xf32>
        %mul3A_198 = arith.mulf %get3A_195, %mul3A_197 : vector<16xf32>
        %mul3A_199 = arith.constant 3584 : i32
        %mul3A_200 = arith.muli %shift_right_arithmetic3A_175, %mul3A_199 : i32
        %add3A_201 = arith.constant 256 : i32
        %add3A_202 = arith.addi %mul3A_200, %add3A_201 : i32
        %add3A_203 = arith.addi %add3A_202, %mul3A_178 : i32
        %get3A_204 = arith.index_cast %add3A_203 : i32 to index
        %get3A_205 = tpu.vector_load %arg22[%get3A_204] {strides = array<i32>} : memref<28672xf32, #tpu.memory_space<vmem>>, vector<16xf32>,
        %mul3A_206 = arith.mulf %get3A_205, %mul3A_138 : vector<16xf32>
        %add3A_207 = arith.addf %mul3A_198, %mul3A_206 : vector<16xf32>
        %mul3A_208 = arith.constant 3584 : i32
        %mul3A_209 = arith.muli %shift_right_arithmetic3A_175, %mul3A_208 : i32
        %add3A_210 = arith.constant 384 : i32
        %add3A_211 = arith.addi %mul3A_209, %add3A_210 : i32
        %add3A_212 = arith.addi %add3A_211, %mul3A_178 : i32
        %get3A_213 = arith.index_cast %add3A_212 : i32 to index
        %get3A_214 = tpu.vector_load %arg22[%get3A_213] {strides = array<i32>} : memref<28672xf32, #tpu.memory_space<vmem>>, vector<16xf32>,
        %mul3A_215 = arith.mulf %get3A_214, %mul3A_141 : vector<16xf32>
        %add3A_216 = arith.addf %add3A_207, %mul3A_215 : vector<16xf32>
        %mul3A_217 = arith.constant 3584 : i32
        %mul3A_218 = arith.muli %shift_right_arithmetic3A_175, %mul3A_217 : i32
        %add3A_219 = arith.constant 512 : i32
        %add3A_220 = arith.addi %mul3A_218, %add3A_219 : i32
        %add3A_221 = arith.addi %add3A_220, %mul3A_178 : i32
        %get3A_222 = arith.index_cast %add3A_221 : i32 to index
        %get3A_223 = tpu.vector_load %arg22[%get3A_222] {strides = array<i32>} : memref<28672xf32, #tpu.memory_space<vmem>>, vector<16xf32>,
        %mul3A_224 = arith.mulf %get3A_223, %mul3A_144 : vector<16xf32>
        %add3A_225 = arith.addf %add3A_216, %mul3A_224 : vector<16xf32>
        %mul3A_226 = arith.constant 3584 : i32
        %mul3A_227 = arith.muli %shift_right_arithmetic3A_175, %mul3A_226 : i32
        %add3A_228 = arith.constant 640 : i32
        %add3A_229 = arith.addi %mul3A_227, %add3A_228 : i32
        %add3A_230 = arith.addi %add3A_229, %mul3A_178 : i32
        %get3A_231 = arith.index_cast %add3A_230 : i32 to index
        %get3A_232 = tpu.vector_load %arg22[%get3A_231] {strides = array<i32>} : memref<28672xf32, #tpu.memory_space<vmem>>, vector<16xf32>,
        %mul3A_233 = arith.mulf %get3A_232, %mul3A_148 : vector<16xf32>
        %add3A_234 = arith.addf %add3A_225, %mul3A_233 : vector<16xf32>
        %mul3A_235 = arith.constant 3584 : i32
        %mul3A_236 = arith.muli %shift_right_arithmetic3A_175, %mul3A_235 : i32
        %add3A_237 = arith.constant 768 : i32
        %add3A_238 = arith.addi %mul3A_236, %add3A_237 : i32
        %add3A_239 = arith.addi %add3A_238, %mul3A_178 : i32
        %get3A_240 = arith.index_cast %add3A_239 : i32 to index
        %get3A_241 = tpu.vector_load %arg22[%get3A_240] {strides = array<i32>} : memref<28672xf32, #tpu.memory_space<vmem>>, vector<16xf32>,
        %mul3A_242 = arith.mulf %get3A_241, %mul3A_152 : vector<16xf32>
        %add3A_243 = arith.addf %add3A_234, %mul3A_242 : vector<16xf32>
        %mul3A_244 = arith.constant 3584 : i32
        %mul3A_245 = arith.muli %shift_right_arithmetic3A_175, %mul3A_244 : i32
        %add3A_246 = arith.constant 896 : i32
        %add3A_247 = arith.addi %mul3A_245, %add3A_246 : i32
        %add3A_248 = arith.addi %add3A_247, %mul3A_178 : i32
        %get3A_249 = arith.index_cast %add3A_248 : i32 to index
        %get3A_250 = tpu.vector_load %arg22[%get3A_249] {strides = array<i32>} : memref<28672xf32, #tpu.memory_space<vmem>>, vector<16xf32>,
        %mul3A_251 = arith.mulf %get3A_250, %mul3A_163 : vector<16xf32>
        %add3A_252 = arith.addf %add3A_243, %mul3A_251 : vector<16xf32>
        %mul3A_253 = arith.constant 3584 : i32
        %mul3A_254 = arith.muli %shift_right_arithmetic3A_175, %mul3A_253 : i32
        %add3A_255 = arith.constant 1024 : i32
        %add3A_256 = arith.addi %mul3A_254, %add3A_255 : i32
        %add3A_257 = arith.addi %add3A_256, %mul3A_178 : i32
        %get3A_258 = arith.index_cast %add3A_257 : i32 to index
        %get3A_259 = tpu.vector_load %arg22[%get3A_258] {strides = array<i32>} : memref<28672xf32, #tpu.memory_space<vmem>>, vector<16xf32>,
        %mul3A_260 = arith.mulf %get3A_259, %mul3A_167 : vector<16xf32>
        %add3A_261 = arith.addf %add3A_252, %mul3A_260 : vector<16xf32>
        %mul3A_262 = arith.constant 3584 : i32
        %mul3A_263 = arith.muli %shift_right_arithmetic3A_175, %mul3A_262 : i32
        %add3A_264 = arith.constant 1152 : i32
        %add3A_265 = arith.addi %mul3A_263, %add3A_264 : i32
        %add3A_266 = arith.addi %add3A_265, %mul3A_178 : i32
        %get3A_267 = arith.index_cast %add3A_266 : i32 to index
        %get3A_268 = tpu.vector_load %arg22[%get3A_267] {strides = array<i32>} : memref<28672xf32, #tpu.memory_space<vmem>>, vector<16xf32>,
        %mul3A_269 = arith.mulf %get3A_268, %mul3A_173 : vector<16xf32>
        %add3A_270 = arith.addf %add3A_261, %mul3A_269 : vector<16xf32>
        tpu.vector_store_idx %arg23[%get3A_84], %add3A_270 masked %lt3A_81 : memref<1024xf32, #tpu.memory_space<vmem>>[vector<16xi32>], vector<16xf32>, vector<16xi1>
        %mul3A_271 = arith.constant 3584 : i32
        %mul3A_272 = arith.muli %shift_right_arithmetic3A_175, %mul3A_271 : i32
        %add3A_273 = arith.constant 1280 : i32
        %add3A_274 = arith.addi %mul3A_272, %add3A_273 : i32
        %add3A_275 = arith.addi %add3A_274, %mul3A_178 : i32
        %get3A_276 = arith.index_cast %add3A_275 : i32 to index
        %get3A_277 = tpu.vector_load %arg22[%get3A_276] {strides = array<i32>} : memref<28672xf32, #tpu.memory_space<vmem>>, vector<16xf32>,
        %mul3A_278 = arith.constant 0.282094806 : f32
        %mul3A_279 = vector.broadcast %mul3A_278 : f32 to vector<16xf32>
        %mul3A_280 = arith.mulf %get3A_277, %mul3A_279 : vector<16xf32>
        %mul3A_281 = arith.constant 3584 : i32
        %mul3A_282 = arith.muli %shift_right_arithmetic3A_175, %mul3A_281 : i32
        %add3A_283 = arith.constant 1408 : i32
        %add3A_284 = arith.addi %mul3A_282, %add3A_283 : i32
        %add3A_285 = arith.addi %add3A_284, %mul3A_178 : i32
        %get3A_286 = arith.index_cast %add3A_285 : i32 to index
        %get3A_287 = tpu.vector_load %arg22[%get3A_286] {strides = array<i32>} : memref<28672xf32, #tpu.memory_space<vmem>>, vector<16xf32>,
        %mul3A_288 = arith.mulf %get3A_287, %mul3A_138 : vector<16xf32>
        %add3A_289 = arith.addf %mul3A_280, %mul3A_288 : vector<16xf32>
        %mul3A_290 = arith.constant 3584 : i32
        %mul3A_291 = arith.muli %shift_right_arithmetic3A_175, %mul3A_290 : i32
        %add3A_292 = arith.constant 1536 : i32
        %add3A_293 = arith.addi %mul3A_291, %add3A_292 : i32
        %add3A_294 = arith.addi %add3A_293, %mul3A_178 : i32
        %get3A_295 = arith.index_cast %add3A_294 : i32 to index
        %get3A_296 = tpu.vector_load %arg22[%get3A_295] {strides = array<i32>} : memref<28672xf32, #tpu.memory_space<vmem>>, vector<16xf32>,
        %mul3A_297 = arith.mulf %get3A_296, %mul3A_141 : vector<16xf32>
        %add3A_298 = arith.addf %add3A_289, %mul3A_297 : vector<16xf32>
        %mul3A_299 = arith.constant 3584 : i32
        %mul3A_300 = arith.muli %shift_right_arithmetic3A_175, %mul3A_299 : i32
        %add3A_301 = arith.constant 1664 : i32
        %add3A_302 = arith.addi %mul3A_300, %add3A_301 : i32
        %add3A_303 = arith.addi %add3A_302, %mul3A_178 : i32
        %get3A_304 = arith.index_cast %add3A_303 : i32 to index
        %get3A_305 = tpu.vector_load %arg22[%get3A_304] {strides = array<i32>} : memref<28672xf32, #tpu.memory_space<vmem>>, vector<16xf32>,
        %mul3A_306 = arith.mulf %get3A_305, %mul3A_144 : vector<16xf32>
        %add3A_307 = arith.addf %add3A_298, %mul3A_306 : vector<16xf32>
        %mul3A_308 = arith.constant 3584 : i32
        %mul3A_309 = arith.muli %shift_right_arithmetic3A_175, %mul3A_308 : i32
        %add3A_310 = arith.constant 1792 : i32
        %add3A_311 = arith.addi %mul3A_309, %add3A_310 : i32
        %add3A_312 = arith.addi %add3A_311, %mul3A_178 : i32
        %get3A_313 = arith.index_cast %add3A_312 : i32 to index
        %get3A_314 = tpu.vector_load %arg22[%get3A_313] {strides = array<i32>} : memref<28672xf32, #tpu.memory_space<vmem>>, vector<16xf32>,
        %mul3A_315 = arith.mulf %get3A_314, %mul3A_148 : vector<16xf32>
        %add3A_316 = arith.addf %add3A_307, %mul3A_315 : vector<16xf32>
        %mul3A_317 = arith.constant 3584 : i32
        %mul3A_318 = arith.muli %shift_right_arithmetic3A_175, %mul3A_317 : i32
        %add3A_319 = arith.constant 1920 : i32
        %add3A_320 = arith.addi %mul3A_318, %add3A_319 : i32
        %add3A_321 = arith.addi %add3A_320, %mul3A_178 : i32
        %get3A_322 = arith.index_cast %add3A_321 : i32 to index
        %get3A_323 = tpu.vector_load %arg22[%get3A_322] {strides = array<i32>} : memref<28672xf32, #tpu.memory_space<vmem>>, vector<16xf32>,
        %mul3A_324 = arith.mulf %get3A_323, %mul3A_152 : vector<16xf32>
        %add3A_325 = arith.addf %add3A_316, %mul3A_324 : vector<16xf32>
        %mul3A_326 = arith.constant 3584 : i32
        %mul3A_327 = arith.muli %shift_right_arithmetic3A_175, %mul3A_326 : i32
        %add3A_328 = arith.constant 2048 : i32
        %add3A_329 = arith.addi %mul3A_327, %add3A_328 : i32
        %add3A_330 = arith.addi %add3A_329, %mul3A_178 : i32
        %get3A_331 = arith.index_cast %add3A_330 : i32 to index
        %get3A_332 = tpu.vector_load %arg22[%get3A_331] {strides = array<i32>} : memref<28672xf32, #tpu.memory_space<vmem>>, vector<16xf32>,
        %mul3A_333 = arith.mulf %get3A_332, %mul3A_163 : vector<16xf32>
        %add3A_334 = arith.addf %add3A_325, %mul3A_333 : vector<16xf32>
        %mul3A_335 = arith.constant 3584 : i32
        %mul3A_336 = arith.muli %shift_right_arithmetic3A_175, %mul3A_335 : i32
        %add3A_337 = arith.constant 2176 : i32
        %add3A_338 = arith.addi %mul3A_336, %add3A_337 : i32
        %add3A_339 = arith.addi %add3A_338, %mul3A_178 : i32
        %get3A_340 = arith.index_cast %add3A_339 : i32 to index
        %get3A_341 = tpu.vector_load %arg22[%get3A_340] {strides = array<i32>} : memref<28672xf32, #tpu.memory_space<vmem>>, vector<16xf32>,
        %mul3A_342 = arith.mulf %get3A_341, %mul3A_167 : vector<16xf32>
        %add3A_343 = arith.addf %add3A_334, %mul3A_342 : vector<16xf32>
        %mul3A_344 = arith.constant 3584 : i32
        %mul3A_345 = arith.muli %shift_right_arithmetic3A_175, %mul3A_344 : i32
        %add3A_346 = arith.constant 2304 : i32
        %add3A_347 = arith.addi %mul3A_345, %add3A_346 : i32
        %add3A_348 = arith.addi %add3A_347, %mul3A_178 : i32
        %get3A_349 = arith.index_cast %add3A_348 : i32 to index
        %get3A_350 = tpu.vector_load %arg22[%get3A_349] {strides = array<i32>} : memref<28672xf32, #tpu.memory_space<vmem>>, vector<16xf32>,
        %mul3A_351 = arith.mulf %get3A_350, %mul3A_173 : vector<16xf32>
        %add3A_352 = arith.addf %add3A_343, %mul3A_351 : vector<16xf32>
        tpu.vector_store_idx %arg24[%get3A_84], %add3A_352 masked %lt3A_81 : memref<1024xf32, #tpu.memory_space<vmem>>[vector<16xi32>], vector<16xf32>, vector<16xi1>
        %mul3A_353 = arith.constant 3584 : i32
        %mul3A_354 = arith.muli %shift_right_arithmetic3A_175, %mul3A_353 : i32
        %add3A_355 = arith.constant 2432 : i32
        %add3A_356 = arith.addi %mul3A_354, %add3A_355 : i32
        %add3A_357 = arith.addi %add3A_356, %mul3A_178 : i32
        %get3A_358 = arith.index_cast %add3A_357 : i32 to index
        %get3A_359 = tpu.vector_load %arg22[%get3A_358] {strides = array<i32>} : memref<28672xf32, #tpu.memory_space<vmem>>, vector<16xf32>,
        %mul3A_360 = arith.constant 0.282094806 : f32
        %mul3A_361 = vector.broadcast %mul3A_360 : f32 to vector<16xf32>
        %mul3A_362 = arith.mulf %get3A_359, %mul3A_361 : vector<16xf32>
        %mul3A_363 = arith.constant 3584 : i32
        %mul3A_364 = arith.muli %shift_right_arithmetic3A_175, %mul3A_363 : i32
        %add3A_365 = arith.constant 2560 : i32
        %add3A_366 = arith.addi %mul3A_364, %add3A_365 : i32
        %add3A_367 = arith.addi %add3A_366, %mul3A_178 : i32
        %get3A_368 = arith.index_cast %add3A_367 : i32 to index
        %get3A_369 = tpu.vector_load %arg22[%get3A_368] {strides = array<i32>} : memref<28672xf32, #tpu.memory_space<vmem>>, vector<16xf32>,
        %mul3A_370 = arith.mulf %get3A_369, %mul3A_138 : vector<16xf32>
        %add3A_371 = arith.addf %mul3A_362, %mul3A_370 : vector<16xf32>
        %mul3A_372 = arith.constant 3584 : i32
        %mul3A_373 = arith.muli %shift_right_arithmetic3A_175, %mul3A_372 : i32
        %add3A_374 = arith.constant 2688 : i32
        %add3A_375 = arith.addi %mul3A_373, %add3A_374 : i32
        %add3A_376 = arith.addi %add3A_375, %mul3A_178 : i32
        %get3A_377 = arith.index_cast %add3A_376 : i32 to index
        %get3A_378 = tpu.vector_load %arg22[%get3A_377] {strides = array<i32>} : memref<28672xf32, #tpu.memory_space<vmem>>, vector<16xf32>,
        %mul3A_379 = arith.mulf %get3A_378, %mul3A_141 : vector<16xf32>
        %add3A_380 = arith.addf %add3A_371, %mul3A_379 : vector<16xf32>
        %mul3A_381 = arith.constant 3584 : i32
        %mul3A_382 = arith.muli %shift_right_arithmetic3A_175, %mul3A_381 : i32
        %add3A_383 = arith.constant 2816 : i32
        %add3A_384 = arith.addi %mul3A_382, %add3A_383 : i32
        %add3A_385 = arith.addi %add3A_384, %mul3A_178 : i32
        %get3A_386 = arith.index_cast %add3A_385 : i32 to index
        %get3A_387 = tpu.vector_load %arg22[%get3A_386] {strides = array<i32>} : memref<28672xf32, #tpu.memory_space<vmem>>, vector<16xf32>,
        %mul3A_388 = arith.mulf %get3A_387, %mul3A_144 : vector<16xf32>
        %add3A_389 = arith.addf %add3A_380, %mul3A_388 : vector<16xf32>
        %mul3A_390 = arith.constant 3584 : i32
        %mul3A_391 = arith.muli %shift_right_arithmetic3A_175, %mul3A_390 : i32
        %add3A_392 = arith.constant 2944 : i32
        %add3A_393 = arith.addi %mul3A_391, %add3A_392 : i32
        %add3A_394 = arith.addi %add3A_393, %mul3A_178 : i32
        %get3A_395 = arith.index_cast %add3A_394 : i32 to index
        %get3A_396 = tpu.vector_load %arg22[%get3A_395] {strides = array<i32>} : memref<28672xf32, #tpu.memory_space<vmem>>, vector<16xf32>,
        %mul3A_397 = arith.mulf %get3A_396, %mul3A_148 : vector<16xf32>
        %add3A_398 = arith.addf %add3A_389, %mul3A_397 : vector<16xf32>
        %mul3A_399 = arith.constant 3584 : i32
        %mul3A_400 = arith.muli %shift_right_arithmetic3A_175, %mul3A_399 : i32
        %add3A_401 = arith.constant 3072 : i32
        %add3A_402 = arith.addi %mul3A_400, %add3A_401 : i32
        %add3A_403 = arith.addi %add3A_402, %mul3A_178 : i32
        %get3A_404 = arith.index_cast %add3A_403 : i32 to index
        %get3A_405 = tpu.vector_load %arg22[%get3A_404] {strides = array<i32>} : memref<28672xf32, #tpu.memory_space<vmem>>, vector<16xf32>,
        %mul3A_406 = arith.mulf %get3A_405, %mul3A_152 : vector<16xf32>
        %add3A_407 = arith.addf %add3A_398, %mul3A_406 : vector<16xf32>
        %mul3A_408 = arith.constant 3584 : i32
        %mul3A_409 = arith.muli %shift_right_arithmetic3A_175, %mul3A_408 : i32
        %add3A_410 = arith.constant 3200 : i32
        %add3A_411 = arith.addi %mul3A_409, %add3A_410 : i32
        %add3A_412 = arith.addi %add3A_411, %mul3A_178 : i32
        %get3A_413 = arith.index_cast %add3A_412 : i32 to index
        %get3A_414 = tpu.vector_load %arg22[%get3A_413] {strides = array<i32>} : memref<28672xf32, #tpu.memory_space<vmem>>, vector<16xf32>,
        %mul3A_415 = arith.mulf %get3A_414, %mul3A_163 : vector<16xf32>
        %add3A_416 = arith.addf %add3A_407, %mul3A_415 : vector<16xf32>
        %mul3A_417 = arith.constant 3584 : i32
        %mul3A_418 = arith.muli %shift_right_arithmetic3A_175, %mul3A_417 : i32
        %add3A_419 = arith.constant 3328 : i32
        %add3A_420 = arith.addi %mul3A_418, %add3A_419 : i32
        %add3A_421 = arith.addi %add3A_420, %mul3A_178 : i32
        %get3A_422 = arith.index_cast %add3A_421 : i32 to index
        %get3A_423 = tpu.vector_load %arg22[%get3A_422] {strides = array<i32>} : memref<28672xf32, #tpu.memory_space<vmem>>, vector<16xf32>,
        %mul3A_424 = arith.mulf %get3A_423, %mul3A_167 : vector<16xf32>
        %add3A_425 = arith.addf %add3A_416, %mul3A_424 : vector<16xf32>
        %mul3A_426 = arith.constant 3584 : i32
        %mul3A_427 = arith.muli %shift_right_arithmetic3A_175, %mul3A_426 : i32
        %add3A_428 = arith.constant 3456 : i32
        %add3A_429 = arith.addi %mul3A_427, %add3A_428 : i32
        %add3A_430 = arith.addi %add3A_429, %mul3A_178 : i32
        %get3A_431 = arith.index_cast %add3A_430 : i32 to index
        %get3A_432 = tpu.vector_load %arg22[%get3A_431] {strides = array<i32>} : memref<28672xf32, #tpu.memory_space<vmem>>, vector<16xf32>,
        %mul3A_433 = arith.mulf %get3A_432, %mul3A_173 : vector<16xf32>
        %add3A_434 = arith.addf %add3A_425, %mul3A_433 : vector<16xf32>
        tpu.vector_store_idx %arg25[%get3A_84], %add3A_434 masked %lt3A_81 : memref<1024xf32, #tpu.memory_space<vmem>>[vector<16xi32>], vector<16xf32>, vector<16xi1>
      }
      %while3A_75 = arith.constant 1 : i32
      scf.for %while3A_76 = %while3A_73 to %while3A_69 step %while3A_75  : i32 {
        %mul3A_77 = arith.constant 16 : i32
        %mul3A_78 = arith.muli %while3A_76, %mul3A_77 : i32
        %add3A_79 = vector.broadcast %mul3A_78 : i32 to vector<16xi32>
        %add3A_80 = arith.addi %add3A_79, %iota3A : vector<16xi32>
        %lt3A = vector.broadcast %scan3A_24 : i32 to vector<16xi32>
        %lt3A_81 = arith.cmpi slt, %add3A_80, %lt3A : vector<16xi32>
        %mul3A_82 = arith.constant 16 : i32
        %mul3A_83 = arith.muli %while3A_76, %mul3A_82 : i32
        %get3A = arith.index_cast %mul3A_83 : i32 to index
        %get3A_84 = tpu.vector_load %arg21[%get3A] {strides = array<i32>} : memref<1024xi32, #tpu.memory_space<vmem>>, vector<16xi32>,
        %gather3A = tpu.vector_load_idx %arg16[%get3A_84] masked %lt3A_81 : memref<1024xf32, #tpu.memory_space<vmem>>[vector<16xi32>], vector<16xf32>, vector<16xi1>
        %gather3A_85 = tpu.vector_load_idx %arg17[%get3A_84] masked %lt3A_81 : memref<1024xf32, #tpu.memory_space<vmem>>[vector<16xi32>], vector<16xf32>, vector<16xi1>
        %gather3A_86 = tpu.vector_load_idx %arg18[%get3A_84] masked %lt3A_81 : memref<1024xf32, #tpu.memory_space<vmem>>[vector<16xi32>], vector<16xf32>, vector<16xi1>
        %mul3A_87 = arith.mulf %gather3A, %gather3A : vector<16xf32>
        %mul3A_88 = arith.mulf %gather3A_85, %gather3A_85 : vector<16xf32>
        %add3A_89 = arith.addf %mul3A_87, %mul3A_88 : vector<16xf32>
        %mul3A_90 = arith.mulf %gather3A_86, %gather3A_86 : vector<16xf32>
        %add3A_91 = arith.addf %add3A_89, %mul3A_90 : vector<16xf32>
        %max3A = arith.constant 1.000000e-30 : f32
        %max3A_92 = vector.broadcast %max3A : f32 to vector<16xf32>
        %max3A_93 = arith.maximumf %add3A_91, %max3A_92 : vector<16xf32>
        %bitcast3A = vector.bitcast %max3A_93 : vector<16xf32> to vector<16xi32>
        %shift_right_arithmetic3A_94 = arith.constant 1 : i32
        %shift_right_arithmetic3A_95 = vector.broadcast %shift_right_arithmetic3A_94 : i32 to vector<16xi32>
        %shift_right_arithmetic3A_96 = arith.shrsi %bitcast3A, %shift_right_arithmetic3A_95 : vector<16xi32>
        %sub3A = arith.constant 1597463007 : i32
        %sub3A_97 = vector.broadcast %sub3A : i32 to vector<16xi32>
        %sub3A_98 = arith.subi %sub3A_97, %shift_right_arithmetic3A_96 : vector<16xi32>
        %bitcast3A_99 = vector.bitcast %sub3A_98 : vector<16xi32> to vector<16xf32>
        %mul3A_100 = arith.constant 5.000000e-01 : f32
        %mul3A_101 = vector.broadcast %mul3A_100 : f32 to vector<16xf32>
        %mul3A_102 = arith.mulf %mul3A_101, %max3A_93 : vector<16xf32>
        %mul3A_103 = arith.mulf %mul3A_102, %bitcast3A_99 : vector<16xf32>
        %mul3A_104 = arith.mulf %mul3A_103, %bitcast3A_99 : vector<16xf32>
        %sub3A_105 = arith.constant 1.500000e+00 : f32
        %sub3A_106 = vector.broadcast %sub3A_105 : f32 to vector<16xf32>
        %sub3A_107 = arith.subf %sub3A_106, %mul3A_104 : vector<16xf32>
        %mul3A_108 = arith.mulf %bitcast3A_99, %sub3A_107 : vector<16xf32>
        %mul3A_109 = arith.constant 5.000000e-01 : f32
        %mul3A_110 = vector.broadcast %mul3A_109 : f32 to vector<16xf32>
        %mul3A_111 = arith.mulf %mul3A_110, %max3A_93 : vector<16xf32>
        %mul3A_112 = arith.mulf %mul3A_111, %mul3A_108 : vector<16xf32>
        %mul3A_113 = arith.mulf %mul3A_112, %mul3A_108 : vector<16xf32>
        %sub3A_114 = arith.constant 1.500000e+00 : f32
        %sub3A_115 = vector.broadcast %sub3A_114 : f32 to vector<16xf32>
        %sub3A_116 = arith.subf %sub3A_115, %mul3A_113 : vector<16xf32>
        %mul3A_117 = arith.mulf %mul3A_108, %sub3A_116 : vector<16xf32>
        %mul3A_118 = arith.constant 5.000000e-01 : f32
        %mul3A_119 = vector.broadcast %mul3A_118 : f32 to vector<16xf32>
        %mul3A_120 = arith.mulf %mul3A_119, %max3A_93 : vector<16xf32>
        %mul3A_121 = arith.mulf %mul3A_120, %mul3A_117 : vector<16xf32>
        %mul3A_122 = arith.mulf %mul3A_121, %mul3A_117 : vector<16xf32>
        %sub3A_123 = arith.constant 1.500000e+00 : f32
        %sub3A_124 = vector.broadcast %sub3A_123 : f32 to vector<16xf32>
        %sub3A_125 = arith.subf %sub3A_124, %mul3A_122 : vector<16xf32>
        %mul3A_126 = arith.mulf %mul3A_117, %sub3A_125 : vector<16xf32>
        %mul3A_127 = arith.mulf %max3A_93, %mul3A_126 : vector<16xf32>
        %add3A_128 = arith.constant 9.99999993E-9 : f32
        %add3A_129 = vector.broadcast %add3A_128 : f32 to vector<16xf32>
        %add3A_130 = arith.addf %mul3A_127, %add3A_129 : vector<16xf32>
        %div3A = arith.constant 1.000000e+00 : f32
        %div3A_131 = vector.broadcast %div3A : f32 to vector<16xf32>
        %div3A_132 = arith.divf %div3A_131, %add3A_130 : vector<16xf32>
        %mul3A_133 = arith.mulf %gather3A, %div3A_132 : vector<16xf32>
        %mul3A_134 = arith.mulf %gather3A_85, %div3A_132 : vector<16xf32>
        %mul3A_135 = arith.mulf %gather3A_86, %div3A_132 : vector<16xf32>
        %mul3A_136 = arith.constant -0.488602519 : f32
        %mul3A_137 = vector.broadcast %mul3A_136 : f32 to vector<16xf32>
        %mul3A_138 = arith.mulf %mul3A_137, %mul3A_134 : vector<16xf32>
        %mul3A_139 = arith.constant 0.488602519 : f32
        %mul3A_140 = vector.broadcast %mul3A_139 : f32 to vector<16xf32>
        %mul3A_141 = arith.mulf %mul3A_140, %mul3A_135 : vector<16xf32>
        %mul3A_142 = arith.constant -0.488602519 : f32
        %mul3A_143 = vector.broadcast %mul3A_142 : f32 to vector<16xf32>
        %mul3A_144 = arith.mulf %mul3A_143, %mul3A_133 : vector<16xf32>
        %mul3A_145 = arith.constant 1.09254849 : f32
        %mul3A_146 = vector.broadcast %mul3A_145 : f32 to vector<16xf32>
        %mul3A_147 = arith.mulf %mul3A_146, %mul3A_133 : vector<16xf32>
        %mul3A_148 = arith.mulf %mul3A_147, %mul3A_134 : vector<16xf32>
        %mul3A_149 = arith.constant -1.09254849 : f32
        %mul3A_150 = vector.broadcast %mul3A_149 : f32 to vector<16xf32>
        %mul3A_151 = arith.mulf %mul3A_150, %mul3A_134 : vector<16xf32>
        %mul3A_152 = arith.mulf %mul3A_151, %mul3A_135 : vector<16xf32>
        %mul3A_153 = arith.constant 2.000000e+00 : f32
        %mul3A_154 = vector.broadcast %mul3A_153 : f32 to vector<16xf32>
        %mul3A_155 = arith.mulf %mul3A_154, %mul3A_135 : vector<16xf32>
        %mul3A_156 = arith.mulf %mul3A_155, %mul3A_135 : vector<16xf32>
        %mul3A_157 = arith.mulf %mul3A_133, %mul3A_133 : vector<16xf32>
        %sub3A_158 = arith.subf %mul3A_156, %mul3A_157 : vector<16xf32>
        %mul3A_159 = arith.mulf %mul3A_134, %mul3A_134 : vector<16xf32>
        %sub3A_160 = arith.subf %sub3A_158, %mul3A_159 : vector<16xf32>
        %mul3A_161 = arith.constant 0.31539157 : f32
        %mul3A_162 = vector.broadcast %mul3A_161 : f32 to vector<16xf32>
        %mul3A_163 = arith.mulf %mul3A_162, %sub3A_160 : vector<16xf32>
        %mul3A_164 = arith.constant -1.09254849 : f32
        %mul3A_165 = vector.broadcast %mul3A_164 : f32 to vector<16xf32>
        %mul3A_166 = arith.mulf %mul3A_165, %mul3A_133 : vector<16xf32>
        %mul3A_167 = arith.mulf %mul3A_166, %mul3A_135 : vector<16xf32>
        %mul3A_168 = arith.mulf %mul3A_133, %mul3A_133 : vector<16xf32>
        %mul3A_169 = arith.mulf %mul3A_134, %mul3A_134 : vector<16xf32>
        %sub3A_170 = arith.subf %mul3A_168, %mul3A_169 : vector<16xf32>
        %mul3A_171 = arith.constant 0.546274245 : f32
        %mul3A_172 = vector.broadcast %mul3A_171 : f32 to vector<16xf32>
        %mul3A_173 = arith.mulf %mul3A_172, %sub3A_170 : vector<16xf32>
        %shift_right_arithmetic3A_174 = arith.constant 3 : i32
        %shift_right_arithmetic3A_175 = arith.shrsi %while3A_76, %shift_right_arithmetic3A_174 : i32
        %and3A = arith.constant 7 : i32
        %and3A_176 = arith.andi %while3A_76, %and3A : i32
        %mul3A_177 = arith.constant 16 : i32
        %mul3A_178 = arith.muli %and3A_176, %mul3A_177 : i32
        %mul3A_179 = arith.constant 3584 : i32
        %mul3A_180 = arith.muli %shift_right_arithmetic3A_175, %mul3A_179 : i32
        %add3A_181 = arith.constant 0 : i32
        %add3A_182 = arith.addi %mul3A_180, %add3A_181 : i32
        %add3A_183 = arith.addi %add3A_182, %mul3A_178 : i32
        %get3A_184 = arith.index_cast %add3A_183 : i32 to index
        %get3A_185 = tpu.vector_load %arg22[%get3A_184] {strides = array<i32>} : memref<28672xf32, #tpu.memory_space<vmem>>, vector<16xf32>,
        %max3A_186 = arith.constant 0.000000e+00 : f32
        %max3A_187 = vector.broadcast %max3A_186 : f32 to vector<16xf32>
        %max3A_188 = arith.maximumf %get3A_185, %max3A_187 : vector<16xf32>
        tpu.vector_store_idx %arg26[%get3A_84], %max3A_188 masked %lt3A_81 : memref<1024xf32, #tpu.memory_space<vmem>>[vector<16xi32>], vector<16xf32>, vector<16xi1>
        %mul3A_189 = arith.constant 3584 : i32
        %mul3A_190 = arith.muli %shift_right_arithmetic3A_175, %mul3A_189 : i32
        %add3A_191 = arith.constant 128 : i32
        %add3A_192 = arith.addi %mul3A_190, %add3A_191 : i32
        %add3A_193 = arith.addi %add3A_192, %mul3A_178 : i32
        %get3A_194 = arith.index_cast %add3A_193 : i32 to index
        %get3A_195 = tpu.vector_load %arg22[%get3A_194] {strides = array<i32>} : memref<28672xf32, #tpu.memory_space<vmem>>, vector<16xf32>,
        %mul3A_196 = arith.constant 0.282094806 : f32
        %mul3A_197 = vector.broadcast %mul3A_196 : f32 to vector<16xf32>
        %mul3A_198 = arith.mulf %get3A_195, %mul3A_197 : vector<16xf32>
        %mul3A_199 = arith.constant 3584 : i32
        %mul3A_200 = arith.muli %shift_right_arithmetic3A_175, %mul3A_199 : i32
        %add3A_201 = arith.constant 256 : i32
        %add3A_202 = arith.addi %mul3A_200, %add3A_201 : i32
        %add3A_203 = arith.addi %add3A_202, %mul3A_178 : i32
        %get3A_204 = arith.index_cast %add3A_203 : i32 to index
        %get3A_205 = tpu.vector_load %arg22[%get3A_204] {strides = array<i32>} : memref<28672xf32, #tpu.memory_space<vmem>>, vector<16xf32>,
        %mul3A_206 = arith.mulf %get3A_205, %mul3A_138 : vector<16xf32>
        %add3A_207 = arith.addf %mul3A_198, %mul3A_206 : vector<16xf32>
        %mul3A_208 = arith.constant 3584 : i32
        %mul3A_209 = arith.muli %shift_right_arithmetic3A_175, %mul3A_208 : i32
        %add3A_210 = arith.constant 384 : i32
        %add3A_211 = arith.addi %mul3A_209, %add3A_210 : i32
        %add3A_212 = arith.addi %add3A_211, %mul3A_178 : i32
        %get3A_213 = arith.index_cast %add3A_212 : i32 to index
        %get3A_214 = tpu.vector_load %arg22[%get3A_213] {strides = array<i32>} : memref<28672xf32, #tpu.memory_space<vmem>>, vector<16xf32>,
        %mul3A_215 = arith.mulf %get3A_214, %mul3A_141 : vector<16xf32>
        %add3A_216 = arith.addf %add3A_207, %mul3A_215 : vector<16xf32>
        %mul3A_217 = arith.constant 3584 : i32
        %mul3A_218 = arith.muli %shift_right_arithmetic3A_175, %mul3A_217 : i32
        %add3A_219 = arith.constant 512 : i32
        %add3A_220 = arith.addi %mul3A_218, %add3A_219 : i32
        %add3A_221 = arith.addi %add3A_220, %mul3A_178 : i32
        %get3A_222 = arith.index_cast %add3A_221 : i32 to index
        %get3A_223 = tpu.vector_load %arg22[%get3A_222] {strides = array<i32>} : memref<28672xf32, #tpu.memory_space<vmem>>, vector<16xf32>,
        %mul3A_224 = arith.mulf %get3A_223, %mul3A_144 : vector<16xf32>
        %add3A_225 = arith.addf %add3A_216, %mul3A_224 : vector<16xf32>
        %mul3A_226 = arith.constant 3584 : i32
        %mul3A_227 = arith.muli %shift_right_arithmetic3A_175, %mul3A_226 : i32
        %add3A_228 = arith.constant 640 : i32
        %add3A_229 = arith.addi %mul3A_227, %add3A_228 : i32
        %add3A_230 = arith.addi %add3A_229, %mul3A_178 : i32
        %get3A_231 = arith.index_cast %add3A_230 : i32 to index
        %get3A_232 = tpu.vector_load %arg22[%get3A_231] {strides = array<i32>} : memref<28672xf32, #tpu.memory_space<vmem>>, vector<16xf32>,
        %mul3A_233 = arith.mulf %get3A_232, %mul3A_148 : vector<16xf32>
        %add3A_234 = arith.addf %add3A_225, %mul3A_233 : vector<16xf32>
        %mul3A_235 = arith.constant 3584 : i32
        %mul3A_236 = arith.muli %shift_right_arithmetic3A_175, %mul3A_235 : i32
        %add3A_237 = arith.constant 768 : i32
        %add3A_238 = arith.addi %mul3A_236, %add3A_237 : i32
        %add3A_239 = arith.addi %add3A_238, %mul3A_178 : i32
        %get3A_240 = arith.index_cast %add3A_239 : i32 to index
        %get3A_241 = tpu.vector_load %arg22[%get3A_240] {strides = array<i32>} : memref<28672xf32, #tpu.memory_space<vmem>>, vector<16xf32>,
        %mul3A_242 = arith.mulf %get3A_241, %mul3A_152 : vector<16xf32>
        %add3A_243 = arith.addf %add3A_234, %mul3A_242 : vector<16xf32>
        %mul3A_244 = arith.constant 3584 : i32
        %mul3A_245 = arith.muli %shift_right_arithmetic3A_175, %mul3A_244 : i32
        %add3A_246 = arith.constant 896 : i32
        %add3A_247 = arith.addi %mul3A_245, %add3A_246 : i32
        %add3A_248 = arith.addi %add3A_247, %mul3A_178 : i32
        %get3A_249 = arith.index_cast %add3A_248 : i32 to index
        %get3A_250 = tpu.vector_load %arg22[%get3A_249] {strides = array<i32>} : memref<28672xf32, #tpu.memory_space<vmem>>, vector<16xf32>,
        %mul3A_251 = arith.mulf %get3A_250, %mul3A_163 : vector<16xf32>
        %add3A_252 = arith.addf %add3A_243, %mul3A_251 : vector<16xf32>
        %mul3A_253 = arith.constant 3584 : i32
        %mul3A_254 = arith.muli %shift_right_arithmetic3A_175, %mul3A_253 : i32
        %add3A_255 = arith.constant 1024 : i32
        %add3A_256 = arith.addi %mul3A_254, %add3A_255 : i32
        %add3A_257 = arith.addi %add3A_256, %mul3A_178 : i32
        %get3A_258 = arith.index_cast %add3A_257 : i32 to index
        %get3A_259 = tpu.vector_load %arg22[%get3A_258] {strides = array<i32>} : memref<28672xf32, #tpu.memory_space<vmem>>, vector<16xf32>,
        %mul3A_260 = arith.mulf %get3A_259, %mul3A_167 : vector<16xf32>
        %add3A_261 = arith.addf %add3A_252, %mul3A_260 : vector<16xf32>
        %mul3A_262 = arith.constant 3584 : i32
        %mul3A_263 = arith.muli %shift_right_arithmetic3A_175, %mul3A_262 : i32
        %add3A_264 = arith.constant 1152 : i32
        %add3A_265 = arith.addi %mul3A_263, %add3A_264 : i32
        %add3A_266 = arith.addi %add3A_265, %mul3A_178 : i32
        %get3A_267 = arith.index_cast %add3A_266 : i32 to index
        %get3A_268 = tpu.vector_load %arg22[%get3A_267] {strides = array<i32>} : memref<28672xf32, #tpu.memory_space<vmem>>, vector<16xf32>,
        %mul3A_269 = arith.mulf %get3A_268, %mul3A_173 : vector<16xf32>
        %add3A_270 = arith.addf %add3A_261, %mul3A_269 : vector<16xf32>
        tpu.vector_store_idx %arg23[%get3A_84], %add3A_270 masked %lt3A_81 : memref<1024xf32, #tpu.memory_space<vmem>>[vector<16xi32>], vector<16xf32>, vector<16xi1>
        %mul3A_271 = arith.constant 3584 : i32
        %mul3A_272 = arith.muli %shift_right_arithmetic3A_175, %mul3A_271 : i32
        %add3A_273 = arith.constant 1280 : i32
        %add3A_274 = arith.addi %mul3A_272, %add3A_273 : i32
        %add3A_275 = arith.addi %add3A_274, %mul3A_178 : i32
        %get3A_276 = arith.index_cast %add3A_275 : i32 to index
        %get3A_277 = tpu.vector_load %arg22[%get3A_276] {strides = array<i32>} : memref<28672xf32, #tpu.memory_space<vmem>>, vector<16xf32>,
        %mul3A_278 = arith.constant 0.282094806 : f32
        %mul3A_279 = vector.broadcast %mul3A_278 : f32 to vector<16xf32>
        %mul3A_280 = arith.mulf %get3A_277, %mul3A_279 : vector<16xf32>
        %mul3A_281 = arith.constant 3584 : i32
        %mul3A_282 = arith.muli %shift_right_arithmetic3A_175, %mul3A_281 : i32
        %add3A_283 = arith.constant 1408 : i32
        %add3A_284 = arith.addi %mul3A_282, %add3A_283 : i32
        %add3A_285 = arith.addi %add3A_284, %mul3A_178 : i32
        %get3A_286 = arith.index_cast %add3A_285 : i32 to index
        %get3A_287 = tpu.vector_load %arg22[%get3A_286] {strides = array<i32>} : memref<28672xf32, #tpu.memory_space<vmem>>, vector<16xf32>,
        %mul3A_288 = arith.mulf %get3A_287, %mul3A_138 : vector<16xf32>
        %add3A_289 = arith.addf %mul3A_280, %mul3A_288 : vector<16xf32>
        %mul3A_290 = arith.constant 3584 : i32
        %mul3A_291 = arith.muli %shift_right_arithmetic3A_175, %mul3A_290 : i32
        %add3A_292 = arith.constant 1536 : i32
        %add3A_293 = arith.addi %mul3A_291, %add3A_292 : i32
        %add3A_294 = arith.addi %add3A_293, %mul3A_178 : i32
        %get3A_295 = arith.index_cast %add3A_294 : i32 to index
        %get3A_296 = tpu.vector_load %arg22[%get3A_295] {strides = array<i32>} : memref<28672xf32, #tpu.memory_space<vmem>>, vector<16xf32>,
        %mul3A_297 = arith.mulf %get3A_296, %mul3A_141 : vector<16xf32>
        %add3A_298 = arith.addf %add3A_289, %mul3A_297 : vector<16xf32>
        %mul3A_299 = arith.constant 3584 : i32
        %mul3A_300 = arith.muli %shift_right_arithmetic3A_175, %mul3A_299 : i32
        %add3A_301 = arith.constant 1664 : i32
        %add3A_302 = arith.addi %mul3A_300, %add3A_301 : i32
        %add3A_303 = arith.addi %add3A_302, %mul3A_178 : i32
        %get3A_304 = arith.index_cast %add3A_303 : i32 to index
        %get3A_305 = tpu.vector_load %arg22[%get3A_304] {strides = array<i32>} : memref<28672xf32, #tpu.memory_space<vmem>>, vector<16xf32>,
        %mul3A_306 = arith.mulf %get3A_305, %mul3A_144 : vector<16xf32>
        %add3A_307 = arith.addf %add3A_298, %mul3A_306 : vector<16xf32>
        %mul3A_308 = arith.constant 3584 : i32
        %mul3A_309 = arith.muli %shift_right_arithmetic3A_175, %mul3A_308 : i32
        %add3A_310 = arith.constant 1792 : i32
        %add3A_311 = arith.addi %mul3A_309, %add3A_310 : i32
        %add3A_312 = arith.addi %add3A_311, %mul3A_178 : i32
        %get3A_313 = arith.index_cast %add3A_312 : i32 to index
        %get3A_314 = tpu.vector_load %arg22[%get3A_313] {strides = array<i32>} : memref<28672xf32, #tpu.memory_space<vmem>>, vector<16xf32>,
        %mul3A_315 = arith.mulf %get3A_314, %mul3A_148 : vector<16xf32>
        %add3A_316 = arith.addf %add3A_307, %mul3A_315 : vector<16xf32>
        %mul3A_317 = arith.constant 3584 : i32
        %mul3A_318 = arith.muli %shift_right_arithmetic3A_175, %mul3A_317 : i32
        %add3A_319 = arith.constant 1920 : i32
        %add3A_320 = arith.addi %mul3A_318, %add3A_319 : i32
        %add3A_321 = arith.addi %add3A_320, %mul3A_178 : i32
        %get3A_322 = arith.index_cast %add3A_321 : i32 to index
        %get3A_323 = tpu.vector_load %arg22[%get3A_322] {strides = array<i32>} : memref<28672xf32, #tpu.memory_space<vmem>>, vector<16xf32>,
        %mul3A_324 = arith.mulf %get3A_323, %mul3A_152 : vector<16xf32>
        %add3A_325 = arith.addf %add3A_316, %mul3A_324 : vector<16xf32>
        %mul3A_326 = arith.constant 3584 : i32
        %mul3A_327 = arith.muli %shift_right_arithmetic3A_175, %mul3A_326 : i32
        %add3A_328 = arith.constant 2048 : i32
        %add3A_329 = arith.addi %mul3A_327, %add3A_328 : i32
        %add3A_330 = arith.addi %add3A_329, %mul3A_178 : i32
        %get3A_331 = arith.index_cast %add3A_330 : i32 to index
        %get3A_332 = tpu.vector_load %arg22[%get3A_331] {strides = array<i32>} : memref<28672xf32, #tpu.memory_space<vmem>>, vector<16xf32>,
        %mul3A_333 = arith.mulf %get3A_332, %mul3A_163 : vector<16xf32>
        %add3A_334 = arith.addf %add3A_325, %mul3A_333 : vector<16xf32>
        %mul3A_335 = arith.constant 3584 : i32
        %mul3A_336 = arith.muli %shift_right_arithmetic3A_175, %mul3A_335 : i32
        %add3A_337 = arith.constant 2176 : i32
        %add3A_338 = arith.addi %mul3A_336, %add3A_337 : i32
        %add3A_339 = arith.addi %add3A_338, %mul3A_178 : i32
        %get3A_340 = arith.index_cast %add3A_339 : i32 to index
        %get3A_341 = tpu.vector_load %arg22[%get3A_340] {strides = array<i32>} : memref<28672xf32, #tpu.memory_space<vmem>>, vector<16xf32>,
        %mul3A_342 = arith.mulf %get3A_341, %mul3A_167 : vector<16xf32>
        %add3A_343 = arith.addf %add3A_334, %mul3A_342 : vector<16xf32>
        %mul3A_344 = arith.constant 3584 : i32
        %mul3A_345 = arith.muli %shift_right_arithmetic3A_175, %mul3A_344 : i32
        %add3A_346 = arith.constant 2304 : i32
        %add3A_347 = arith.addi %mul3A_345, %add3A_346 : i32
        %add3A_348 = arith.addi %add3A_347, %mul3A_178 : i32
        %get3A_349 = arith.index_cast %add3A_348 : i32 to index
        %get3A_350 = tpu.vector_load %arg22[%get3A_349] {strides = array<i32>} : memref<28672xf32, #tpu.memory_space<vmem>>, vector<16xf32>,
        %mul3A_351 = arith.mulf %get3A_350, %mul3A_173 : vector<16xf32>
        %add3A_352 = arith.addf %add3A_343, %mul3A_351 : vector<16xf32>
        tpu.vector_store_idx %arg24[%get3A_84], %add3A_352 masked %lt3A_81 : memref<1024xf32, #tpu.memory_space<vmem>>[vector<16xi32>], vector<16xf32>, vector<16xi1>
        %mul3A_353 = arith.constant 3584 : i32
        %mul3A_354 = arith.muli %shift_right_arithmetic3A_175, %mul3A_353 : i32
        %add3A_355 = arith.constant 2432 : i32
        %add3A_356 = arith.addi %mul3A_354, %add3A_355 : i32
        %add3A_357 = arith.addi %add3A_356, %mul3A_178 : i32
        %get3A_358 = arith.index_cast %add3A_357 : i32 to index
        %get3A_359 = tpu.vector_load %arg22[%get3A_358] {strides = array<i32>} : memref<28672xf32, #tpu.memory_space<vmem>>, vector<16xf32>,
        %mul3A_360 = arith.constant 0.282094806 : f32
        %mul3A_361 = vector.broadcast %mul3A_360 : f32 to vector<16xf32>
        %mul3A_362 = arith.mulf %get3A_359, %mul3A_361 : vector<16xf32>
        %mul3A_363 = arith.constant 3584 : i32
        %mul3A_364 = arith.muli %shift_right_arithmetic3A_175, %mul3A_363 : i32
        %add3A_365 = arith.constant 2560 : i32
        %add3A_366 = arith.addi %mul3A_364, %add3A_365 : i32
        %add3A_367 = arith.addi %add3A_366, %mul3A_178 : i32
        %get3A_368 = arith.index_cast %add3A_367 : i32 to index
        %get3A_369 = tpu.vector_load %arg22[%get3A_368] {strides = array<i32>} : memref<28672xf32, #tpu.memory_space<vmem>>, vector<16xf32>,
        %mul3A_370 = arith.mulf %get3A_369, %mul3A_138 : vector<16xf32>
        %add3A_371 = arith.addf %mul3A_362, %mul3A_370 : vector<16xf32>
        %mul3A_372 = arith.constant 3584 : i32
        %mul3A_373 = arith.muli %shift_right_arithmetic3A_175, %mul3A_372 : i32
        %add3A_374 = arith.constant 2688 : i32
        %add3A_375 = arith.addi %mul3A_373, %add3A_374 : i32
        %add3A_376 = arith.addi %add3A_375, %mul3A_178 : i32
        %get3A_377 = arith.index_cast %add3A_376 : i32 to index
        %get3A_378 = tpu.vector_load %arg22[%get3A_377] {strides = array<i32>} : memref<28672xf32, #tpu.memory_space<vmem>>, vector<16xf32>,
        %mul3A_379 = arith.mulf %get3A_378, %mul3A_141 : vector<16xf32>
        %add3A_380 = arith.addf %add3A_371, %mul3A_379 : vector<16xf32>
        %mul3A_381 = arith.constant 3584 : i32
        %mul3A_382 = arith.muli %shift_right_arithmetic3A_175, %mul3A_381 : i32
        %add3A_383 = arith.constant 2816 : i32
        %add3A_384 = arith.addi %mul3A_382, %add3A_383 : i32
        %add3A_385 = arith.addi %add3A_384, %mul3A_178 : i32
        %get3A_386 = arith.index_cast %add3A_385 : i32 to index
        %get3A_387 = tpu.vector_load %arg22[%get3A_386] {strides = array<i32>} : memref<28672xf32, #tpu.memory_space<vmem>>, vector<16xf32>,
        %mul3A_388 = arith.mulf %get3A_387, %mul3A_144 : vector<16xf32>
        %add3A_389 = arith.addf %add3A_380, %mul3A_388 : vector<16xf32>
        %mul3A_390 = arith.constant 3584 : i32
        %mul3A_391 = arith.muli %shift_right_arithmetic3A_175, %mul3A_390 : i32
        %add3A_392 = arith.constant 2944 : i32
        %add3A_393 = arith.addi %mul3A_391, %add3A_392 : i32
        %add3A_394 = arith.addi %add3A_393, %mul3A_178 : i32
        %get3A_395 = arith.index_cast %add3A_394 : i32 to index
        %get3A_396 = tpu.vector_load %arg22[%get3A_395] {strides = array<i32>} : memref<28672xf32, #tpu.memory_space<vmem>>, vector<16xf32>,
        %mul3A_397 = arith.mulf %get3A_396, %mul3A_148 : vector<16xf32>
        %add3A_398 = arith.addf %add3A_389, %mul3A_397 : vector<16xf32>
        %mul3A_399 = arith.constant 3584 : i32
        %mul3A_400 = arith.muli %shift_right_arithmetic3A_175, %mul3A_399 : i32
        %add3A_401 = arith.constant 3072 : i32
        %add3A_402 = arith.addi %mul3A_400, %add3A_401 : i32
        %add3A_403 = arith.addi %add3A_402, %mul3A_178 : i32
        %get3A_404 = arith.index_cast %add3A_403 : i32 to index
        %get3A_405 = tpu.vector_load %arg22[%get3A_404] {strides = array<i32>} : memref<28672xf32, #tpu.memory_space<vmem>>, vector<16xf32>,
        %mul3A_406 = arith.mulf %get3A_405, %mul3A_152 : vector<16xf32>
        %add3A_407 = arith.addf %add3A_398, %mul3A_406 : vector<16xf32>
        %mul3A_408 = arith.constant 3584 : i32
        %mul3A_409 = arith.muli %shift_right_arithmetic3A_175, %mul3A_408 : i32
        %add3A_410 = arith.constant 3200 : i32
        %add3A_411 = arith.addi %mul3A_409, %add3A_410 : i32
        %add3A_412 = arith.addi %add3A_411, %mul3A_178 : i32
        %get3A_413 = arith.index_cast %add3A_412 : i32 to index
        %get3A_414 = tpu.vector_load %arg22[%get3A_413] {strides = array<i32>} : memref<28672xf32, #tpu.memory_space<vmem>>, vector<16xf32>,
        %mul3A_415 = arith.mulf %get3A_414, %mul3A_163 : vector<16xf32>
        %add3A_416 = arith.addf %add3A_407, %mul3A_415 : vector<16xf32>
        %mul3A_417 = arith.constant 3584 : i32
        %mul3A_418 = arith.muli %shift_right_arithmetic3A_175, %mul3A_417 : i32
        %add3A_419 = arith.constant 3328 : i32
        %add3A_420 = arith.addi %mul3A_418, %add3A_419 : i32
        %add3A_421 = arith.addi %add3A_420, %mul3A_178 : i32
        %get3A_422 = arith.index_cast %add3A_421 : i32 to index
        %get3A_423 = tpu.vector_load %arg22[%get3A_422] {strides = array<i32>} : memref<28672xf32, #tpu.memory_space<vmem>>, vector<16xf32>,
        %mul3A_424 = arith.mulf %get3A_423, %mul3A_167 : vector<16xf32>
        %add3A_425 = arith.addf %add3A_416, %mul3A_424 : vector<16xf32>
        %mul3A_426 = arith.constant 3584 : i32
        %mul3A_427 = arith.muli %shift_right_arithmetic3A_175, %mul3A_426 : i32
        %add3A_428 = arith.constant 3456 : i32
        %add3A_429 = arith.addi %mul3A_427, %add3A_428 : i32
        %add3A_430 = arith.addi %add3A_429, %mul3A_178 : i32
        %get3A_431 = arith.index_cast %add3A_430 : i32 to index
        %get3A_432 = tpu.vector_load %arg22[%get3A_431] {strides = array<i32>} : memref<28672xf32, #tpu.memory_space<vmem>>, vector<16xf32>,
        %mul3A_433 = arith.mulf %get3A_432, %mul3A_173 : vector<16xf32>
        %add3A_434 = arith.addf %add3A_425, %mul3A_433 : vector<16xf32>
        tpu.vector_store_idx %arg25[%get3A_84], %add3A_434 masked %lt3A_81 : memref<1024xf32, #tpu.memory_space<vmem>>[vector<16xi32>], vector<16xf32>, vector<16xi1>
      }
      "tpu.region"() ({
        %run_scoped3A = tpu.sem_alloc : memref<!tpu.dma_semaphore, #tpu.memory_space<semaphore_mem>>
        %dma_start3A = tpu.memref_slice %arg9[%mul3A_12] : memref<1048576xf32, #tpu.memory_space<hbm>> -> memref<1024xf32, #tpu.memory_space<hbm>>
        %dma_start3A_76 = tpu.memref_slice %arg9[%mul3A_12] : memref<1048576xf32, #tpu.memory_space<hbm>> -> memref<1024xf32, #tpu.memory_space<hbm>>
        tpu.enqueue_dma source(%arg23 : memref<1024xf32, #tpu.memory_space<vmem>>) target(%dma_start3A_76 : memref<1024xf32, #tpu.memory_space<hbm>>) target_semaphore(%run_scoped3A : memref<!tpu.dma_semaphore, #tpu.memory_space<semaphore_mem>>)
        %dma_wait3A = tpu.memref_slice %arg9[%mul3A_12] : memref<1048576xf32, #tpu.memory_space<hbm>> -> memref<1024xf32, #tpu.memory_space<hbm>>
        %dma_wait3A_77 = tpu.memref_slice %arg9[%mul3A_12] : memref<1048576xf32, #tpu.memory_space<hbm>> -> memref<1024xf32, #tpu.memory_space<hbm>>
        tpu.wait_dma2 semaphore(%run_scoped3A : memref<!tpu.dma_semaphore, #tpu.memory_space<semaphore_mem>>) src(%arg23 : memref<1024xf32, #tpu.memory_space<vmem>>) dst(%dma_wait3A_77 : memref<1024xf32, #tpu.memory_space<hbm>>)
        tpu.yield
      }) : () -> ()
      "tpu.region"() ({
        %run_scoped3A = tpu.sem_alloc : memref<!tpu.dma_semaphore, #tpu.memory_space<semaphore_mem>>
        %dma_start3A = tpu.memref_slice %arg10[%mul3A_12] : memref<1048576xf32, #tpu.memory_space<hbm>> -> memref<1024xf32, #tpu.memory_space<hbm>>
        %dma_start3A_76 = tpu.memref_slice %arg10[%mul3A_12] : memref<1048576xf32, #tpu.memory_space<hbm>> -> memref<1024xf32, #tpu.memory_space<hbm>>
        tpu.enqueue_dma source(%arg24 : memref<1024xf32, #tpu.memory_space<vmem>>) target(%dma_start3A_76 : memref<1024xf32, #tpu.memory_space<hbm>>) target_semaphore(%run_scoped3A : memref<!tpu.dma_semaphore, #tpu.memory_space<semaphore_mem>>)
        %dma_wait3A = tpu.memref_slice %arg10[%mul3A_12] : memref<1048576xf32, #tpu.memory_space<hbm>> -> memref<1024xf32, #tpu.memory_space<hbm>>
        %dma_wait3A_77 = tpu.memref_slice %arg10[%mul3A_12] : memref<1048576xf32, #tpu.memory_space<hbm>> -> memref<1024xf32, #tpu.memory_space<hbm>>
        tpu.wait_dma2 semaphore(%run_scoped3A : memref<!tpu.dma_semaphore, #tpu.memory_space<semaphore_mem>>) src(%arg24 : memref<1024xf32, #tpu.memory_space<vmem>>) dst(%dma_wait3A_77 : memref<1024xf32, #tpu.memory_space<hbm>>)
        tpu.yield
      }) : () -> ()
      "tpu.region"() ({
        %run_scoped3A = tpu.sem_alloc : memref<!tpu.dma_semaphore, #tpu.memory_space<semaphore_mem>>
        %dma_start3A = tpu.memref_slice %arg11[%mul3A_12] : memref<1048576xf32, #tpu.memory_space<hbm>> -> memref<1024xf32, #tpu.memory_space<hbm>>
        %dma_start3A_76 = tpu.memref_slice %arg11[%mul3A_12] : memref<1048576xf32, #tpu.memory_space<hbm>> -> memref<1024xf32, #tpu.memory_space<hbm>>
        tpu.enqueue_dma source(%arg25 : memref<1024xf32, #tpu.memory_space<vmem>>) target(%dma_start3A_76 : memref<1024xf32, #tpu.memory_space<hbm>>) target_semaphore(%run_scoped3A : memref<!tpu.dma_semaphore, #tpu.memory_space<semaphore_mem>>)
        %dma_wait3A = tpu.memref_slice %arg11[%mul3A_12] : memref<1048576xf32, #tpu.memory_space<hbm>> -> memref<1024xf32, #tpu.memory_space<hbm>>
        %dma_wait3A_77 = tpu.memref_slice %arg11[%mul3A_12] : memref<1048576xf32, #tpu.memory_space<hbm>> -> memref<1024xf32, #tpu.memory_space<hbm>>
        tpu.wait_dma2 semaphore(%run_scoped3A : memref<!tpu.dma_semaphore, #tpu.memory_space<semaphore_mem>>) src(%arg25 : memref<1024xf32, #tpu.memory_space<vmem>>) dst(%dma_wait3A_77 : memref<1024xf32, #tpu.memory_space<hbm>>)
        tpu.yield
      }) : () -> ()
      "tpu.region"() ({
        %run_scoped3A = tpu.sem_alloc : memref<!tpu.dma_semaphore, #tpu.memory_space<semaphore_mem>>
        %dma_start3A = tpu.memref_slice %arg12[%mul3A_12] : memref<1048576xf32, #tpu.memory_space<hbm>> -> memref<1024xf32, #tpu.memory_space<hbm>>
        %dma_start3A_76 = tpu.memref_slice %arg12[%mul3A_12] : memref<1048576xf32, #tpu.memory_space<hbm>> -> memref<1024xf32, #tpu.memory_space<hbm>>
        tpu.enqueue_dma source(%arg26 : memref<1024xf32, #tpu.memory_space<vmem>>) target(%dma_start3A_76 : memref<1024xf32, #tpu.memory_space<hbm>>) target_semaphore(%run_scoped3A : memref<!tpu.dma_semaphore, #tpu.memory_space<semaphore_mem>>)
        %dma_wait3A = tpu.memref_slice %arg12[%mul3A_12] : memref<1048576xf32, #tpu.memory_space<hbm>> -> memref<1024xf32, #tpu.memory_space<hbm>>
        %dma_wait3A_77 = tpu.memref_slice %arg12[%mul3A_12] : memref<1048576xf32, #tpu.memory_space<hbm>> -> memref<1024xf32, #tpu.memory_space<hbm>>
        tpu.wait_dma2 semaphore(%run_scoped3A : memref<!tpu.dma_semaphore, #tpu.memory_space<semaphore_mem>>) src(%arg26 : memref<1024xf32, #tpu.memory_space<vmem>>) dst(%dma_wait3A_77 : memref<1024xf32, #tpu.memory_space<hbm>>)
        tpu.yield
      }) : () -> ()
    }
    %scan3A_6 = arith.constant 32 : i32
    return
  }
}

</mosaic_0001>

<sc_bundles>
// kernel: kernel.3.cloned.1.call-start
scs
__scs_entry_jumppad:
0x0: {  	(pc) =	sbr.rel $0x88, $3  }
0x1: {  	(tag) =	ssettag $0x0;
	lr =	simm.s32 $0x1  }
0x2: {  	[smem:$0x3F9E] =	sst lr;
	_ =	strace $0xD0000000  }
0x3: {  	_ = 	snop  }
0x4: {  	_ = 	snop  }
0x5: {  	_ = 	snop  }
0x6: {  	_ = 	snop  }
0x7: {  	_ = 	snop  }
__scs_overlays_trampoline_lowered:
0x8: {  	[smem:$0x3FAD] =	sst s0  }
0x9: {  	[smem:$0x3FAE] =	sst s1  }
0xa: {  	[smem:$0x3FAF] =	sst s2  }
0xb: {  	[smem:$0x3FB0] =	sst s3  }
0xc: {  	[smem:$0x3FB1] =	sst s4  }
0xd: {  	[smem:$0x3FB2] =	sst s5  }
0xe: {  	[smem:$0x3FB3] =	sst s6  }
0xf: {  	[smem:$0x3FB4] =	sst s7  }
0x10: {  	[smem:$0x3FB5] =	sst s8  }
0x11: {  	[smem:$0x3FB6] =	sst s9;
	s0 =	simm.s32 @!p0 $0x0  }
0x12: {  	s1 =	sld [smem:$0x3F9C];
	s0 =	simm.s32 @p0 $0x1  }
0x13: {  	[smem:$0x3FB7] =	sst s0;
	s0 =	simm.s32 @!p1 $0x0  }
0x14: {  	s2 =	sld [smem:$0x3F9B];
	s0 =	simm.s32 @p1 $0x1  }
0x15: {  	[smem:$0x3FB8] =	sst s0;
	s0 =	simm.s32 @!p2 $0x0  }
0x16: {  	s3 =	sld [smem:$0x3FDB];
	s0 =	simm.s32 @p2 $0x1  }
0x17: {  	s4 =	simm.s32 $0x1BF5;
	[smem:$0x3FBA] =	sst s0  }
0x18: {  	s0 =	sld [smem:$0x3F9D];
	_ =	swait.ge [sflag:s4], $0x0  }
0x19: {  	s7 =	sld [smem:$0x3F9E]  }
0x1a: {  	s8 =	sadd.s32 $0xFFFFE003, lr  }
0x1b: {  	s9 =	sadd.s32 $0xFFFFFEF7, lr;
	s5 =	simm.s32 $0xFFFFFFFF;
	p2 =	slt.u32 s8, $0xFFFFF086  }
0x1c: {  	p1 =	slt.u32 s9, $0xF7A;
	s5 =	simm.s32 @!p2 $0x0  }
0x1d: {  	s5 =	simm.s32 @p1 $0x1;
	p0 =	seq.s32 s7, s2  }
0x1e: {  	s7 =	smul.u32 @!p0 $0xF7A, s2;
	p2 =	seq.s32 @!p0 s5, $0x0  }
0x1f: {  	s9 =	smul.u32 $0xF7A, s1;
	s8 =	simm.s32 @!p0 $0x1BF5;
	p2 =	por !p2, p0  }
0x20: {  	[sflag:s8] =	ssyncset.s32 @!p0 $0xFFFFF086;
	s6 =	sadd.s32 @!p0 s3, s7;
	s7 =	simm.s32 @!p0 $0x108  }
0x21: {  	s3 =	sadd.s32 s3, s9;
	s6 =	sadd.s32 @!p0 $0x88, s6;
	s7 =	simm.s32 @p2 $0x1082  }
0x22: {  	[simem:s7], [sflag:s8] =	dma.local @!p0 [hbm:s6], $0xF7A  }
0x23: {  	s9 =	sor.u32 $0xD0000000, s2;
	s6 =	simm.s32 $0x108;
	_ =	swait.ge @!p0 [sflag:s8], $0x0  }
0x24: {  	s3 =	sadd.s32 $0x88, s3;
	s6 =	simm.s32 @!p1 $0x1082;
	[sflag:s4] =	ssyncset.s32 $0xFFFFF086  }
0x25: {  	[simem:s6], [sflag:s4] =	dma.local [hbm:s3], $0xF7A  }
0x26: {  	[smem:$0x3F9E] =	sst s1;
	(tag) =	ssettag s2;
	_ =	strace s9  }
0x27: {  	s1 =	sld [smem:$0x3FAE]  }
0x28: {  	s2 =	sld [smem:$0x3FAF]  }
0x29: {  	s4 =	sld [smem:$0x3FB1]  }
0x2a: {  	p0 =	seq.s32 s5, $0x0;
	s5 =	sld [smem:$0x3FB2]  }
0x2b: {  	s6 =	sld [smem:$0x3FB3]  }
0x2c: {  	s7 =	sld [smem:$0x3FB4]  }
0x2d: {  	s3 =	simm.s32 $0x108;
	s8 =	sld [smem:$0x3FB5]  }
0x2e: {  	s3 =	simm.s32 @!p0 $0x1082;
	s9 =	sld [smem:$0x3FB6]  }
0x2f: {  	lr =	sadd.s32 s0, s3;
	s0 =	sld [smem:$0x3FAD]  }
0x30: {  	s3 =	sld [smem:$0x3FB0]  }
0x31: {  	[smem:$0x3FB9] =	sst s10  }
0x32: {  	s10 =	sld [smem:$0x3FB7];
	_ =	sdelay $0x3  }
0x33: {  	p0 =	seq.s32 s10, $0x1;
	s10 =	sld [smem:$0x3FB9];
	_ =	sdelay $0x3  }
0x34: {  	[smem:$0x3FB9] =	sst s10  }
0x35: {  	s10 =	sld [smem:$0x3FB8];
	_ =	sdelay $0x3  }
0x36: {  	p1 =	seq.s32 s10, $0x1;
	s10 =	sld [smem:$0x3FB9];
	_ =	sdelay $0x3  }
0x37: {  	[smem:$0x3FB9] =	sst s10  }
0x38: {  	s10 =	sld [smem:$0x3FBA]  }
0x39: {  	_ = 	snop;
	(pc) =	sbr.ind lr, $3  }
0x3a: {  	_ = 	snop  }
0x3b: {  	_ = 	snop  }
0x3c: {  	p2 =	seq.s32 s10, $0x1;
	s10 =	sld [smem:$0x3FB9]  }
0x3d: {  	_ =	shalt  }
0x3e: {  	_ =	shalt  }
0x3f: {  	_ =	shalt  }
0x40: {  	_ =	shalt  }
0x41: {  	_ =	shalt  }
0x42: {  	_ =	shalt  }
0x43: {  	_ =	shalt  }
0x44: {  	_ =	shalt  }
0x45: {  	_ =	shalt  }
0x46: {  	_ =	shalt  }
0x47: {  	_ =	shalt  }
0x48: {  	_ =	shalt  }
0x49: {  	_ =	shalt  }
0x4a: {  	_ =	shalt  }
0x4b: {  	_ =	shalt  }
0x4c: {  	_ =	shalt  }
0x4d: {  	_ =	shalt  }
0x4e: {  	_ =	shalt  }
0x4f: {  	_ =	shalt  }
0x50: {  	_ =	shalt  }
0x51: {  	_ =	shalt  }
0x52: {  	_ =	shalt  }
0x53: {  	_ =	shalt  }
0x54: {  	_ =	shalt  }
0x55: {  	_ =	shalt  }
0x56: {  	_ =	shalt  }
0x57: {  	_ =	shalt  }
0x58: {  	_ =	shalt  }
0x59: {  	_ =	shalt  }
0x5a: {  	_ =	shalt  }
0x5b: {  	_ =	shalt  }
0x5c: {  	_ =	shalt  }
0x5d: {  	_ =	shalt  }
0x5e: {  	_ =	shalt  }
0x5f: {  	_ =	shalt  }
0x60: {  	_ =	shalt  }
0x61: {  	_ =	shalt  }
0x62: {  	_ =	shalt  }
0x63: {  	_ =	shalt  }
0x64: {  	_ =	shalt  }
0x65: {  	_ =	shalt  }
0x66: {  	_ =	shalt  }
0x67: {  	_ =	shalt  }
0x68: {  	_ =	shalt  }
0x69: {  	_ =	shalt  }
0x6a: {  	_ =	shalt  }
0x6b: {  	_ =	shalt  }
0x6c: {  	_ =	shalt  }
0x6d: {  	_ =	shalt  }
0x6e: {  	_ =	shalt  }
0x6f: {  	_ =	shalt  }
0x70: {  	_ =	shalt  }
0x71: {  	_ =	shalt  }
0x72: {  	_ =	shalt  }
0x73: {  	_ =	shalt  }
0x74: {  	_ =	shalt  }
0x75: {  	_ =	shalt  }
0x76: {  	_ =	shalt  }
0x77: {  	_ =	shalt  }
0x78: {  	_ =	shalt  }
0x79: {  	_ =	shalt  }
0x7a: {  	_ =	shalt  }
0x7b: {  	_ =	shalt  }
0x7c: {  	_ =	shalt  }
0x7d: {  	_ =	shalt  }
0x7e: {  	_ =	shalt  }
0x7f: {  	_ =	shalt  }
0x80: {  	_ =	shalt  }
0x81: {  	_ =	shalt  }
0x82: {  	_ =	shalt  }
0x83: {  	_ =	shalt  }
0x84: {  	_ =	shalt  }
0x85: {  	_ =	shalt  }
0x86: {  	_ =	shalt  }
0x87: {  	_ =	shalt  }
.Lfunc_end0:
.L_simem_size_0:
called_computation_lowered:
.L_overlay_start_0:
0x88: {  	s2 =	sld [smem:$0x3FD9]  }
0x89: {  	s3 =	sld [smem:$0x3FFE];
	_ =	sdelay $0x1  }
0x8a: {  	s1 =	srdreg.scid  }
0x8b: {  	s0 =	sand.u32 $0x1, s1  }
0x8c: {  	s14 =	sshll.u32 s0, $0xA;
	s2 =	sadd.s32 s3, s2  }
0x8d: {  	s2 =	sadd.s32 s2, s14  }
0x8e: {  	[smem:$0x3FC5] =	sst s2  }
0x8f: {  	_ = 	snop  }
0x90: {  	s2 =	sld [smem:$0x3FD0];
	_ =	sdelay $0x2  }
0x91: {  	s4 =	simm.s32 $0xA;
	s5 =	simm.s32 $0x10;
	s15 =	sld [smem:$0x3FC7]  }
0x92: {  	[smem:s5], [sflag:s4] =	dma.local [hbm:s2], $0x1  }
0x93: {  	_ =	swait.eq [sflag:s4], $0x1  }
0x94: {  	[sflag:s4] =	ssyncset.done $0x0  }
0x95: {  	s16 =	sld [smem:$0x10];
	[sflag:s4] =	ssyncadd.s32 $0xFFFFFFFF  }
0x96: {  	s17 =	sld [smem:$0x11];
	(tm) =	ssettm $0x1  }
0x97: {  	s18 =	sld [smem:$0x3FFB];
	_ =	sdelay $0x3  }
0x98: {  	_ =	strace s18  }
0x99: {  	s5 =	sld [smem:$0x3FFC];
	_ =	sdelay $0x3  }
0x9a: {  	_ =	strace s5  }
0x9b: {  	s5 =	sld [smem:$0x3FFD];
	_ =	sdelay $0x3  }
0x9c: {  	_ =	strace s5  }
0x9d: {  	_ =	strace $0x8FFFFFFF  }
0x9e: {  	s19 =	sld [smem:$0x3FDB];
	_ =	sdelay $0x1  }
0x9f: {  	s6 =	simm.s32 $_scs_section_size  }
0xa0: {  	s7 =	simm.s32 $_size__tile_overlayer_lowered;
	s8 =	simm.s32 $_tile_overlayer_lowered  }
0xa1: {  	s22 =	simm.s32 $0x1BFF;
	s21 =	sshll.u32 s8, $0x1;
	s5 =	sadd.s32 s6, s19  }
0xa2: {  	s9 =	simm.s32 $0x0;
	s20 =	sshll.u32 s7, $0x1;
	s7 =	sadd.s32 s21, s5  }
0xa3: {  	[timem:s9], [sflag:s22] =	dma.local [hbm:s7], s20  }
0xa4: {  	_ =	swait.ge [sflag:s22], s20  }
0xa5: {  	s6 =	ssub.s32 $0x0, s20;
	[sflag:s22] =	ssyncset.done $0x0  }
0xa6: {  	[sflag:s22] =	ssyncadd.s32 s6;
	_ =	sdelay $0x1  }
0xa7: {  	s23 =	simm.s32 $0x1B8B  }
0xa8: {  	_ =	swait.ge [sflag:s23], $0x1  }
0xa9: {  	[sflag:s23] =	ssyncset.done $0x0  }
0xaa: {  	s25 =	simm.s32 $0x1B8E;
	s24 =	sld [smem:$0x3FFE];
	[sflag:s23] =	ssyncadd.s32 $0xFFFFFFFF  }
0xab: {  	s26 =	simm.s32 $execute0_lowered;
	[smem:$0x3FD2] =	sst s25  }
0xac: {  	s7 =	sshll.u32 s26, $0x1;
	_ =	strace $0x80000046;
	[dreg:$0x1] =	wrdreg $0xFFFFFFFF  }
0xad: {  	s28 =	simm.s32 $_size_execute0_lowered;
	s5 =	sadd.s32 s5, s7;
	[dreg:$0x0] =	wrdreg $0x0  }
0xae: {  	s7 =	sshll.u32 s28, $0x1;
	[dreg:$0x2] =	wrdreg s5  }
0xaf: {  	[dreg:$0x3] =	wrdreg s7  }
0xb0: {  	[dreg:$0x4] =	wrdreg $0xC0  }
0xb1: {  	_ =	task [dreg:s9], $0x5FFFF  }
0xb2: {  	[dreg:$0x1] =	wrdreg $0xFFFFFFFF  }
0xb3: {  	[dreg:$0x0] =	wrdreg $0x60  }
0xb4: {  	[dreg:$0x2] =	wrdreg s24  }
0xb5: {  	[dreg:$0x3] =	wrdreg s16  }
0xb6: {  	[dreg:$0x4] =	wrdreg s15  }
0xb7: {  	[dreg:$0x5] =	wrdreg s17  }
0xb8: {  	[dreg:$0x6] =	wrdreg $0x9  }
0xb9: {  	_ =	task.clear_ibuf [dreg:s9], $0x7FFFF;
	_ =	strace $0x90000046  }
0xba: {  	s29 =	simm.s32 $0x9;
	_ =	strace $0x80000048  }
0xbb: {  	_ =	swait.ge [sflag:s29], $0x1  }
0xbc: {  	[sflag:s29] =	ssyncadd.s32 $0xFFFFFFFF  }
0xbd: {  	_ =	strace $0x90000048  }
0xbe: {  	_ =	sfence  }
0xbf: {  	s30 =	sld [smem:$0x0];
	_ =	sdelay $0x2  }
0xc0: {  	s31 =	sshll.u32 s1, $0xD;
	s1 =	sshrl.u32 s1, $0x2  }
0xc1: {  	s3 =	sand.u32 $0x4000, s31;
	s1 =	sadd.s32 s1, s30  }
0xc2: {  	s0 =	sor.u32 s3, s0;
	s1 =	sshll.u32 s1, $0x11  }
0xc3: {  	s0 =	sor.u32 s1, s0  }
0xc4: {  	s0 =	sadd.s32 $0x8F2B, s0  }
0xc5: {  	[sflag:s0] =	ssyncadd.remote.s32 $0x1  }
0xc6: {  	_ =	sfence.sel $0xFFFF  }
0xc7: {  	[dreg:$0x0] =	wrdreg $0xFFFFFFFF;
	(pc) =	sbr.abs _section_cstart, $3  }
0xc8: {  	[dreg:$0x1] =	wrdreg $0xFFFFFFFF  }
0xc9: {  	_ =	task.clear_ibuf [dreg:s9], $0x2FFFF;
	_ =	strace $0x9FFFFFFF  }
0xca: {  	(tm) =	ssettm $0x7FFFFFFF  }
0xcb: {  	_ =	shalt  }
tec
execute0_lowered:
.L_overlay_start_1:
0x0: {  	(tag) =	ssettag $0x1  }
0x1: {  	s0 =	rddreg [dreg:$0x0]  }
0x2: {  	s2 =	rddreg [dreg:$0x2]  }
0x3: {  	s4 =	simm.s32 $0x0;
	s19 =	srdreg.scid;
	s6 =	stileid.u32  }
0x4: {  	s17 =	simm.s32 $0x2;
	s28 =	simm.s32 $0x10C00;
	s29 =	simm.s32 $0x10000  }
0x5: {  	s30 =	simm.s32 $0x10400;
	[smem:$0x7FF] =	sst s4;
	s1 =	sadd.s32 $0x20E00, s0  }
0x6: {  	s18 =	sadd.s32 $0xE00, s0;
	_ =	strace $0x80000047;
	[dreg:$0x5] =	wrdreg s1  }
0x7: {  	s31 =	simm.s32 $0x10800;
	s3 =	sadd.s32 $0x80E00, s0;
	[dreg:$0x6] =	wrdreg s18  }
0x8: {  	s20 =	sadd.s32 $0x60E00, s0;
	s21 =	sadd.s32 $0x40E00, s0;
	[dreg:$0x7] =	wrdreg s3  }
0x9: {  	s22 =	sadd.s32 $0xA0E00, s0;
	s12 =	sadd.s32 $0xC0E00, s0;
	[dreg:$0x8] =	wrdreg s20  }
0xa: {  	s13 =	sadd.s32 $0xE0E00, s0;
	s25 =	sshll.u32 s6, $0xD;
	[dreg:$0x9] =	wrdreg s21  }
0xb: {  	s6 =	sshll.u32 s6, $0xB;
	s1 =	sand.u32 $0x1, s19;
	[dreg:$0xa] =	wrdreg s22  }
0xc: {  	s20 =	simm.s32 $0xC00;
	s21 =	simm.s32 $0x1000;
	s22 =	simm.s32 $0x1400  }
.Ltmp0:
0xd: {  	s23 =	ssub.s32 $0x2, s1;
	s26 =	sshll.u32 s1, $0xC;
	(pc) =	sbr.rel .LBB2_1-.Ltmp0, $4  }
0xe: {  	s1 =	sshll.u32 s1, $0xA;
	s5 =	sshrl.u32 s23, $0x1;
	s14 =	sor.u32 s26, s25  }
0xf: {  	s16 =	sor.u32 s1, s6;
	s25 =	simm.s32 $0x80;
	s24 =	ssub.s32 s23, s5  }
0x10: {  	s26 =	simm.s32 $0x1;
	s1 =	simm.s32 $0x0;
	s0 =	smax.u32 s24, $0x1  }
0x11: {  	v0 =	vlaneseq.u32;
	v1 =	vimm.f32 $0.0e+00;
	v2 =	vimm.s32 $0x0;
	s23 =	simm.s32 $0x8800;
	s24 =	simm.s32 $0x8C00;
	[dreg:$0xb] =	wrdreg s0  }
.LBB2_21:
0x12: {  	s1 =	rddreg [dreg:$0xc]  }
0x13: {  	s0 =	rddreg [dreg:$0xb];
	s1 =	sadd.s32 $0x1, s1  }
0x14: {  	p0 =	sne.s32 s1, s0  }
.Ltmp1:
0x15: {  	_ = 	snop;
	(pc) =	sbr.rel @!p0 .LBB2_22-.Ltmp1, $1  }
0x16: {  	_ =	sdelay $0x3  }
.LBB2_1:
.Ltmp2:
0x17: {  	(pc) =	sbr.rel .LBB2_2-.Ltmp2, $2  }
0x18: {  	_ =	sdelay $0x2  }
0x19: {  	[dreg:$0xc] =	wrdreg s1;
	s9 =	simm.s32 $0x0  }
.LBB2_19:
0x1a: {  	_ =	sdelay $0x2  }
0x1b: {  	v4 =	vadd.f32 v5, v6;
	_ =	sdelay $0x1  }
0x1c: {  	[tilespmem:v3+s31+$0x0] =	vst.idx.msk vm0, v4  }
.LBB2_20:
0x1d: {  	s0 =	rddreg [dreg:$0xa]  }
0x1e: {  	s0 =	sadd.s32 s0, s15  }
0x1f: {  	[hbm4b:s0+s4] =	stream.linear.scatter [tilespmem:s29], [sflag:$0x2], $0x400, $0x38;
	[tilespmem:$0x11000] =	vst v63  }
0x20: {  	_ =	swait.ge [sflag:s17], $0x400  }
0x21: {  	[sflag:s17] =	ssyncset.done $0x0  }
0x22: {  	s11 =	sadd.s32 s12, s15;
	[sflag:s17] =	ssyncadd.s32 $0xFFFFFC00  }
0x23: {  	[hbm4b:s11+s4] =	stream.linear.scatter [tilespmem:s30], [sflag:$0x2], $0x400, $0x38;
	[tilespmem:$0x11000] =	vst v63  }
0x24: {  	_ =	swait.ge [sflag:s17], $0x400  }
0x25: {  	[sflag:s17] =	ssyncset.done $0x0  }
0x26: {  	s18 =	sadd.s32 s13, s15;
	[sflag:s17] =	ssyncadd.s32 $0xFFFFFC00  }
0x27: {  	[hbm4b:s18+s4] =	stream.linear.scatter [tilespmem:s31], [sflag:$0x2], $0x400, $0x38;
	[tilespmem:$0x11000] =	vst v63  }
0x28: {  	_ =	swait.ge [sflag:s17], $0x400  }
0x29: {  	[sflag:s17] =	ssyncset.done $0x0  }
0x2a: {  	s9 =	sadd.s32 $0x1, s9;
	[sflag:s17] =	ssyncadd.s32 $0xFFFFFC00  }
0x2b: {  	p0 =	sne.s32 s9, $0x20;
	s19 =	rddreg [dreg:$0x3]  }
.Ltmp3:
0x2c: {  	s0 =	sadd.s32 s19, s15;
	(pc) =	sbr.rel @!p0 .LBB2_21-.Ltmp3, $4  }
0x2d: {  	[hbm4b:s0+s4] =	stream.linear.scatter [tilespmem:s28], [sflag:$0x2], $0x400, $0x38;
	[tilespmem:$0x11000] =	vst v63  }
0x2e: {  	_ =	swait.ge [sflag:s17], $0x400  }
0x2f: {  	[sflag:s17] =	ssyncset.done $0x0  }
0x30: {  	[sflag:s17] =	ssyncadd.s32 $0xFFFFFC00  }
.LBB2_2:
0x31: {  	s0 =	sshll.u32 s9, $0x7  }
0x32: {  	s6 =	rddreg [dreg:$0x5];
	s15 =	sadd.s32 s14, s0  }
0x33: {  	s0 =	simm.s32 $0x0;
	s1 =	sadd.s32 s6, s15  }
0x34: {  	[tilespmem:s0], [sflag:$0x2] =	stream.linear.gather [hbm4b:s1+s0], $0x400, $0x38;
	[tilespmem:$0x11000] =	vst v63  }
0x35: {  	_ =	swait.ge [sflag:s17], $0x400  }
0x36: {  	[sflag:s17] =	ssyncset.done $0x0;
	s7 =	rddreg [dreg:$0x6]  }
0x37: {  	s3 =	simm.s32 $0x400;
	[sflag:s17] =	ssyncadd.s32 $0xFFFFFC00;
	s1 =	sadd.s32 s7, s15  }
0x38: {  	[tilespmem:s3], [sflag:$0x2] =	stream.linear.gather [hbm4b:s1+s0], $0x400, $0x38;
	[tilespmem:$0x11000] =	vst v63  }
0x39: {  	_ =	swait.ge [sflag:s17], $0x400  }
0x3a: {  	[sflag:s17] =	ssyncset.done $0x0  }
0x3b: {  	[sflag:s17] =	ssyncadd.s32 $0xFFFFFC00  }
0x3c: {  	s8 =	rddreg [dreg:$0x1]  }
0x3d: {  	s10 =	simm.s32 $0x800;
	s1 =	sadd.s32 s8, s15  }
0x3e: {  	[tilespmem:s10], [sflag:$0x2] =	stream.linear.gather [hbm4b:s1+s0], $0x400, $0x38;
	[tilespmem:$0x11000] =	vst v63  }
0x3f: {  	_ =	swait.ge [sflag:s17], $0x400  }
0x40: {  	[sflag:s17] =	ssyncset.done $0x0;
	s11 =	rddreg [dreg:$0x7]  }
0x41: {  	[sflag:s17] =	ssyncadd.s32 $0xFFFFFC00;
	s1 =	sadd.s32 s11, s15  }
0x42: {  	[tilespmem:s20], [sflag:$0x2] =	stream.linear.gather [hbm4b:s1+s0], $0x400, $0x38;
	[tilespmem:$0x11000] =	vst v63  }
0x43: {  	_ =	swait.ge [sflag:s17], $0x400  }
0x44: {  	[sflag:s17] =	ssyncset.done $0x0;
	s18 =	rddreg [dreg:$0x8]  }
0x45: {  	[sflag:s17] =	ssyncadd.s32 $0xFFFFFC00;
	s1 =	sadd.s32 s18, s15  }
0x46: {  	[tilespmem:s21], [sflag:$0x2] =	stream.linear.gather [hbm4b:s1+s0], $0x400, $0x38;
	[tilespmem:$0x11000] =	vst v63  }
0x47: {  	_ =	swait.ge [sflag:s17], $0x400  }
0x48: {  	[sflag:s17] =	ssyncset.done $0x0;
	s19 =	rddreg [dreg:$0x9]  }
0x49: {  	[sflag:s17] =	ssyncadd.s32 $0xFFFFFC00;
	s1 =	sadd.s32 s19, s15  }
0x4a: {  	[tilespmem:s22], [sflag:$0x2] =	stream.linear.gather [hbm4b:s1+s0], $0x400, $0x38;
	[tilespmem:$0x11000] =	vst v63  }
0x4b: {  	_ =	swait.ge [sflag:s17], $0x400  }
0x4c: {  	[sflag:s17] =	ssyncset.done $0x0  }
0x4d: {  	s3 =	simm.s32 $0x0;
	s1 =	smov.u32 s16;
	[sflag:s17] =	ssyncadd.s32 $0xFFFFFC00  }
.LBB2_3:
0x4e: {  	p0 =	sne.s32 s3, $0xFC0  }
.Ltmp4:
0x4f: {  	_ = 	snop;
	(pc) =	sbr.rel @p0 .LBB2_3-.Ltmp4, $3  }
0x50: {  	_ =	sdelay $0x1  }
0x51: {  	v3 =	vor.u32 s1, v0;
	s5 =	sshra.s32 s3, $0x2  }
0x52: {  	s1 =	sadd.s32 $0x10, s1;
	s3 =	sadd.s32 $0x40, s3;
	[tilespmem:s5+$0x8800] =	vst v3  }
0x53: {  	s1 =	simm.s32 $0x400;
	v3 =	vld [tilespmem:s0+$0x0]  }
0x54: {  	s3 =	simm.s32 $0x800;
	v4 =	vld [tilespmem:s1+$0x0]  }
0x55: {  	v5 =	vld [tilespmem:s3+$0x0];
	_ =	sdelay $0x3  }
0x56: {  	v6 =	vand.u32 $0x7FFFFFFF, v3;
	v3 =	vmul.f32 $1.280000000e+02, v3;
	v7 =	vand.u32 $0x7FFFFFFF, v4  }
0x57: {  	vm0 =	vlt.f32 v6, $1.000000000e+00;
	v6 =	vand.u32 $0x7FFFFFFF, v5;
	vm1 =	vlt.f32 v7, $1.000000000e+00  }
0x58: {  	v4 =	vmul.f32 $1.280000000e+02, v4;
	vm0 =	vmand vm0, vm1;
	vm1 =	vlt.f32 v6, $1.000000000e+00  }
0x59: {  	v5 =	vmul.f32 $1.280000000e+02, v5;
	v3 =	vadd.f32 $1.280000000e+02, v3;
	vm0 =	vmand vm0, vm1  }
0x5a: {  	v4 =	vadd.f32 $1.280000000e+02, v4;
	v6 =	vsel vm0, $0x1, v2  }
0x5b: {  	v5 =	vadd.f32 $1.280000000e+02, v5;
	v3 =	vtrunc.f32 v3;
	(xrf0) =	vadd.scan.msk.s32 $0xffff, v6  }
0x5c: {  	v3 =	vcvt.f32.s32 v3;
	v4 =	vtrunc.f32 v4  }
0x5d: {  	v5 =	vtrunc.f32 v5;
	v4 =	vcvt.f32.s32 v4;
	v6 =	vmov s0  }
0x5e: {  	v5 =	vcvt.f32.s32 v5;
	vm1 =	vgt.s32 v3, $0x0;
	v6 =	vadd.s32 $0xFFFFFFFF, v6  }
0x5f: {  	v3 =	vnsel vm1, $0x0, v3;
	vm1 =	vgt.s32 v4, $0x0;
	v6 =	vbroadcast v6, $0x0  }
0x60: {  	v3 =	vmin.u32 v3, $0xFF;
	v4 =	vnsel vm1, $0x0, v4;
	vm1 =	vgt.s32 v5, $0x0  }
0x61: {  	v4 =	vmin.u32 v4, $0xFF;
	v5 =	vnsel vm1, $0x0, v5;
	v3 =	vmul.u32 $0x1C0000, v3;
	v7, _, _ =	vpop (xrf0)  }
0x62: {  	v5 =	vmin.u32 v5, $0xFF;
	v63 =	vshll.u32 v4, $0x8;
	v8 =	vxor.u32 $0x80000000, v7  }
0x63: {  	v4 =	vshll.u32 v4, $0x7;
	v9 =	vshll.u32 v5, $0x3;
	(xrf0) =	vmax.scan.msk.u32 $0xffff, v8;
	v8 =	vand.u32 $0xF800, v63  }
0x64: {  	v6 =	vadd.s32 v7, v6;
	v7 =	vand.u32 $0x400, v9;
	v3 =	vor.u32 v3, v8  }
0x65: {  	s10 =	simm.s32 $0x10000;
	v4 =	vand.u32 $0x380, v4;
	v3 =	vor.u32 v7, v3  }
0x66: {  	s11 =	simm.s32 $0x10400;
	[tilespmem:s10+$0x0] =	vst v1;
	v3 =	vor.u32 v4, v3;
	v4 =	vand.u32 $0x7F, v5  }
0x67: {  	s18 =	simm.s32 $0x10800;
	[tilespmem:s11+$0x0] =	vst v1  }
0x68: {  	s19 =	simm.s32 $0x10C00;
	[tilespmem:s18+$0x0] =	vst v1  }
0x69: {  	[tilespmem:s19+$0x0] =	vst v1;
	v3 =	vor.u32 v4, v3;
	v4, _, _ =	vpop (xrf0)  }
0x6a: {  	[tilespmem:v6+s23+$0x0] =	vst.idx.msk vm0, v3;
	v3 =	vor.u32 s0, v0;
	(v2sf) =	vpush v4, $0xF  }
0x6b: {  	s0 =	simm.s32 $0x10;
	[tilespmem:v6+s24+$0x0] =	vst.idx.msk vm0, v3  }
0x6c: {  	s1 =	simm.s32 $0x410;
	v3 =	vld [tilespmem:s0+$0x0]  }
0x6d: {  	v4 =	vld [tilespmem:s1+$0x0]  }
0x6e: {  	s3 =	simm.s32 $0x810  }
0x6f: {  	v5 =	vld [tilespmem:s3+$0x0];
	_ =	sdelay $0x1  }
0x70: {  	v6 =	vmul.f32 $1.280000000e+02, v3  }
0x71: {  	v3 =	vand.u32 $0x7FFFFFFF, v3;
	v7 =	vmul.f32 $1.280000000e+02, v4;
	v4 =	vand.u32 $0x7FFFFFFF, v4  }
0x72: {  	vm0 =	vlt.f32 v3, $1.000000000e+00;
	vm1 =	vlt.f32 v4, $1.000000000e+00;
	v6 =	vadd.f32 $1.280000000e+02, v6  }
0x73: {  	v3 =	vand.u32 $0x7FFFFFFF, v5;
	v5 =	vmul.f32 $1.280000000e+02, v5;
	v4 =	vadd.f32 $1.280000000e+02, v7  }
0x74: {  	vm0 =	vmand vm0, vm1;
	vm1 =	vlt.f32 v3, $1.000000000e+00;
	v6 =	vtrunc.f32 v6  }
0x75: {  	s5 =	simm.s32 $0x10010;
	vm0 =	vmand vm0, vm1;
	v4 =	vtrunc.f32 v4;
	v3 =	vcvt.f32.s32 v6  }
0x76: {  	s18 =	simm.s32 $0x10410;
	[tilespmem:s5+$0x0] =	vst v1;
	v5 =	vadd.f32 $1.280000000e+02, v5;
	v4 =	vcvt.f32.s32 v4;
	v6 =	vsel vm0, $0x1, v2  }
0x77: {  	s19 =	simm.s32 $0x10810;
	[tilespmem:s18+$0x0] =	vst v1;
	(xrf0) =	vadd.scan.msk.s32 $0xffff, v6;
	vm1 =	vgt.s32 v3, $0x0  }
0x78: {  	s6 =	simm.s32 $0x10C10;
	[tilespmem:s19+$0x0] =	vst v1;
	v7 =	vtrunc.f32 v5;
	v3 =	vnsel vm1, $0x0, v3;
	vm1 =	vgt.s32 v4, $0x0;
	s8 =	spop (v2sf)  }
0x79: {  	s7 =	simm.s32 $0x20;
	[tilespmem:s6+$0x0] =	vst v1;
	v3 =	vmin.u32 v3, $0xFF;
	v5 =	vnsel vm1, $0x0, v4;
	v4 =	vcvt.f32.s32 v7;
	s10 =	sadd.s32 $0x0, s8;
	s8 =	simm.s32 $0x10  }
.LBB2_5:
0x7a: {  	p0 =	sne.s32 s7, $0x3F0  }
0x7b: {  	s10 =	sadd.s32 $0x80000000, s10;
	s11 =	smov.u32 s7;
	s7 =	sadd.s32 $0x10, s7  }
0x7c: {  	v3 =	vmul.u32 $0x1C0000, v3;
	vm1 =	vgt.s32 v4, $0x0;
	v6 =	vmov s10  }
0x7d: {  	v5 =	vmin.u32 v5, $0xFF;
	v4 =	vnsel vm1, $0x0, v4;
	v6 =	vadd.s32 $0xFFFFFFFF, v6;
	v7, _, _ =	vpop (xrf0)  }
0x7e: {  	v4 =	vmin.u32 v4, $0xFF;
	v6 =	vbroadcast v6, $0x0;
	v8 =	vxor.u32 $0x80000000, v7  }
0x7f: {  	v9 =	vshll.u32 v5, $0x8;
	v5 =	vshll.u32 v5, $0x7;
	v10 =	vshll.u32 v4, $0x3;
	(xrf0) =	vmax.scan.msk.u32 $0xffff, v8  }
0x80: {  	v8 =	vand.u32 $0xF800, v9;
	v9 =	vand.u32 $0x400, v10;
	v6 =	vadd.s32 v7, v6  }
0x81: {  	v3 =	vor.u32 v3, v8  }
0x82: {  	v5 =	vand.u32 $0x380, v5;
	v3 =	vor.u32 v9, v3  }
0x83: {  	v3 =	vor.u32 v5, v3;
	v5 =	vand.u32 $0x7F, v4  }
0x84: {  	v3 =	vor.u32 v5, v3  }
0x85: {  	[tilespmem:v6+s23+$0x0] =	vst.idx.msk vm0, v3;
	v3 =	vor.u32 s0, v0;
	v4, _, _ =	vpop (xrf0);
	s0 =	smov.u32 s11  }
0x86: {  	s8 =	sadd.s32 $0x10, s8;
	[tilespmem:v6+s24+$0x0] =	vst.idx.msk vm0, v3;
	(v2sf) =	vpush v4, $0xF  }
0x87: {  	v3 =	vld [tilespmem:s8+$0x0]  }
0x88: {  	s1 =	sadd.s32 $0x10, s1  }
0x89: {  	s3 =	sadd.s32 $0x10, s3;
	v4 =	vld [tilespmem:s1+$0x0]  }
0x8a: {  	s5 =	sadd.s32 $0x10, s5;
	v5 =	vld [tilespmem:s3+$0x0]  }
0x8b: {  	s18 =	sadd.s32 $0x10, s18;
	[tilespmem:s5+$0x0] =	vst v1  }
0x8c: {  	s19 =	sadd.s32 $0x10, s19;
	v6 =	vmul.f32 $1.280000000e+02, v3;
	v3 =	vand.u32 $0x7FFFFFFF, v3;
	[tilespmem:s18+$0x0] =	vst v1  }
0x8d: {  	s6 =	sadd.s32 $0x10, s6;
	[tilespmem:s19+$0x0] =	vst v1  }
0x8e: {  	v6 =	vadd.f32 $1.280000000e+02, v6;
	v7 =	vmul.f32 $1.280000000e+02, v4;
	v4 =	vand.u32 $0x7FFFFFFF, v4;
	[tilespmem:s6+$0x0] =	vst v1  }
0x8f: {  	vm0 =	vlt.f32 v3, $1.000000000e+00;
	vm1 =	vlt.f32 v4, $1.000000000e+00;
	v3 =	vand.u32 $0x7FFFFFFF, v5  }
0x90: {  	v4 =	vadd.f32 $1.280000000e+02, v7;
	vm0 =	vmand vm0, vm1;
	vm1 =	vlt.f32 v3, $1.000000000e+00  }
0x91: {  	v5 =	vmul.f32 $1.280000000e+02, v5;
	v3 =	vtrunc.f32 v6;
	vm0 =	vmand vm0, vm1  }
.Ltmp5:
0x92: {  	v3 =	vcvt.f32.s32 v3;
	v4 =	vtrunc.f32 v4;
	v6 =	vsel vm0, $0x1, v2;
	(pc) =	sbr.rel @p0 .LBB2_5-.Ltmp5, $4  }
0x93: {  	v5 =	vadd.f32 $1.280000000e+02, v5;
	v4 =	vcvt.f32.s32 v4;
	(xrf0) =	vadd.scan.msk.s32 $0xffff, v6  }
0x94: {  	vm1 =	vgt.s32 v3, $0x0  }
0x95: {  	v6 =	vtrunc.f32 v5;
	v3 =	vnsel vm1, $0x0, v3;
	vm1 =	vgt.s32 v4, $0x0;
	s11 =	spop (v2sf)  }
0x96: {  	v3 =	vmin.u32 v3, $0xFF;
	v5 =	vnsel vm1, $0x0, v4;
	v4 =	vcvt.f32.s32 v6;
	s10 =	sadd.s32 s11, s10  }
0x97: {  	_ =	sdelay $0x1  }
0x98: {  	v6, _, _ =	vpop (xrf0)  }
0x99: {  	v7 =	vxor.u32 $0x80000000, v6  }
0x9a: {  	(xrf0) =	vmax.scan.msk.u32 $0xffff, v7;
	_ =	sdelay $0x5  }
0x9b: {  	v7, _, _ =	vpop (xrf0)  }
0x9c: {  	(v2sf) =	vpush v7, $0xF;
	_ =	sdelay $0xd  }
0x9d: {  	s1 =	sadd.s32 $0x80000000, s10  }
0x9e: {  	v61 =	vmov s1;
	s3 =	spop (v2sf)  }
0x9f: {  	vm1 =	vgt.s32 v4, $0x0;
	v7 =	vadd.s32 $0xFFFFFFFF, v61;
	s1 =	sadd.s32 s3, s1  }
0xa0: {  	v5 =	vmin.u32 v5, $0xFF;
	v4 =	vnsel vm1, $0x0, v4;
	v7 =	vbroadcast v7, $0x0;
	s18 =	sadd.s32 $0x80000000, s1  }
0xa1: {  	v3 =	vmul.u32 $0x1C0000, v3;
	v8 =	vshll.u32 v5, $0x8;
	v4 =	vmin.u32 v4, $0xFF;
	s1 =	sadd.s32 $0x7F, s18  }
0xa2: {  	v8 =	vand.u32 $0xF800, v8;
	v9 =	vshll.u32 v4, $0x3;
	v6 =	vadd.s32 v6, v7;
	s1 =	sshra.s32 s1, $0x7  }
0xa3: {  	v5 =	vshll.u32 v5, $0x7;
	v3 =	vor.u32 v3, v8;
	v62 =	vand.u32 $0x400, v9;
	p0 =	slt.s32 s1, $0x1  }
.Ltmp6:
0xa4: {  	v5 =	vand.u32 $0x380, v5;
	v3 =	vor.u32 v62, v3;
	(pc) =	sbr.rel @p0 .LBB2_16-.Ltmp6, $4  }
0xa5: {  	v4 =	vand.u32 $0x7F, v4;
	v3 =	vor.u32 v5, v3  }
0xa6: {  	v3 =	vor.u32 v4, v3  }
0xa7: {  	v63 =	vor.u32 s0, v0;
	[tilespmem:v6+s23+$0x0] =	vst.idx.msk vm0, v3  }
0xa8: {  	[tilespmem:v6+s24+$0x0] =	vst.idx.msk vm0, v63  }
0xa9: {  	s0 =	simm.s32 $0x0;
	s3 =	simm.s32 $0x8800;
	s19 =	simm.s32 $0x1F00  }
.LBB2_8:
0xaa: {  	v4 =	vmov s3;
	_ =	sdelay $0x3  }
0xab: {  	s5 =	simm.s32 $0x0  }
0xac: {  	v3 =	vmov s19;
	v6 =	vld.idx.msk [tilespmem:v4+s5+$0x0 ss:$0x1], $0xffff;
	_ =	sdelay $0x4  }
0xad: {  	[tilespmem:v3+s5+$0xFFFFF900 ss:$0x1] =	vst.idx.msk $0xffff, v6;
	v5 =	vadd.s32 $0x10000, v6  }
0xae: {  	[tilespmem:v3+s5+$0xFFFFF980 ss:$0x1] =	vst.idx.msk $0xffff, v5;
	v5 =	vadd.s32 $0x20000, v6  }
0xaf: {  	v7 =	vadd.s32 $0x30000, v6;
	[tilespmem:v3+s5+$0xFFFFFA00 ss:$0x1] =	vst.idx.msk $0xffff, v5  }
0xb0: {  	v5 =	vadd.s32 $0x40000, v6;
	[tilespmem:v3+s5+$0xFFFFFA80 ss:$0x1] =	vst.idx.msk $0xffff, v7  }
0xb1: {  	v7 =	vadd.s32 $0x50000, v6;
	[tilespmem:v3+s5+$0xFFFFFB00 ss:$0x1] =	vst.idx.msk $0xffff, v5  }
0xb2: {  	v5 =	vadd.s32 $0x60000, v6;
	[tilespmem:v3+s5+$0xFFFFFB80 ss:$0x1] =	vst.idx.msk $0xffff, v7  }
0xb3: {  	v7 =	vadd.s32 $0x70000, v6;
	[tilespmem:v3+s5+$0xFFFFFC00 ss:$0x1] =	vst.idx.msk $0xffff, v5  }
0xb4: {  	v5 =	vadd.s32 $0x80000, v6;
	[tilespmem:v3+s5+$0xFFFFFC80 ss:$0x1] =	vst.idx.msk $0xffff, v7  }
0xb5: {  	v7 =	vadd.s32 $0x90000, v6;
	[tilespmem:v3+s5+$0xFFFFFD00 ss:$0x1] =	vst.idx.msk $0xffff, v5  }
0xb6: {  	v5 =	vadd.s32 $0xA0000, v6;
	[tilespmem:v3+s5+$0xFFFFFD80 ss:$0x1] =	vst.idx.msk $0xffff, v7  }
0xb7: {  	v7 =	vadd.s32 $0xB0000, v6;
	[tilespmem:v3+s5+$0xFFFFFE00 ss:$0x1] =	vst.idx.msk $0xffff, v5  }
0xb8: {  	v5 =	vadd.s32 $0xC0000, v6;
	[tilespmem:v3+s5+$0xFFFFFE80 ss:$0x1] =	vst.idx.msk $0xffff, v7  }
0xb9: {  	v7 =	vadd.s32 $0xD0000, v6;
	[tilespmem:v3+s5+$0xFFFFFF00 ss:$0x1] =	vst.idx.msk $0xffff, v5  }
0xba: {  	v5 =	vadd.s32 $0xE0000, v6;
	[tilespmem:v3+s5+$0xFFFFFF80 ss:$0x1] =	vst.idx.msk $0xffff, v7  }
0xbb: {  	v7 =	vadd.s32 $0xF0000, v6;
	[tilespmem:v3+s5+$0x0 ss:$0x1] =	vst.idx.msk $0xffff, v5  }
0xbc: {  	v5 =	vadd.s32 $0x100000, v6;
	[tilespmem:v3+s5+$0x80 ss:$0x1] =	vst.idx.msk $0xffff, v7  }
0xbd: {  	v7 =	vadd.s32 $0x110000, v6;
	[tilespmem:v3+s5+$0x100 ss:$0x1] =	vst.idx.msk $0xffff, v5  }
0xbe: {  	v5 =	vadd.s32 $0x120000, v6;
	[tilespmem:v3+s5+$0x180 ss:$0x1] =	vst.idx.msk $0xffff, v7  }
0xbf: {  	v7 =	vadd.s32 $0x130000, v6;
	[tilespmem:v3+s5+$0x200 ss:$0x1] =	vst.idx.msk $0xffff, v5  }
0xc0: {  	v5 =	vadd.s32 $0x140000, v6;
	[tilespmem:v3+s5+$0x280 ss:$0x1] =	vst.idx.msk $0xffff, v7  }
0xc1: {  	v7 =	vadd.s32 $0x150000, v6;
	[tilespmem:v3+s5+$0x300 ss:$0x1] =	vst.idx.msk $0xffff, v5  }
0xc2: {  	v5 =	vadd.s32 $0x160000, v6;
	[tilespmem:v3+s5+$0x380 ss:$0x1] =	vst.idx.msk $0xffff, v7  }
0xc3: {  	v7 =	vadd.s32 $0x170000, v6;
	[tilespmem:v3+s5+$0x400 ss:$0x1] =	vst.idx.msk $0xffff, v5  }
0xc4: {  	v8 =	vadd.s32 $0x180000, v6;
	[tilespmem:v3+s5+$0x480 ss:$0x1] =	vst.idx.msk $0xffff, v7  }
0xc5: {  	s6 =	simm.s32 $0x40;
	v5 =	vadd.s32 $0x1A0000, v6;
	v7 =	vadd.s32 $0x190000, v6;
	v6 =	vadd.s32 $0x1B0000, v6;
	[tilespmem:v3+s5+$0x500 ss:$0x1] =	vst.idx.msk $0xffff, v8  }
.LBB2_9:
0xc6: {  	p0 =	sne.s32 s6, $0x1C0;
	[tilespmem:v3+s5+$0x580 ss:$0x1] =	vst.idx.msk $0xffff, v7;
	s7 =	smov.u32 s6;
	s6 =	sadd.s32 $0x40, s6  }
0xc7: {  	[tilespmem:v3+s5+$0x600 ss:$0x1] =	vst.idx.msk $0xffff, v5  }
0xc8: {  	[tilespmem:v3+s5+$0x680 ss:$0x1] =	vst.idx.msk $0xffff, v6;
	s5 =	sshra.s32 s7, $0x2  }
0xc9: {  	v6 =	vld.idx.msk [tilespmem:v4+s5+$0x0 ss:$0x1], $0xffff;
	_ =	sdelay $0x5  }
0xca: {  	v5 =	vadd.s32 $0x10000, v6;
	[tilespmem:v3+s5+$0xFFFFF900 ss:$0x1] =	vst.idx.msk $0xffff, v6  }
0xcb: {  	v7 =	vadd.s32 $0x30000, v6;
	[tilespmem:v3+s5+$0xFFFFF980 ss:$0x1] =	vst.idx.msk $0xffff, v5;
	v5 =	vadd.s32 $0x20000, v6  }
0xcc: {  	[tilespmem:v3+s5+$0xFFFFFA00 ss:$0x1] =	vst.idx.msk $0xffff, v5;
	v5 =	vadd.s32 $0x40000, v6  }
0xcd: {  	[tilespmem:v3+s5+$0xFFFFFA80 ss:$0x1] =	vst.idx.msk $0xffff, v7;
	v7 =	vadd.s32 $0x50000, v6  }
0xce: {  	[tilespmem:v3+s5+$0xFFFFFB00 ss:$0x1] =	vst.idx.msk $0xffff, v5;
	v5 =	vadd.s32 $0x60000, v6  }
0xcf: {  	[tilespmem:v3+s5+$0xFFFFFB80 ss:$0x1] =	vst.idx.msk $0xffff, v7;
	v7 =	vadd.s32 $0x70000, v6  }
0xd0: {  	[tilespmem:v3+s5+$0xFFFFFC00 ss:$0x1] =	vst.idx.msk $0xffff, v5;
	v5 =	vadd.s32 $0x80000, v6  }
0xd1: {  	[tilespmem:v3+s5+$0xFFFFFC80 ss:$0x1] =	vst.idx.msk $0xffff, v7;
	v7 =	vadd.s32 $0x90000, v6  }
0xd2: {  	[tilespmem:v3+s5+$0xFFFFFD00 ss:$0x1] =	vst.idx.msk $0xffff, v5;
	v5 =	vadd.s32 $0xA0000, v6  }
0xd3: {  	[tilespmem:v3+s5+$0xFFFFFD80 ss:$0x1] =	vst.idx.msk $0xffff, v7;
	v7 =	vadd.s32 $0xB0000, v6  }
0xd4: {  	[tilespmem:v3+s5+$0xFFFFFE00 ss:$0x1] =	vst.idx.msk $0xffff, v5;
	v5 =	vadd.s32 $0xC0000, v6  }
0xd5: {  	[tilespmem:v3+s5+$0xFFFFFE80 ss:$0x1] =	vst.idx.msk $0xffff, v7;
	v7 =	vadd.s32 $0xD0000, v6  }
0xd6: {  	[tilespmem:v3+s5+$0xFFFFFF00 ss:$0x1] =	vst.idx.msk $0xffff, v5  }
0xd7: {  	v8 =	vadd.s32 $0x100000, v6;
	v5 =	vadd.s32 $0xE0000, v6;
	[tilespmem:v3+s5+$0xFFFFFF80 ss:$0x1] =	vst.idx.msk $0xffff, v7;
	v7 =	vadd.s32 $0xF0000, v6  }
0xd8: {  	[tilespmem:v3+s5+$0x0 ss:$0x1] =	vst.idx.msk $0xffff, v5;
	v5 =	vadd.s32 $0x110000, v6  }
0xd9: {  	[tilespmem:v3+s5+$0x80 ss:$0x1] =	vst.idx.msk $0xffff, v7;
	v7 =	vadd.s32 $0x120000, v6  }
0xda: {  	[tilespmem:v3+s5+$0x100 ss:$0x1] =	vst.idx.msk $0xffff, v8;
	v8 =	vadd.s32 $0x130000, v6  }
0xdb: {  	[tilespmem:v3+s5+$0x180 ss:$0x1] =	vst.idx.msk $0xffff, v5;
	v5 =	vadd.s32 $0x140000, v6  }
0xdc: {  	[tilespmem:v3+s5+$0x200 ss:$0x1] =	vst.idx.msk $0xffff, v7;
	v7 =	vadd.s32 $0x150000, v6  }
0xdd: {  	[tilespmem:v3+s5+$0x280 ss:$0x1] =	vst.idx.msk $0xffff, v8;
	v8 =	vadd.s32 $0x160000, v6  }
.Ltmp7:
0xde: {  	[tilespmem:v3+s5+$0x300 ss:$0x1] =	vst.idx.msk $0xffff, v5;
	v5 =	vadd.s32 $0x170000, v6;
	(pc) =	sbr.rel @p0 .LBB2_9-.Ltmp7, $4  }
0xdf: {  	v9 =	vadd.s32 $0x180000, v6;
	[tilespmem:v3+s5+$0x380 ss:$0x1] =	vst.idx.msk $0xffff, v7  }
0xe0: {  	v7 =	vadd.s32 $0x190000, v6;
	[tilespmem:v3+s5+$0x400 ss:$0x1] =	vst.idx.msk $0xffff, v8  }
0xe1: {  	[tilespmem:v3+s5+$0x480 ss:$0x1] =	vst.idx.msk $0xffff, v5;
	v5 =	vadd.s32 $0x1A0000, v6  }
0xe2: {  	v6 =	vadd.s32 $0x1B0000, v6;
	[tilespmem:v3+s5+$0x500 ss:$0x1] =	vst.idx.msk $0xffff, v9  }
0xe3: {  	s0 =	sadd.s32 $0x1, s0  }
0xe4: {  	p0 =	sne.s32 s0, s1  }
.Ltmp8:
0xe5: {  	_ = 	snop;
	(pc) =	sbr.rel @p0 .LBB2_8-.Ltmp8, $4  }
0xe6: {  	_ = 	snop  }
0xe7: {  	[tilespmem:v3+s5+$0x580 ss:$0x1] =	vst.idx.msk $0xffff, v7  }
0xe8: {  	[tilespmem:v3+s5+$0x600 ss:$0x1] =	vst.idx.msk $0xffff, v5  }
0xe9: {  	s3 =	sadd.s32 $0x80, s3;
	s19 =	sadd.s32 $0xE00, s19;
	[tilespmem:v3+s5+$0x680 ss:$0x1] =	vst.idx.msk $0xffff, v6  }
0xea: {  	s0 =	smul.u32 $0x1C, s1;
	_ =	sdelay $0x1  }
0xeb: {  	p0 =	sne.s32 s0, $0x1  }
.Ltmp9:
0xec: {  	_ = 	snop;
	(pc) =	sbr.rel @!p0 .LBB2_13-.Ltmp9, $4  }
0xed: {  	_ = 	snop  }
0xee: {  	s1 =	simm.s32 $0x9000;
	s3 =	simm.s32 $0x1800  }
0xef: {  	[tilespmem:s1], [sflag:$0x1] =	stream.indirect.gather [hbm4b:s2+s25], $0x1, s3, s25, $0xb8;
	[tilespmem:$0x11000] =	vst v63  }
0xf0: {  	s5 =	sadd.s32 $0xFFFFFFFF, s0  }
.LBB2_12:
0xf1: {  	p1 =	sne.s32 s5, $0x1  }
.Ltmp10:
0xf2: {  	_ = 	snop;
	(pc) =	sbr.rel @p1 .LBB2_12-.Ltmp10, $4  }
0xf3: {  	_ = 	snop  }
0xf4: {  	s1 =	sadd.s32 $0x80, s1;
	s3 =	sadd.s32 $0x80, s3  }
0xf5: {  	s5 =	sadd.s32 $0xFFFFFFFF, s5  }
0xf6: {  	[tilespmem:s1], [sflag:$0x1] =	stream.indirect.gather [hbm4b:s2+s25], $0x1, s3, s25, $0xb8;
	[tilespmem:$0x11000] =	vst v63  }
.LBB2_13:
.Ltmp11:
0xf7: {  	(pc) =	sbr.rel @!p0 .LBB2_15-.Ltmp11, $3  }
0xf8: {  	_ =	sdelay $0x1  }
0xf9: {  	_ =	swait.ge [sflag:s26], $0x80  }
0xfa: {  	s0 =	sadd.s32 $0xFFFFFFFF, s0;
	[sflag:s26] =	ssyncset.done $0x0  }
.LBB2_14:
0xfb: {  	p0 =	sne.s32 s0, $0x1;
	s0 =	sadd.s32 $0xFFFFFFFF, s0;
	[sflag:s26] =	ssyncadd.s32 $0xFFFFFF80  }
.Ltmp12:
0xfc: {  	(pc) =	sbr.rel @p0 .LBB2_14-.Ltmp12, $3  }
0xfd: {  	_ =	sdelay $0x1  }
0xfe: {  	_ =	swait.ge [sflag:s26], $0x80  }
0xff: {  	[sflag:s26] =	ssyncset.done $0x0  }
.LBB2_15:
0x100: {  	[sflag:s26] =	ssyncadd.s32 $0xFFFFFF80  }
.LBB2_16:
0x101: {  	s0 =	sadd.s32 $0xF, s18  }
0x102: {  	s0 =	sshra.s32 s0, $0x4  }
0x103: {  	p0 =	slt.s32 s0, $0x1  }
.Ltmp13:
0x104: {  	_ = 	snop;
	(pc) =	sbr.rel @p0 .LBB2_20-.Ltmp13, $1  }
0x105: {  	_ =	sdelay $0x3  }
0x106: {  	s1 =	simm.s32 $0x8C00  }
0x107: {  	s3 =	simm.s32 $0x0;
	v3 =	vld [tilespmem:s1+$0x0]  }
0x108: {  	v4 =	vmov s18;
	v5 =	vor.u32 s3, v0  }
0x109: {  	vm0 =	vlt.s32 v5, v4;
	_ =	sdelay $0x5  }
0x10a: {  	v5 =	vld.idx.msk [tilespmem:v3+s20+$0x0], vm0  }
0x10b: {  	v6 =	vld.idx.msk [tilespmem:v3+s21+$0x0], vm0;
	_ =	sdelay $0x1  }
0x10c: {  	v7 =	vld.idx.msk [tilespmem:v3+s22+$0x0], vm0;
	_ =	sdelay $0x2  }
0x10d: {  	v8 =	vmul.f32 v5, v5;
	v9 =	vmul.f32 v6, v6;
	_ =	sdelay $0x1  }
0x10e: {  	v10 =	vmul.f32 v7, v7;
	v8 =	vadd.f32 v9, v8;
	_ =	sdelay $0x1  }
0x10f: {  	v8 =	vadd.f32 v10, v8;
	_ =	sdelay $0x1  }
0x110: {  	v8 =	vmax.f32 v8, $1.000000000e-30  }
0x111: {  	v37 =	vshra.s32 v8, $0x1;
	v38 =	vmul.f32 $5.000000000e-01, v8  }
0x112: {  	v9 =	vsub.s32 $0x5F3759DF, v37  }
0x113: {  	v11 =	vmul.f32 v9, v38;
	_ =	sdelay $0x1  }
0x114: {  	v11 =	vmul.f32 v9, v11;
	_ =	sdelay $0x1  }
0x115: {  	v11 =	vsub.f32 $1.500000000e+00, v11;
	_ =	sdelay $0x1  }
0x116: {  	v9 =	vmul.f32 v9, v11;
	_ =	sdelay $0x1  }
0x117: {  	v11 =	vmul.f32 v9, v38;
	_ =	sdelay $0x1  }
0x118: {  	v11 =	vmul.f32 v11, v9;
	_ =	sdelay $0x1  }
0x119: {  	v11 =	vsub.f32 $1.500000000e+00, v11;
	_ =	sdelay $0x1  }
0x11a: {  	v9 =	vmul.f32 v11, v9;
	_ =	sdelay $0x1  }
0x11b: {  	v10 =	vmul.f32 v9, v38;
	_ =	sdelay $0x1  }
0x11c: {  	v10 =	vmul.f32 v10, v9;
	_ =	sdelay $0x1  }
0x11d: {  	v10 =	vsub.f32 $1.500000000e+00, v10;
	_ =	sdelay $0x1  }
0x11e: {  	v9 =	vmul.f32 v10, v9  }
0x11f: {  	s5 =	simm.s32 $0x0  }
0x120: {  	s5 =	smul.u32 $0x3800, s5;
	v8 =	vmul.f32 v9, v8;
	_ =	sdelay $0x1  }
0x121: {  	s6 =	sand.u32 $0x70, s3;
	s5 =	sshra.s32 s5, $0x2;
	v8 =	vadd.f32 $9.999999930e-09, v8  }
0x122: {  	s5 =	sor.u32 s6, s5  }
0x123: {  	(erf) = vrcp.f32 v8;
	v8 =	vld [tilespmem:s5+$0x9000];
	_ =	sdelay $0x4  }
0x124: {  	v8 =	vmax.f32 v8, $0.0e+00  }
0x125: {  	[tilespmem:v3+s28+$0x0] =	vst.idx.msk vm0, v8  }
0x126: {  	v8 =	vld [tilespmem:s5+$0x9080];
	_ =	sdelay $0x1  }
0x127: {  	v39 =	vld [tilespmem:s5+$0x9100];
	v40 =	vpop (erf)  }
0x128: {  	v6 =	vmul.f32 v40, v6  }
0x129: {  	v41 =	vld [tilespmem:s5+$0x9180];
	v7 =	vmul.f32 v40, v7;
	v5 =	vmul.f32 v40, v5  }
0x12a: {  	v13 =	vld [tilespmem:s5+$0x9200];
	v42 =	vmul.f32 $-4.886025190e-01, v6;
	v8 =	vmul.f32 $2.820948060e-01, v8  }
0x12b: {  	v14 =	vmul.f32 $4.886025190e-01, v7;
	v15 =	vmul.f32 $-4.886025190e-01, v5  }
0x12c: {  	v12 =	vadd.f32 v7, v7;
	v16 =	vmul.f32 v5, v5;
	v9 =	vmul.f32 v42, v39  }
0x12d: {  	v17 =	vld [tilespmem:s5+$0x9280];
	v18 =	vmul.f32 $1.092548490e+00, v5;
	v43 =	vmul.f32 $-1.092548490e+00, v6  }
0x12e: {  	v12 =	vmul.f32 v12, v7;
	v11 =	vmul.f32 v14, v41;
	v8 =	vadd.f32 v9, v8  }
0x12f: {  	v20 =	vld [tilespmem:s5+$0x9300];
	v19 =	vmul.f32 v6, v6;
	v13 =	vmul.f32 v15, v13  }
0x130: {  	v6 =	vmul.f32 v18, v6;
	v12 =	vsub.f32 v12, v16;
	v8 =	vadd.f32 v8, v11  }
0x131: {  	v44 =	vld [tilespmem:s5+$0x9380];
	v9 =	vmul.f32 v43, v7  }
0x132: {  	v45 =	vmul.f32 v6, v17;
	v12 =	vsub.f32 v12, v19;
	v8 =	vadd.f32 v8, v13  }
0x133: {  	v46 =	vld [tilespmem:s5+$0x9400];
	v5 =	vmul.f32 $-1.092548490e+00, v5  }
0x134: {  	v47 =	vmul.f32 v9, v20;
	v12 =	vmul.f32 $3.153915700e-01, v12;
	v8 =	vadd.f32 v8, v45  }
0x135: {  	v48 =	vld [tilespmem:s5+$0x9480];
	v5 =	vmul.f32 v5, v7  }
0x136: {  	v16 =	vsub.f32 v16, v19;
	v7 =	vadd.f32 v8, v47;
	v8 =	vmul.f32 v12, v44;
	_ =	sdelay $0x1  }
0x137: {  	v49 =	vmul.f32 $5.462742450e-01, v16;
	v7 =	vadd.f32 v7, v8;
	v8 =	vmul.f32 v5, v46;
	_ =	sdelay $0x1  }
0x138: {  	v7 =	vadd.f32 v7, v8;
	v8 =	vmul.f32 v49, v48;
	_ =	sdelay $0x1  }
0x139: {  	v7 =	vadd.f32 v7, v8;
	_ =	sdelay $0x1  }
0x13a: {  	[tilespmem:v3+s29+$0x0] =	vst.idx.msk vm0, v7  }
0x13b: {  	v7 =	vld [tilespmem:s5+$0x9500]  }
0x13c: {  	v8 =	vld [tilespmem:s5+$0x9580];
	_ =	sdelay $0x1  }
0x13d: {  	v50 =	vld [tilespmem:s5+$0x9600];
	_ =	sdelay $0x1  }
0x13e: {  	v51 =	vld [tilespmem:s5+$0x9680]  }
0x13f: {  	v7 =	vmul.f32 $2.820948060e-01, v7;
	v8 =	vmul.f32 v42, v8  }
0x140: {  	v52 =	vld [tilespmem:s5+$0x9700]  }
0x141: {  	v7 =	vadd.f32 v8, v7;
	v8 =	vmul.f32 v14, v50  }
0x142: {  	v53 =	vld [tilespmem:s5+$0x9780]  }
0x143: {  	v7 =	vadd.f32 v7, v8;
	v8 =	vmul.f32 v15, v51  }
0x144: {  	v54 =	vld [tilespmem:s5+$0x9800]  }
0x145: {  	v7 =	vadd.f32 v7, v8;
	v8 =	vmul.f32 v6, v52  }
0x146: {  	v55 =	vld [tilespmem:s5+$0x9880]  }
0x147: {  	v7 =	vadd.f32 v7, v8;
	v8 =	vmul.f32 v9, v53  }
0x148: {  	v56 =	vld [tilespmem:s5+$0x9900]  }
0x149: {  	v7 =	vadd.f32 v7, v8;
	v8 =	vmul.f32 v12, v54;
	_ =	sdelay $0x1  }
0x14a: {  	v7 =	vadd.f32 v7, v8;
	v8 =	vmul.f32 v5, v55;
	_ =	sdelay $0x1  }
0x14b: {  	v7 =	vadd.f32 v7, v8;
	v8 =	vmul.f32 v49, v56;
	_ =	sdelay $0x1  }
0x14c: {  	v7 =	vadd.f32 v7, v8;
	_ =	sdelay $0x1  }
0x14d: {  	[tilespmem:v3+s30+$0x0] =	vst.idx.msk vm0, v7  }
0x14e: {  	v7 =	vld [tilespmem:s5+$0x9980]  }
0x14f: {  	v8 =	vld [tilespmem:s5+$0x9A00];
	_ =	sdelay $0x1  }
0x150: {  	v57 =	vld [tilespmem:s5+$0x9A80];
	_ =	sdelay $0x1  }
0x151: {  	v58 =	vld [tilespmem:s5+$0x9B00]  }
0x152: {  	v7 =	vmul.f32 $2.820948060e-01, v7;
	v8 =	vmul.f32 v42, v8  }
0x153: {  	v59 =	vld [tilespmem:s5+$0x9B80]  }
0x154: {  	v13 =	vmul.f32 v57, v14;
	v7 =	vadd.f32 v8, v7  }
0x155: {  	v8 =	vld [tilespmem:s5+$0x9C00]  }
0x156: {  	v60 =	vmul.f32 v58, v15;
	v7 =	vadd.f32 v13, v7  }
0x157: {  	v61 =	vld [tilespmem:s5+$0x9C80]  }
0x158: {  	v6 =	vmul.f32 v59, v6;
	v7 =	vadd.f32 v60, v7  }
0x159: {  	v62 =	vld [tilespmem:s5+$0x9D00]  }
0x15a: {  	v8 =	vmul.f32 v8, v9;
	v6 =	vadd.f32 v6, v7  }
0x15b: {  	p0 =	sne.s32 s0, $0x1;
	v7 =	vld [tilespmem:s5+$0x9D80]  }
.Ltmp14:
0x15c: {  	v63 =	vmul.f32 v61, v12;
	v6 =	vadd.f32 v8, v6;
	(pc) =	sbr.rel @!p0 .LBB2_19-.Ltmp14, $3  }
0x15d: {  	_ = 	snop  }
0x15e: {  	v8 =	vmul.f32 v62, v5;
	v6 =	vadd.f32 v63, v6;
	_ =	sdelay $0x1  }
0x15f: {  	s18 =	simm.s32 $0x1;
	v5 =	vmul.f32 v7, v49;
	v6 =	vadd.f32 v8, v6  }
.LBB2_18:
0x160: {  	s3 =	sadd.s32 $0x10, s3  }
0x161: {  	s1 =	sadd.s32 $0x10, s1;
	s5 =	smov.u32 s18;
	s18 =	sadd.s32 $0x1, s18  }
0x162: {  	v5 =	vadd.f32 v5, v6;
	p0 =	sne.s32 s0, s18;
	_ =	sdelay $0x1  }
0x163: {  	[tilespmem:v3+s31+$0x0] =	vst.idx.msk vm0, v5;
	_ =	sdelay $0x1  }
0x164: {  	v3 =	vld [tilespmem:s1+$0x0]  }
0x165: {  	v5 =	vor.u32 s3, v0  }
0x166: {  	vm0 =	vlt.s32 v5, v4;
	_ =	sdelay $0x5  }
0x167: {  	v5 =	vld.idx.msk [tilespmem:v3+s20+$0x0], vm0  }
0x168: {  	v6 =	vld.idx.msk [tilespmem:v3+s21+$0x0], vm0  }
0x169: {  	v7 =	vld.idx.msk [tilespmem:v3+s22+$0x0], vm0;
	_ =	sdelay $0x3  }
0x16a: {  	v8 =	vmul.f32 v5, v5  }
0x16b: {  	v9 =	vmul.f32 v6, v6  }
0x16c: {  	v10 =	vmul.f32 v7, v7  }
0x16d: {  	v8 =	vadd.f32 v9, v8;
	_ =	sdelay $0x1  }
0x16e: {  	v8 =	vadd.f32 v10, v8;
	_ =	sdelay $0x1  }
0x16f: {  	v8 =	vmax.f32 v8, $1.000000000e-30  }
0x170: {  	v9 =	vshra.s32 v8, $0x1;
	v10 =	vmul.f32 $5.000000000e-01, v8  }
0x171: {  	v9 =	vsub.s32 $0x5F3759DF, v9  }
0x172: {  	v11 =	vmul.f32 v9, v10;
	_ =	sdelay $0x1  }
0x173: {  	v11 =	vmul.f32 v9, v11;
	_ =	sdelay $0x1  }
0x174: {  	v11 =	vsub.f32 $1.500000000e+00, v11;
	_ =	sdelay $0x1  }
0x175: {  	v9 =	vmul.f32 v9, v11;
	_ =	sdelay $0x1  }
0x176: {  	v11 =	vmul.f32 v9, v10;
	_ =	sdelay $0x1  }
0x177: {  	v11 =	vmul.f32 v11, v9;
	_ =	sdelay $0x1  }
0x178: {  	v11 =	vsub.f32 $1.500000000e+00, v11;
	_ =	sdelay $0x1  }
0x179: {  	v9 =	vmul.f32 v11, v9;
	_ =	sdelay $0x1  }
0x17a: {  	v10 =	vmul.f32 v9, v10;
	_ =	sdelay $0x1  }
0x17b: {  	v10 =	vmul.f32 v10, v9;
	_ =	sdelay $0x1  }
0x17c: {  	v10 =	vsub.f32 $1.500000000e+00, v10;
	_ =	sdelay $0x1  }
0x17d: {  	s5 =	sshrl.u32 s5, $0x3;
	v9 =	vmul.f32 v10, v9  }
0x17e: {  	s5 =	smul.u32 $0x3800, s5  }
0x17f: {  	v8 =	vmul.f32 v9, v8  }
0x180: {  	s6 =	sand.u32 $0x70, s3;
	s5 =	sshra.s32 s5, $0x2  }
0x181: {  	s19 =	sor.u32 s6, s5;
	v8 =	vadd.f32 $9.999999930e-09, v8  }
0x182: {  	v9 =	vld [tilespmem:s19+$0x9000]  }
0x183: {  	(erf) = vrcp.f32 v8;
	_ =	sdelay $0x3  }
0x184: {  	v8 =	vmax.f32 v9, $0.0e+00  }
0x185: {  	[tilespmem:v3+s28+$0x0] =	vst.idx.msk vm0, v8  }
0x186: {  	v8 =	vld [tilespmem:s19+$0x9080];
	_ =	sdelay $0x2  }
0x187: {  	v9 =	vld [tilespmem:s19+$0x9100];
	v10 =	vpop (erf)  }
0x188: {  	v6 =	vmul.f32 v10, v6;
	v7 =	vmul.f32 v10, v7;
	v11 =	vld [tilespmem:s19+$0x9180]  }
0x189: {  	v5 =	vmul.f32 v10, v5;
	v8 =	vmul.f32 $2.820948060e-01, v8  }
0x18a: {  	v10 =	vmul.f32 $-4.886025190e-01, v6;
	v12 =	vmul.f32 $-1.092548490e+00, v6;
	v13 =	vadd.f32 v7, v7;
	v14 =	vld [tilespmem:s19+$0x9200]  }
0x18b: {  	v15 =	vmul.f32 $4.886025190e-01, v7;
	v16 =	vmul.f32 $-4.886025190e-01, v5  }
0x18c: {  	v17 =	vmul.f32 v5, v5;
	v9 =	vmul.f32 v10, v9  }
0x18d: {  	v13 =	vmul.f32 v13, v7;
	v11 =	vmul.f32 v15, v11;
	v18 =	vld [tilespmem:s19+$0x9280]  }
0x18e: {  	v19 =	vmul.f32 $1.092548490e+00, v5;
	v12 =	vmul.f32 v12, v7;
	v8 =	vadd.f32 v9, v8  }
0x18f: {  	v9 =	vsub.f32 v13, v17;
	v13 =	vmul.f32 v6, v6;
	v14 =	vmul.f32 v16, v14;
	v20 =	vld [tilespmem:s19+$0x9300]  }
0x190: {  	v5 =	vmul.f32 $-1.092548490e+00, v5;
	v6 =	vmul.f32 v19, v6;
	v8 =	vadd.f32 v8, v11  }
0x191: {  	v9 =	vsub.f32 v9, v13;
	v11 =	vsub.f32 v17, v13;
	v13 =	vld [tilespmem:s19+$0x9380]  }
0x192: {  	v5 =	vmul.f32 v5, v7;
	v7 =	vadd.f32 v8, v14;
	v8 =	vmul.f32 v6, v18  }
0x193: {  	v9 =	vmul.f32 $3.153915700e-01, v9;
	v11 =	vmul.f32 $5.462742450e-01, v11;
	v14 =	vld [tilespmem:s19+$0x9400]  }
0x194: {  	v7 =	vadd.f32 v7, v8;
	v8 =	vmul.f32 v12, v20  }
0x195: {  	v17 =	vld [tilespmem:s19+$0x9480]  }
0x196: {  	v7 =	vadd.f32 v7, v8;
	v8 =	vmul.f32 v9, v13;
	_ =	sdelay $0x1  }
0x197: {  	v7 =	vadd.f32 v7, v8;
	v8 =	vmul.f32 v5, v14;
	_ =	sdelay $0x1  }
0x198: {  	v7 =	vadd.f32 v7, v8;
	v8 =	vmul.f32 v11, v17;
	_ =	sdelay $0x1  }
0x199: {  	v7 =	vadd.f32 v7, v8;
	_ =	sdelay $0x1  }
0x19a: {  	[tilespmem:v3+s29+$0x0] =	vst.idx.msk vm0, v7  }
0x19b: {  	v7 =	vld [tilespmem:s19+$0x9500]  }
0x19c: {  	v8 =	vld [tilespmem:s19+$0x9580];
	_ =	sdelay $0x1  }
0x19d: {  	v13 =	vld [tilespmem:s19+$0x9600];
	_ =	sdelay $0x1  }
0x19e: {  	v14 =	vld [tilespmem:s19+$0x9680]  }
0x19f: {  	v7 =	vmul.f32 $2.820948060e-01, v7;
	v8 =	vmul.f32 v10, v8  }
0x1a0: {  	v17 =	vld [tilespmem:s19+$0x9700]  }
0x1a1: {  	v7 =	vadd.f32 v8, v7;
	v8 =	vmul.f32 v15, v13  }
0x1a2: {  	v13 =	vld [tilespmem:s19+$0x9780]  }
0x1a3: {  	v7 =	vadd.f32 v7, v8;
	v8 =	vmul.f32 v16, v14  }
0x1a4: {  	v14 =	vld [tilespmem:s19+$0x9800]  }
0x1a5: {  	v7 =	vadd.f32 v7, v8;
	v8 =	vmul.f32 v6, v17  }
0x1a6: {  	v17 =	vld [tilespmem:s19+$0x9880]  }
0x1a7: {  	v7 =	vadd.f32 v7, v8;
	v8 =	vmul.f32 v12, v13  }
0x1a8: {  	v13 =	vld [tilespmem:s19+$0x9900]  }
0x1a9: {  	v7 =	vadd.f32 v7, v8;
	v8 =	vmul.f32 v9, v14;
	_ =	sdelay $0x1  }
0x1aa: {  	v7 =	vadd.f32 v7, v8;
	v8 =	vmul.f32 v5, v17;
	_ =	sdelay $0x1  }
0x1ab: {  	v7 =	vadd.f32 v7, v8;
	v8 =	vmul.f32 v11, v13;
	_ =	sdelay $0x1  }
0x1ac: {  	v7 =	vadd.f32 v7, v8;
	_ =	sdelay $0x1  }
0x1ad: {  	[tilespmem:v3+s30+$0x0] =	vst.idx.msk vm0, v7  }
0x1ae: {  	v7 =	vld [tilespmem:s19+$0x9980]  }
0x1af: {  	v8 =	vld [tilespmem:s19+$0x9A00]  }
0x1b0: {  	v13 =	vld [tilespmem:s19+$0x9A80]  }
0x1b1: {  	v14 =	vld [tilespmem:s19+$0x9B00]  }
0x1b2: {  	v17 =	vld [tilespmem:s19+$0x9B80]  }
0x1b3: {  	v7 =	vmul.f32 $2.820948060e-01, v7;
	v18 =	vld [tilespmem:s19+$0x9C00]  }
0x1b4: {  	v8 =	vmul.f32 v10, v8;
	v10 =	vld [tilespmem:s19+$0x9C80]  }
0x1b5: {  	v13 =	vmul.f32 v13, v15;
	v15 =	vld [tilespmem:s19+$0x9D00]  }
0x1b6: {  	v7 =	vadd.f32 v8, v7;
	v8 =	vmul.f32 v14, v16;
	v14 =	vld [tilespmem:s19+$0x9D80]  }
0x1b7: {  	v6 =	vmul.f32 v17, v6  }
0x1b8: {  	v7 =	vadd.f32 v13, v7;
	v12 =	vmul.f32 v18, v12  }
0x1b9: {  	v9 =	vmul.f32 v10, v9  }
0x1ba: {  	v7 =	vadd.f32 v8, v7;
	v8 =	vmul.f32 v15, v5  }
0x1bb: {  	v5 =	vmul.f32 v14, v11  }
0x1bc: {  	v6 =	vadd.f32 v6, v7;
	_ =	sdelay $0x1  }
.Ltmp15:
0x1bd: {  	v6 =	vadd.f32 v12, v6;
	(pc) =	sbr.rel @p0 .LBB2_18-.Ltmp15, $3  }
0x1be: {  	_ = 	snop  }
0x1bf: {  	v6 =	vadd.f32 v9, v6;
	_ =	sdelay $0x1  }
0x1c0: {  	v6 =	vadd.f32 v8, v6  }
.Ltmp16:
0x1c1: {  	_ = 	snop;
	(pc) =	sbr.rel .LBB2_19-.Ltmp16, $1  }
0x1c2: {  	_ =	sdelay $0x3  }
.LBB2_22:
0x1c3: {  	_ =	sfence.sel $0x180000  }
0x1c4: {  	[bflag:$0x0] =	sbarrier.arrive $0xFFFF  }
0x1c5: {  	_ =	strace $0x90000047  }
0x1c6: {  	s0 =	stileid.u32;
	[bflag:$0x2] =	sbarrier.arrive $0xFFFF  }
0x1c7: {  	p0 =	sne.s32 s0, $0x0;
	s0 =	rddreg [dreg:$0x4]  }
0x1c8: {  	s0 =	sadd.s32 @!p0 $0x100000, s0  }
0x1c9: {  	[sflag:s0] =	ssyncadd.tile.s32 @!p0 $0x1;
	_ =	shalt  }
.Lfunc_end2:
_tile_overlayer_lowered:
.L_overlay_start_2:
0x1ca: {  	(tag) =	ssettag $0x2  }
0x1cb: {  	s0 =	rddreg [dreg:$0x0];
	s2 =	stileid.u32  }
0x1cc: {  	s1 =	rddreg [dreg:$0x1];
	p0 =	sne.s32 s2, $0x0  }
0x1cd: {  	s3 =	rddreg [dreg:$0x2];
	[bflag:$0x3] =	sbarrier.arrive $0xFFFF;
	s2 =	simm.s32 @!p0 $0x1C02  }
0x1ce: {  	[timem:s3], [sflag:s2] =	dma.local @!p0 [hbm:s0], s1  }
0x1cf: {  	s0 =	simm.s32 @!p0 $0x2  }
0x1d0: {  	_ =	swait.ge @!p0 [sflag:s0], s1  }
0x1d1: {  	s1 =	ssub.s32 @!p0 $0x0, s1;
	[sflag:s0] =	ssyncset.done @!p0 $0x0  }
0x1d2: {  	[sflag:s0] =	ssyncadd.s32 @!p0 s1  }
0x1d3: {  	[bflag:$0x3] =	sbarrier.arrive $0xFFFF  }
0x1d4: {  	_ =	shalt  }

</sc_bundles>
